<compile_context>
chip_gen: v7x
topology: tpu7x:2x2x1
jax: 0.10.2.dev20260603
libtpu: 0.0.44.dev20260713+nightly
codegen_flags: <defaults>
</compile_context>

<pallas_src>
import functools

import jax
import jax.numpy as jnp
from jax import lax
from jax.experimental import pallas as pl
from jax.experimental.pallas import tpu as pltpu
from jax.experimental.pallas import tpu_sc as plsc

N_NODES = 10000
NP = 10240
N_EDGES = 320000
NC = 2
NS = 16
NW = NC * NS
CHUNK = 128
NCHUNKS = N_EDGES // CHUNK
RPT = NP // NS


def _sc_mesh():
    return plsc.VectorSubcoreMesh(
        core_axis_name="c", subcore_axis_name="s", num_cores=NC,
        num_subcores=NS)


def _ids():
    cid = lax.axis_index("c")
    sid = lax.axis_index("s")
    return cid * NS + sid, cid, sid


def _nchunks_for(wid):
    return (NCHUNKS - wid + NW - 1) // NW


def _sc_degrees(src, dst, zeros_np):
    @functools.partial(
        pl.kernel,
        out_type=tuple(
            jax.ShapeDtypeStruct((NP,), jnp.float32) for _ in range(4)),
        mesh=_sc_mesh(),
        scratch_types=[
            pltpu.VMEM((CHUNK,), jnp.int32),
            pltpu.VMEM((CHUNK,), jnp.int32),
            pltpu.VMEM((CHUNK,), jnp.float32),
            pltpu.VMEM_SHARED((NP,), jnp.float32),
            pltpu.VMEM_SHARED((NP,), jnp.float32),
        ],
    )
    def deg_kernel(src_hbm, dst_hbm, zeros_hbm,
                   o0_hbm, i0_hbm, o1_hbm, i1_hbm,
                   sidx, didx, ones_v, acc_out, acc_in):
        wid, cid, sid = _ids()

        for k in range(CHUNK // 16):
            ones_v[pl.ds(k * 16, 16)] = jnp.ones((16,), jnp.float32)

        r0 = sid * RPT
        pltpu.sync_copy(zeros_hbm.at[pl.ds(r0, RPT)], acc_out.at[pl.ds(r0, RPT)])
        pltpu.sync_copy(zeros_hbm.at[pl.ds(r0, RPT)], acc_in.at[pl.ds(r0, RPT)])
        plsc.subcore_barrier()

        def body(i, carry):
            base = (wid + NW * i) * CHUNK
            pltpu.sync_copy(src_hbm.at[pl.ds(base, CHUNK)], sidx)
            pltpu.sync_copy(dst_hbm.at[pl.ds(base, CHUNK)], didx)
            pltpu.sync_copy(ones_v, acc_out.at[sidx], add=True)
            pltpu.sync_copy(ones_v, acc_in.at[didx], add=True)
            return carry

        lax.fori_loop(0, _nchunks_for(wid), body, 0)
        plsc.subcore_barrier()

        @pl.when(cid == 0)
        def _():
            pltpu.sync_copy(acc_out.at[pl.ds(r0, RPT)], o0_hbm.at[pl.ds(r0, RPT)])
            pltpu.sync_copy(acc_in.at[pl.ds(r0, RPT)], i0_hbm.at[pl.ds(r0, RPT)])

        @pl.when(cid == 1)
        def _():
            pltpu.sync_copy(acc_out.at[pl.ds(r0, RPT)], o1_hbm.at[pl.ds(r0, RPT)])
            pltpu.sync_copy(acc_in.at[pl.ds(r0, RPT)], i1_hbm.at[pl.ds(r0, RPT)])

    return deg_kernel(src, dst, zeros_np)


NLANE = 3
ECHUNK = 120
ECH = 2688
PC = ECH // NW
TRASH = NP
NPA = NP + 8


def _sc_gather_scatter(hs, idx3, zeros_npf, feat):
    @functools.partial(
        pl.kernel,
        out_type=tuple(
            jax.ShapeDtypeStruct((NP, feat), jnp.float32) for _ in range(2)),
        mesh=_sc_mesh(),
        scratch_types=(
            [pltpu.VMEM((2, ECHUNK), jnp.int32) for _ in range(NLANE)]
            + [pltpu.VMEM((ECHUNK, feat), jnp.float32) for _ in range(NLANE)]
            + [pltpu.VMEM_SHARED((NPA, feat), jnp.float32)]
            + [pltpu.SemaphoreType.DMA for _ in range(NLANE)]
        ),
    )
    def edge_kernel(hs_hbm, idx3_hbm, zeros_hbm,
                    out0_hbm, out1_hbm, *refs):
        idxs = refs[:NLANE]
        rows = refs[NLANE:2 * NLANE]
        acc = refs[2 * NLANE]
        sems = refs[2 * NLANE + 1:2 * NLANE + 1 + NLANE]
        wid, cid, sid = _ids()

        r0 = sid * RPT
        pltpu.sync_copy(zeros_hbm.at[pl.ds(r0, RPT)], acc.at[pl.ds(r0, RPT)])
        plsc.subcore_barrier()

        def body(i, carry):
            cps = []
            for j in range(NLANE):
                pltpu.sync_copy(
                    idx3_hbm.at[wid + NW * (NLANE * i + j)], idxs[j])
                cps.append(pltpu.async_copy(
                    hs_hbm.at[idxs[j].at[0]], rows[j], sems[j]))
            for j in range(NLANE):
                cps[j].wait()
                pltpu.sync_copy(rows[j], acc.at[idxs[j].at[1]], add=True)
            return carry

        lax.fori_loop(0, PC // NLANE, body, 0)
        plsc.subcore_barrier()

        @pl.when(cid == 0)
        def _():
            pltpu.sync_copy(acc.at[pl.ds(r0, RPT)], out0_hbm.at[pl.ds(r0, RPT)])

        @pl.when(cid == 1)
        def _():
            pltpu.sync_copy(acc.at[pl.ds(r0, RPT)], out1_hbm.at[pl.ds(r0, RPT)])

    return edge_kernel(hs, idx3, zeros_npf)


_BM = 1000


def _tc_matmul_srcnorm(x, w, degp_out):
    fin = x.shape[1]
    fout = w.shape[1]

    def body(x_ref, w_ref, dp_ref, o_ref):
        deg = dp_ref[:, 0] + dp_ref[:, 1]
        norm = jnp.where(deg > 0, lax.rsqrt(deg), 0.0)
        acc = jnp.dot(x_ref[...], w_ref[...],
                      preferred_element_type=jnp.float32)
        o_ref[...] = acc * norm[:, None]

    return pl.pallas_call(
        body,
        grid=(N_NODES // _BM,),
        in_specs=[
            pl.BlockSpec((_BM, fin), lambda i: (i, 0)),
            pl.BlockSpec((fin, fout), lambda i: (0, 0)),
            pl.BlockSpec((_BM, NC), lambda i: (i, 0)),
        ],
        out_specs=pl.BlockSpec((_BM, fout), lambda i: (i, 0)),
        out_shape=jax.ShapeDtypeStruct((N_NODES, fout), jnp.float32),
    )(x, w, degp_out)


def _tc_combine(agg0, agg1, degp_in, b):
    feat = agg0.shape[1]

    def body(a0_ref, a1_ref, dp_ref, b_ref, o_ref):
        agg = a0_ref[...] + a1_ref[...]
        deg = dp_ref[:, 0] + dp_ref[:, 1]
        norm = jnp.where(deg > 0, lax.rsqrt(deg), 0.0)
        o_ref[...] = agg * norm[:, None] + b_ref[...][None, :]

    return pl.pallas_call(
        body,
        grid=(N_NODES // _BM,),
        in_specs=[
            pl.BlockSpec((_BM, feat), lambda i: (i, 0)),
            pl.BlockSpec((_BM, feat), lambda i: (i, 0)),
            pl.BlockSpec((_BM, NC), lambda i: (i, 0)),
            pl.BlockSpec((feat,), lambda i: (0,)),
        ],
        out_specs=pl.BlockSpec((_BM, feat), lambda i: (i, 0)),
        out_shape=jax.ShapeDtypeStruct((N_NODES, feat), jnp.float32),
    )(agg0, agg1, degp_in, b)


def kernel(features, edge_index, W1, b1, W2, b2, W3, b3):
    src = edge_index[0].astype(jnp.int32)
    dst = edge_index[1].astype(jnp.int32)

    zeros_np = jnp.zeros((NP,), jnp.float32)
    o0, i0, o1, i1 = _sc_degrees(src, dst, zeros_np)
    degp_out = jnp.stack([o0[:N_NODES], o1[:N_NODES]], axis=1)
    degp_in = jnp.stack([i0[:N_NODES], i1[:N_NODES]], axis=1)

    nfake = ECH * ECHUNK - N_EDGES
    srcp = jnp.concatenate([src, jnp.zeros((nfake,), jnp.int32)])
    dstp = jnp.concatenate([dst, jnp.full((nfake,), TRASH, jnp.int32)])
    idx3 = jnp.stack([srcp.reshape(ECH, ECHUNK), dstp.reshape(ECH, ECHUNK)],
                     axis=1)

    w3p = jnp.zeros((W3.shape[0], 128), jnp.float32).at[:, :40].set(W3)
    b3p = jnp.zeros((128,), jnp.float32).at[:40].set(b3)

    zeros128 = jnp.zeros((NP, 128), jnp.float32)

    h = features
    for w, b, zf in ((W1, b1, zeros128),
                     (W2, b2, zeros128),
                     (w3p, b3p, zeros128)):
        hs = _tc_matmul_srcnorm(h, w, degp_out)
        a0, a1 = _sc_gather_scatter(hs, idx3, zf, w.shape[1])
        h = _tc_combine(a0[:N_NODES], a1[:N_NODES], degp_in, b)

    return h[:, :40]

# --- scband reference (transcript-rebuilt; emitter-appended) ---
"""Pipeline reference for scband-gcn-70712341562133 (READ-ONLY COPY).

The authoritative reference and input builder live on the scoring server;
editing this copy changes nothing except your own understanding.
"""

import jax, jax.numpy as jnp
import numpy as np

N_NODES = 10000
N_EDGES = 320000
IN_FEATS = 128
N_HIDDEN = 128
N_CLASSES = 40


def _gcn_layer(x, W, b, src, dst, n):
    # DGL GraphConv with norm='both':
    # h = D_dst^{-1/2} * A @ (D_src^{-1/2} * (x W)) + b
    ones = jnp.ones((src.shape[0],), dtype=x.dtype)
    deg_out = jax.ops.segment_sum(ones, src, num_segments=n)
    deg_in = jax.ops.segment_sum(ones, dst, num_segments=n)
    norm_src = jnp.where(deg_out > 0, deg_out ** -0.5, 0.0)
    norm_dst = jnp.where(deg_in > 0, deg_in ** -0.5, 0.0)
    h = x @ W
    h = h * norm_src[:, None]
    msg = jnp.take(h, src, axis=0)
    agg = jax.ops.segment_sum(msg, dst, num_segments=n)
    out = agg * norm_dst[:, None] + b
    return out


def setup_inputs(seed: int = 0) -> dict:
    key = jax.random.key(seed)
    k1, k2, k3, k4, k5 = jax.random.split(key, 5)
    features = jax.random.normal(k1, (N_NODES, IN_FEATS), dtype=jnp.float32)
    edge_index = jax.random.randint(k2, (2, N_EDGES), 0, N_NODES, dtype=jnp.int64)
    s = (6.0 / (IN_FEATS + N_HIDDEN)) ** 0.5
    W1 = jax.random.uniform(k3, (IN_FEATS, N_HIDDEN), dtype=jnp.float32, minval=-s, maxval=s)
    b1 = jnp.zeros((N_HIDDEN,), dtype=jnp.float32)
    s2 = (6.0 / (N_HIDDEN + N_HIDDEN)) ** 0.5
    W2 = jax.random.uniform(k4, (N_HIDDEN, N_HIDDEN), dtype=jnp.float32, minval=-s2, maxval=s2)
    b2 = jnp.zeros((N_HIDDEN,), dtype=jnp.float32)
    s3 = (6.0 / (N_HIDDEN + N_CLASSES)) ** 0.5
    W3 = jax.random.uniform(k5, (N_HIDDEN, N_CLASSES), dtype=jnp.float32, minval=-s3, maxval=s3)
    b3 = jnp.zeros((N_CLASSES,), dtype=jnp.float32)
    return {"features": features, "edge_index": edge_index, "W1": W1, "b1": b1, "W2": W2, "b2": b2, "W3": W3, "b3": b3}


def reference(features, edge_index, W1, b1, W2, b2, W3, b3):
    src = edge_index[0]
    dst = edge_index[1]
    n = features.shape[0]
    h = features
    h = _gcn_layer(h, W1, b1, src, dst, n)
    h = _gcn_layer(h, W2, b2, src, dst, n)
    h = _gcn_layer(h, W3, b3, src, dst, n)
    return h

if __name__ == "__main__":
    import jax
    _d = setup_inputs()
    print(jax.jit(kernel)(*tuple(_d.values())))

</pallas_src>

<mosaic_0001>
#map = affine_map<(d0, d1) -> (0)>
module attributes {stable_mosaic.version = 14 : i64} {
  func.func @deg_kernel(%arg0: i32, %arg1: i32, %arg2: memref<320000xi32, #tpu.memory_space<hbm>>, %arg3: memref<320000xi32, #tpu.memory_space<hbm>>, %arg4: memref<10240xf32, #tpu.memory_space<hbm>>, %arg5: memref<10240xf32, #tpu.memory_space<hbm>>, %arg6: memref<10240xf32, #tpu.memory_space<hbm>>, %arg7: memref<10240xf32, #tpu.memory_space<hbm>>, %arg8: memref<10240xf32, #tpu.memory_space<hbm>>, %arg9: memref<128xi32, #tpu.memory_space<vmem>>, %arg10: memref<128xi32, #tpu.memory_space<vmem>>, %arg11: memref<128xf32, #tpu.memory_space<vmem>>, %arg12: memref<10240xf32, #tpu.memory_space<vmem_shared>>, %arg13: memref<10240xf32, #tpu.memory_space<vmem_shared>>) attributes {dimension_semantics = [#tpu.dimension_semantics<core_parallel>, #tpu.dimension_semantics<subcore_parallel>], iteration_bounds = array<i64: 2, 16>, scalar_prefetch = 0 : i64, scratch_operands = 5 : i64, tpu.core_type = #tpu.core_type<sc_vector_subcore>, window_params = [{transform_indices = #map}, {transform_indices = #map}, {transform_indices = #map}, {transform_indices = #map}, {transform_indices = #map}, {transform_indices = #map}, {transform_indices = #map}]} {
    %mul3A = arith.constant 16 : i32
    %mul3A_0 = arith.muli %arg0, %mul3A : i32
    %add3A = arith.addi %mul3A_0, %arg1 : i32
    %broadcast_in_dim3A = arith.constant 1.000000e+00 : f32
    %broadcast_in_dim3A_1 = vector.broadcast %broadcast_in_dim3A : f32 to vector<16xf32>
    %swap3A = arith.constant 0 : index
    %swap3A_2 = tpu.vector_load %arg11[%swap3A] {strides = array<i32>} : memref<128xf32, #tpu.memory_space<vmem>>, vector<16xf32>,
    %swap3A_3 = vector.shape_cast %swap3A_2 : vector<16xf32> to vector<16xf32>
    %swap3A_4 = vector.shape_cast %broadcast_in_dim3A_1 : vector<16xf32> to vector<16xf32>
    tpu.vector_store %arg11[%swap3A], %swap3A_4 {strides = array<i32>} : memref<128xf32, #tpu.memory_space<vmem>>, vector<16xf32>,
    %broadcast_in_dim3A_5 = arith.constant 1.000000e+00 : f32
    %broadcast_in_dim3A_6 = vector.broadcast %broadcast_in_dim3A_5 : f32 to vector<16xf32>
    %swap3A_7 = arith.constant 16 : index
    %swap3A_8 = tpu.vector_load %arg11[%swap3A_7] {strides = array<i32>} : memref<128xf32, #tpu.memory_space<vmem>>, vector<16xf32>,
    %swap3A_9 = vector.shape_cast %swap3A_8 : vector<16xf32> to vector<16xf32>
    %swap3A_10 = vector.shape_cast %broadcast_in_dim3A_6 : vector<16xf32> to vector<16xf32>
    tpu.vector_store %arg11[%swap3A_7], %swap3A_10 {strides = array<i32>} : memref<128xf32, #tpu.memory_space<vmem>>, vector<16xf32>,
    %broadcast_in_dim3A_11 = arith.constant 1.000000e+00 : f32
    %broadcast_in_dim3A_12 = vector.broadcast %broadcast_in_dim3A_11 : f32 to vector<16xf32>
    %swap3A_13 = arith.constant 32 : index
    %swap3A_14 = tpu.vector_load %arg11[%swap3A_13] {strides = array<i32>} : memref<128xf32, #tpu.memory_space<vmem>>, vector<16xf32>,
    %swap3A_15 = vector.shape_cast %swap3A_14 : vector<16xf32> to vector<16xf32>
    %swap3A_16 = vector.shape_cast %broadcast_in_dim3A_12 : vector<16xf32> to vector<16xf32>
    tpu.vector_store %arg11[%swap3A_13], %swap3A_16 {strides = array<i32>} : memref<128xf32, #tpu.memory_space<vmem>>, vector<16xf32>,
    %broadcast_in_dim3A_17 = arith.constant 1.000000e+00 : f32
    %broadcast_in_dim3A_18 = vector.broadcast %broadcast_in_dim3A_17 : f32 to vector<16xf32>
    %swap3A_19 = arith.constant 48 : index
    %swap3A_20 = tpu.vector_load %arg11[%swap3A_19] {strides = array<i32>} : memref<128xf32, #tpu.memory_space<vmem>>, vector<16xf32>,
    %swap3A_21 = vector.shape_cast %swap3A_20 : vector<16xf32> to vector<16xf32>
    %swap3A_22 = vector.shape_cast %broadcast_in_dim3A_18 : vector<16xf32> to vector<16xf32>
    tpu.vector_store %arg11[%swap3A_19], %swap3A_22 {strides = array<i32>} : memref<128xf32, #tpu.memory_space<vmem>>, vector<16xf32>,
    %broadcast_in_dim3A_23 = arith.constant 1.000000e+00 : f32
    %broadcast_in_dim3A_24 = vector.broadcast %broadcast_in_dim3A_23 : f32 to vector<16xf32>
    %swap3A_25 = arith.constant 64 : index
    %swap3A_26 = tpu.vector_load %arg11[%swap3A_25] {strides = array<i32>} : memref<128xf32, #tpu.memory_space<vmem>>, vector<16xf32>,
    %swap3A_27 = vector.shape_cast %swap3A_26 : vector<16xf32> to vector<16xf32>
    %swap3A_28 = vector.shape_cast %broadcast_in_dim3A_24 : vector<16xf32> to vector<16xf32>
    tpu.vector_store %arg11[%swap3A_25], %swap3A_28 {strides = array<i32>} : memref<128xf32, #tpu.memory_space<vmem>>, vector<16xf32>,
    %broadcast_in_dim3A_29 = arith.constant 1.000000e+00 : f32
    %broadcast_in_dim3A_30 = vector.broadcast %broadcast_in_dim3A_29 : f32 to vector<16xf32>
    %swap3A_31 = arith.constant 80 : index
    %swap3A_32 = tpu.vector_load %arg11[%swap3A_31] {strides = array<i32>} : memref<128xf32, #tpu.memory_space<vmem>>, vector<16xf32>,
    %swap3A_33 = vector.shape_cast %swap3A_32 : vector<16xf32> to vector<16xf32>
    %swap3A_34 = vector.shape_cast %broadcast_in_dim3A_30 : vector<16xf32> to vector<16xf32>
    tpu.vector_store %arg11[%swap3A_31], %swap3A_34 {strides = array<i32>} : memref<128xf32, #tpu.memory_space<vmem>>, vector<16xf32>,
    %broadcast_in_dim3A_35 = arith.constant 1.000000e+00 : f32
    %broadcast_in_dim3A_36 = vector.broadcast %broadcast_in_dim3A_35 : f32 to vector<16xf32>
    %swap3A_37 = arith.constant 96 : index
    %swap3A_38 = tpu.vector_load %arg11[%swap3A_37] {strides = array<i32>} : memref<128xf32, #tpu.memory_space<vmem>>, vector<16xf32>,
    %swap3A_39 = vector.shape_cast %swap3A_38 : vector<16xf32> to vector<16xf32>
    %swap3A_40 = vector.shape_cast %broadcast_in_dim3A_36 : vector<16xf32> to vector<16xf32>
    tpu.vector_store %arg11[%swap3A_37], %swap3A_40 {strides = array<i32>} : memref<128xf32, #tpu.memory_space<vmem>>, vector<16xf32>,
    %broadcast_in_dim3A_41 = arith.constant 1.000000e+00 : f32
    %broadcast_in_dim3A_42 = vector.broadcast %broadcast_in_dim3A_41 : f32 to vector<16xf32>
    %swap3A_43 = arith.constant 112 : index
    %swap3A_44 = tpu.vector_load %arg11[%swap3A_43] {strides = array<i32>} : memref<128xf32, #tpu.memory_space<vmem>>, vector<16xf32>,
    %swap3A_45 = vector.shape_cast %swap3A_44 : vector<16xf32> to vector<16xf32>
    %swap3A_46 = vector.shape_cast %broadcast_in_dim3A_42 : vector<16xf32> to vector<16xf32>
    tpu.vector_store %arg11[%swap3A_43], %swap3A_46 {strides = array<i32>} : memref<128xf32, #tpu.memory_space<vmem>>, vector<16xf32>,
    %mul3A_47 = arith.constant 640 : i32
    %mul3A_48 = arith.muli %arg1, %mul3A_47 : i32
    "tpu.region"() ({
      %run_scoped3A = tpu.sem_alloc : memref<!tpu.dma_semaphore, #tpu.memory_space<semaphore_mem>>
      %dma_start3A = tpu.memref_slice %arg12[%mul3A_48] : memref<10240xf32, #tpu.memory_space<vmem_shared>> -> memref<640xf32, #tpu.memory_space<vmem_shared>>
      %dma_start3A_88 = tpu.memref_slice %arg4[%mul3A_48] : memref<10240xf32, #tpu.memory_space<hbm>> -> memref<640xf32, #tpu.memory_space<hbm>>
      tpu.enqueue_dma source(%dma_start3A_88 : memref<640xf32, #tpu.memory_space<hbm>>) target(%dma_start3A : memref<640xf32, #tpu.memory_space<vmem_shared>>) target_semaphore(%run_scoped3A : memref<!tpu.dma_semaphore, #tpu.memory_space<semaphore_mem>>)
      %dma_wait3A = tpu.memref_slice %arg12[%mul3A_48] : memref<10240xf32, #tpu.memory_space<vmem_shared>> -> memref<640xf32, #tpu.memory_space<vmem_shared>>
      %dma_wait3A_89 = tpu.memref_slice %arg4[%mul3A_48] : memref<10240xf32, #tpu.memory_space<hbm>> -> memref<640xf32, #tpu.memory_space<hbm>>
      tpu.wait_dma2 semaphore(%run_scoped3A : memref<!tpu.dma_semaphore, #tpu.memory_space<semaphore_mem>>) src(%dma_wait3A_89 : memref<640xf32, #tpu.memory_space<hbm>>) dst(%dma_wait3A : memref<640xf32, #tpu.memory_space<vmem_shared>>)
      tpu.yield
    }) : () -> ()
    "tpu.region"() ({
      %run_scoped3A = tpu.sem_alloc : memref<!tpu.dma_semaphore, #tpu.memory_space<semaphore_mem>>
      %dma_start3A = tpu.memref_slice %arg13[%mul3A_48] : memref<10240xf32, #tpu.memory_space<vmem_shared>> -> memref<640xf32, #tpu.memory_space<vmem_shared>>
      %dma_start3A_88 = tpu.memref_slice %arg4[%mul3A_48] : memref<10240xf32, #tpu.memory_space<hbm>> -> memref<640xf32, #tpu.memory_space<hbm>>
      tpu.enqueue_dma source(%dma_start3A_88 : memref<640xf32, #tpu.memory_space<hbm>>) target(%dma_start3A : memref<640xf32, #tpu.memory_space<vmem_shared>>) target_semaphore(%run_scoped3A : memref<!tpu.dma_semaphore, #tpu.memory_space<semaphore_mem>>)
      %dma_wait3A = tpu.memref_slice %arg13[%mul3A_48] : memref<10240xf32, #tpu.memory_space<vmem_shared>> -> memref<640xf32, #tpu.memory_space<vmem_shared>>
      %dma_wait3A_89 = tpu.memref_slice %arg4[%mul3A_48] : memref<10240xf32, #tpu.memory_space<hbm>> -> memref<640xf32, #tpu.memory_space<hbm>>
      tpu.wait_dma2 semaphore(%run_scoped3A : memref<!tpu.dma_semaphore, #tpu.memory_space<semaphore_mem>>) src(%dma_wait3A_89 : memref<640xf32, #tpu.memory_space<hbm>>) dst(%dma_wait3A : memref<640xf32, #tpu.memory_space<vmem_shared>>)
      tpu.yield
    }) : () -> ()
    %barrier3A = arith.constant 0 : index
    tpu.barrier barrier_id(%barrier3A)
    %sub3A = arith.constant 2500 : i32
    %sub3A_49 = arith.subi %sub3A, %add3A : i32
    %add3A_50 = arith.constant 32 : i32
    %add3A_51 = arith.addi %sub3A_49, %add3A_50 : i32
    %sub3A_52 = arith.constant 1 : i32
    %sub3A_53 = arith.subi %add3A_51, %sub3A_52 : i32
    %jit3A = arith.constant 32 : i32
    %div3A = arith.divsi %sub3A_53, %jit3A : i32
    %sign3A = arith.constant 0 : i32
    %sign3A_54 = arith.cmpi sgt, %sub3A_53, %sign3A : i32
    %sign3A_55 = arith.extui %sign3A_54 : i1 to i32
    %sign3A_56 = arith.constant 0 : i32
    %sign3A_57 = arith.cmpi slt, %sub3A_53, %sign3A_56 : i32
    %sign3A_58 = arith.extui %sign3A_57 : i1 to i32
    %sign3A_59 = arith.subi %sign3A_55, %sign3A_58 : i32
    %sign3A_60 = arith.constant 0 : i32
    %sign3A_61 = arith.cmpi sgt, %jit3A, %sign3A_60 : i32
    %sign3A_62 = arith.extui %sign3A_61 : i1 to i32
    %sign3A_63 = arith.constant 0 : i32
    %sign3A_64 = arith.cmpi slt, %jit3A, %sign3A_63 : i32
    %sign3A_65 = arith.extui %sign3A_64 : i1 to i32
    %sign3A_66 = arith.subi %sign3A_62, %sign3A_65 : i32
    %ne3A = arith.cmpi ne, %sign3A_59, %sign3A_66 : i32
    %rem3A = arith.remsi %sub3A_53, %jit3A : i32
    %ne3A_67 = arith.constant 0 : i32
    %ne3A_68 = arith.cmpi ne, %rem3A, %ne3A_67 : i32
    %and3A = arith.andi %ne3A, %ne3A_68 : i1
    %sub3A_69 = arith.constant 1 : i32
    %sub3A_70 = arith.subi %div3A, %sub3A_69 : i32
    %select_n3A = arith.select %and3A, %sub3A_70, %div3A : i32
    %while3A = arith.constant 0 : i32
    %while3A_71 = arith.constant 0 : i32
    %while3A_72 = arith.subi %select_n3A, %while3A_71 : i32
    %while3A_73 = arith.addi %while3A_71, %while3A_72 : i32
    %while3A_74 = arith.constant 1 : i32
    %while3A_75 = arith.divsi %while3A_72, %while3A_74 : i32
    %while3A_76 = arith.muli %while3A_75, %while3A_74 : i32
    %while3A_77 = arith.addi %while3A_71, %while3A_76 : i32
    %while3A_78 = arith.constant 1 : i32
    scf.for %while3A_88 = %while3A_71 to %while3A_77 step %while3A_78  : i32 {
      %mul3A_89 = arith.constant 32 : i32
      %mul3A_90 = arith.muli %mul3A_89, %while3A_88 : i32
      %add3A_91 = arith.addi %add3A, %mul3A_90 : i32
      %mul3A_92 = arith.constant 128 : i32
      %mul3A_93 = arith.muli %add3A_91, %mul3A_92 : i32
      "tpu.region"() ({
        %run_scoped3A = tpu.sem_alloc : memref<!tpu.dma_semaphore, #tpu.memory_space<semaphore_mem>>
        %dma_start3A = tpu.memref_slice %arg2[%mul3A_93] : memref<320000xi32, #tpu.memory_space<hbm>> -> memref<128xi32, #tpu.memory_space<hbm>>
        %dma_start3A_94 = tpu.memref_slice %arg2[%mul3A_93] : memref<320000xi32, #tpu.memory_space<hbm>> -> memref<128xi32, #tpu.memory_space<hbm>>
        tpu.enqueue_dma source(%dma_start3A_94 : memref<128xi32, #tpu.memory_space<hbm>>) target(%arg9 : memref<128xi32, #tpu.memory_space<vmem>>) target_semaphore(%run_scoped3A : memref<!tpu.dma_semaphore, #tpu.memory_space<semaphore_mem>>)
        %dma_wait3A = tpu.memref_slice %arg2[%mul3A_93] : memref<320000xi32, #tpu.memory_space<hbm>> -> memref<128xi32, #tpu.memory_space<hbm>>
        %dma_wait3A_95 = tpu.memref_slice %arg2[%mul3A_93] : memref<320000xi32, #tpu.memory_space<hbm>> -> memref<128xi32, #tpu.memory_space<hbm>>
        tpu.wait_dma2 semaphore(%run_scoped3A : memref<!tpu.dma_semaphore, #tpu.memory_space<semaphore_mem>>) src(%dma_wait3A_95 : memref<128xi32, #tpu.memory_space<hbm>>) dst(%arg9 : memref<128xi32, #tpu.memory_space<vmem>>)
        tpu.yield
      }) : () -> ()
      "tpu.region"() ({
        %run_scoped3A = tpu.sem_alloc : memref<!tpu.dma_semaphore, #tpu.memory_space<semaphore_mem>>
        %dma_start3A = tpu.memref_slice %arg3[%mul3A_93] : memref<320000xi32, #tpu.memory_space<hbm>> -> memref<128xi32, #tpu.memory_space<hbm>>
        %dma_start3A_94 = tpu.memref_slice %arg3[%mul3A_93] : memref<320000xi32, #tpu.memory_space<hbm>> -> memref<128xi32, #tpu.memory_space<hbm>>
        tpu.enqueue_dma source(%dma_start3A_94 : memref<128xi32, #tpu.memory_space<hbm>>) target(%arg10 : memref<128xi32, #tpu.memory_space<vmem>>) target_semaphore(%run_scoped3A : memref<!tpu.dma_semaphore, #tpu.memory_space<semaphore_mem>>)
        %dma_wait3A = tpu.memref_slice %arg3[%mul3A_93] : memref<320000xi32, #tpu.memory_space<hbm>> -> memref<128xi32, #tpu.memory_space<hbm>>
        %dma_wait3A_95 = tpu.memref_slice %arg3[%mul3A_93] : memref<320000xi32, #tpu.memory_space<hbm>> -> memref<128xi32, #tpu.memory_space<hbm>>
        tpu.wait_dma2 semaphore(%run_scoped3A : memref<!tpu.dma_semaphore, #tpu.memory_space<semaphore_mem>>) src(%dma_wait3A_95 : memref<128xi32, #tpu.memory_space<hbm>>) dst(%arg10 : memref<128xi32, #tpu.memory_space<vmem>>)
        tpu.yield
      }) : () -> ()
      "tpu.region"() ({
        %run_scoped3A = tpu.sem_alloc : memref<!tpu.dma_semaphore, #tpu.memory_space<semaphore_mem>>
        %dma_start3A = arith.constant 0 : i32
        %dma_start3A_94 = tpu.memref_slice %arg12[%dma_start3A] : memref<10240xf32, #tpu.memory_space<vmem_shared>> -> memref<10240xf32, #tpu.memory_space<vmem_shared>>
        tpu.enqueue_indirect_dma source(%arg11 : memref<128xf32, #tpu.memory_space<vmem>>) target(%dma_start3A_94 : memref<10240xf32, #tpu.memory_space<vmem_shared>>) offsets(%arg9 : memref<128xi32, #tpu.memory_space<vmem>>) semaphore(%run_scoped3A : memref<!tpu.dma_semaphore, #tpu.memory_space<semaphore_mem>>) {add = true}
        %dma_wait3A = arith.constant 0 : i32
        %dma_wait3A_95 = tpu.memref_slice %arg12[%dma_wait3A] : memref<10240xf32, #tpu.memory_space<vmem_shared>> -> memref<10240xf32, #tpu.memory_space<vmem_shared>>
        tpu.wait_indirect_dma semaphore(%run_scoped3A : memref<!tpu.dma_semaphore, #tpu.memory_space<semaphore_mem>>) src(%arg11 : memref<128xf32, #tpu.memory_space<vmem>>) dst(%dma_wait3A_95 : memref<10240xf32, #tpu.memory_space<vmem_shared>>)
        tpu.yield
      }) : () -> ()
      "tpu.region"() ({
        %run_scoped3A = tpu.sem_alloc : memref<!tpu.dma_semaphore, #tpu.memory_space<semaphore_mem>>
        %dma_start3A = arith.constant 0 : i32
        %dma_start3A_94 = tpu.memref_slice %arg13[%dma_start3A] : memref<10240xf32, #tpu.memory_space<vmem_shared>> -> memref<10240xf32, #tpu.memory_space<vmem_shared>>
        tpu.enqueue_indirect_dma source(%arg11 : memref<128xf32, #tpu.memory_space<vmem>>) target(%dma_start3A_94 : memref<10240xf32, #tpu.memory_space<vmem_shared>>) offsets(%arg10 : memref<128xi32, #tpu.memory_space<vmem>>) semaphore(%run_scoped3A : memref<!tpu.dma_semaphore, #tpu.memory_space<semaphore_mem>>) {add = true}
        %dma_wait3A = arith.constant 0 : i32
        %dma_wait3A_95 = tpu.memref_slice %arg13[%dma_wait3A] : memref<10240xf32, #tpu.memory_space<vmem_shared>> -> memref<10240xf32, #tpu.memory_space<vmem_shared>>
        tpu.wait_indirect_dma semaphore(%run_scoped3A : memref<!tpu.dma_semaphore, #tpu.memory_space<semaphore_mem>>) src(%arg11 : memref<128xf32, #tpu.memory_space<vmem>>) dst(%dma_wait3A_95 : memref<10240xf32, #tpu.memory_space<vmem_shared>>)
        tpu.yield
      }) : () -> ()
    }
    %while3A_79 = arith.constant 1 : i32
    scf.for %while3A_88 = %while3A_77 to %while3A_73 step %while3A_79  : i32 {
      %mul3A_89 = arith.constant 32 : i32
      %mul3A_90 = arith.muli %mul3A_89, %while3A_88 : i32
      %add3A_91 = arith.addi %add3A, %mul3A_90 : i32
      %mul3A_92 = arith.constant 128 : i32
      %mul3A_93 = arith.muli %add3A_91, %mul3A_92 : i32
      "tpu.region"() ({
        %run_scoped3A = tpu.sem_alloc : memref<!tpu.dma_semaphore, #tpu.memory_space<semaphore_mem>>
        %dma_start3A = tpu.memref_slice %arg2[%mul3A_93] : memref<320000xi32, #tpu.memory_space<hbm>> -> memref<128xi32, #tpu.memory_space<hbm>>
        %dma_start3A_94 = tpu.memref_slice %arg2[%mul3A_93] : memref<320000xi32, #tpu.memory_space<hbm>> -> memref<128xi32, #tpu.memory_space<hbm>>
        tpu.enqueue_dma source(%dma_start3A_94 : memref<128xi32, #tpu.memory_space<hbm>>) target(%arg9 : memref<128xi32, #tpu.memory_space<vmem>>) target_semaphore(%run_scoped3A : memref<!tpu.dma_semaphore, #tpu.memory_space<semaphore_mem>>)
        %dma_wait3A = tpu.memref_slice %arg2[%mul3A_93] : memref<320000xi32, #tpu.memory_space<hbm>> -> memref<128xi32, #tpu.memory_space<hbm>>
        %dma_wait3A_95 = tpu.memref_slice %arg2[%mul3A_93] : memref<320000xi32, #tpu.memory_space<hbm>> -> memref<128xi32, #tpu.memory_space<hbm>>
        tpu.wait_dma2 semaphore(%run_scoped3A : memref<!tpu.dma_semaphore, #tpu.memory_space<semaphore_mem>>) src(%dma_wait3A_95 : memref<128xi32, #tpu.memory_space<hbm>>) dst(%arg9 : memref<128xi32, #tpu.memory_space<vmem>>)
        tpu.yield
      }) : () -> ()
      "tpu.region"() ({
        %run_scoped3A = tpu.sem_alloc : memref<!tpu.dma_semaphore, #tpu.memory_space<semaphore_mem>>
        %dma_start3A = tpu.memref_slice %arg3[%mul3A_93] : memref<320000xi32, #tpu.memory_space<hbm>> -> memref<128xi32, #tpu.memory_space<hbm>>
        %dma_start3A_94 = tpu.memref_slice %arg3[%mul3A_93] : memref<320000xi32, #tpu.memory_space<hbm>> -> memref<128xi32, #tpu.memory_space<hbm>>
        tpu.enqueue_dma source(%dma_start3A_94 : memref<128xi32, #tpu.memory_space<hbm>>) target(%arg10 : memref<128xi32, #tpu.memory_space<vmem>>) target_semaphore(%run_scoped3A : memref<!tpu.dma_semaphore, #tpu.memory_space<semaphore_mem>>)
        %dma_wait3A = tpu.memref_slice %arg3[%mul3A_93] : memref<320000xi32, #tpu.memory_space<hbm>> -> memref<128xi32, #tpu.memory_space<hbm>>
        %dma_wait3A_95 = tpu.memref_slice %arg3[%mul3A_93] : memref<320000xi32, #tpu.memory_space<hbm>> -> memref<128xi32, #tpu.memory_space<hbm>>
        tpu.wait_dma2 semaphore(%run_scoped3A : memref<!tpu.dma_semaphore, #tpu.memory_space<semaphore_mem>>) src(%dma_wait3A_95 : memref<128xi32, #tpu.memory_space<hbm>>) dst(%arg10 : memref<128xi32, #tpu.memory_space<vmem>>)
        tpu.yield
      }) : () -> ()
      "tpu.region"() ({
        %run_scoped3A = tpu.sem_alloc : memref<!tpu.dma_semaphore, #tpu.memory_space<semaphore_mem>>
        %dma_start3A = arith.constant 0 : i32
        %dma_start3A_94 = tpu.memref_slice %arg12[%dma_start3A] : memref<10240xf32, #tpu.memory_space<vmem_shared>> -> memref<10240xf32, #tpu.memory_space<vmem_shared>>
        tpu.enqueue_indirect_dma source(%arg11 : memref<128xf32, #tpu.memory_space<vmem>>) target(%dma_start3A_94 : memref<10240xf32, #tpu.memory_space<vmem_shared>>) offsets(%arg9 : memref<128xi32, #tpu.memory_space<vmem>>) semaphore(%run_scoped3A : memref<!tpu.dma_semaphore, #tpu.memory_space<semaphore_mem>>) {add = true}
        %dma_wait3A = arith.constant 0 : i32
        %dma_wait3A_95 = tpu.memref_slice %arg12[%dma_wait3A] : memref<10240xf32, #tpu.memory_space<vmem_shared>> -> memref<10240xf32, #tpu.memory_space<vmem_shared>>
        tpu.wait_indirect_dma semaphore(%run_scoped3A : memref<!tpu.dma_semaphore, #tpu.memory_space<semaphore_mem>>) src(%arg11 : memref<128xf32, #tpu.memory_space<vmem>>) dst(%dma_wait3A_95 : memref<10240xf32, #tpu.memory_space<vmem_shared>>)
        tpu.yield
      }) : () -> ()
      "tpu.region"() ({
        %run_scoped3A = tpu.sem_alloc : memref<!tpu.dma_semaphore, #tpu.memory_space<semaphore_mem>>
        %dma_start3A = arith.constant 0 : i32
        %dma_start3A_94 = tpu.memref_slice %arg13[%dma_start3A] : memref<10240xf32, #tpu.memory_space<vmem_shared>> -> memref<10240xf32, #tpu.memory_space<vmem_shared>>
        tpu.enqueue_indirect_dma source(%arg11 : memref<128xf32, #tpu.memory_space<vmem>>) target(%dma_start3A_94 : memref<10240xf32, #tpu.memory_space<vmem_shared>>) offsets(%arg10 : memref<128xi32, #tpu.memory_space<vmem>>) semaphore(%run_scoped3A : memref<!tpu.dma_semaphore, #tpu.memory_space<semaphore_mem>>) {add = true}
        %dma_wait3A = arith.constant 0 : i32
        %dma_wait3A_95 = tpu.memref_slice %arg13[%dma_wait3A] : memref<10240xf32, #tpu.memory_space<vmem_shared>> -> memref<10240xf32, #tpu.memory_space<vmem_shared>>
        tpu.wait_indirect_dma semaphore(%run_scoped3A : memref<!tpu.dma_semaphore, #tpu.memory_space<semaphore_mem>>) src(%arg11 : memref<128xf32, #tpu.memory_space<vmem>>) dst(%dma_wait3A_95 : memref<10240xf32, #tpu.memory_space<vmem_shared>>)
        tpu.yield
      }) : () -> ()
    }
    %barrier3A_80 = arith.constant 0 : index
    tpu.barrier barrier_id(%barrier3A_80)
    %eq3A = arith.constant 0 : i32
    %eq3A_81 = arith.cmpi eq, %arg0, %eq3A : i32
    %convert_element_type3A = arith.extui %eq3A_81 : i1 to i32
    %cond3A = arith.constant 0 : i32
    %cond3A_82 = arith.cmpi ne, %convert_element_type3A, %cond3A : i32
    scf.if %cond3A_82 {
      "tpu.region"() ({
        %run_scoped3A = tpu.sem_alloc : memref<!tpu.dma_semaphore, #tpu.memory_space<semaphore_mem>>
        %dma_start3A = tpu.memref_slice %arg5[%mul3A_48] : memref<10240xf32, #tpu.memory_space<hbm>> -> memref<640xf32, #tpu.memory_space<hbm>>
        %dma_start3A_88 = tpu.memref_slice %arg12[%mul3A_48] : memref<10240xf32, #tpu.memory_space<vmem_shared>> -> memref<640xf32, #tpu.memory_space<vmem_shared>>
        tpu.enqueue_dma source(%dma_start3A_88 : memref<640xf32, #tpu.memory_space<vmem_shared>>) target(%dma_start3A : memref<640xf32, #tpu.memory_space<hbm>>) target_semaphore(%run_scoped3A : memref<!tpu.dma_semaphore, #tpu.memory_space<semaphore_mem>>)
        %dma_wait3A = tpu.memref_slice %arg5[%mul3A_48] : memref<10240xf32, #tpu.memory_space<hbm>> -> memref<640xf32, #tpu.memory_space<hbm>>
        %dma_wait3A_89 = tpu.memref_slice %arg12[%mul3A_48] : memref<10240xf32, #tpu.memory_space<vmem_shared>> -> memref<640xf32, #tpu.memory_space<vmem_shared>>
        tpu.wait_dma2 semaphore(%run_scoped3A : memref<!tpu.dma_semaphore, #tpu.memory_space<semaphore_mem>>) src(%dma_wait3A_89 : memref<640xf32, #tpu.memory_space<vmem_shared>>) dst(%dma_wait3A : memref<640xf32, #tpu.memory_space<hbm>>)
        tpu.yield
      }) : () -> ()
      "tpu.region"() ({
        %run_scoped3A = tpu.sem_alloc : memref<!tpu.dma_semaphore, #tpu.memory_space<semaphore_mem>>
        %dma_start3A = tpu.memref_slice %arg6[%mul3A_48] : memref<10240xf32, #tpu.memory_space<hbm>> -> memref<640xf32, #tpu.memory_space<hbm>>
        %dma_start3A_88 = tpu.memref_slice %arg13[%mul3A_48] : memref<10240xf32, #tpu.memory_space<vmem_shared>> -> memref<640xf32, #tpu.memory_space<vmem_shared>>
        tpu.enqueue_dma source(%dma_start3A_88 : memref<640xf32, #tpu.memory_space<vmem_shared>>) target(%dma_start3A : memref<640xf32, #tpu.memory_space<hbm>>) target_semaphore(%run_scoped3A : memref<!tpu.dma_semaphore, #tpu.memory_space<semaphore_mem>>)
        %dma_wait3A = tpu.memref_slice %arg6[%mul3A_48] : memref<10240xf32, #tpu.memory_space<hbm>> -> memref<640xf32, #tpu.memory_space<hbm>>
        %dma_wait3A_89 = tpu.memref_slice %arg13[%mul3A_48] : memref<10240xf32, #tpu.memory_space<vmem_shared>> -> memref<640xf32, #tpu.memory_space<vmem_shared>>
        tpu.wait_dma2 semaphore(%run_scoped3A : memref<!tpu.dma_semaphore, #tpu.memory_space<semaphore_mem>>) src(%dma_wait3A_89 : memref<640xf32, #tpu.memory_space<vmem_shared>>) dst(%dma_wait3A : memref<640xf32, #tpu.memory_space<hbm>>)
        tpu.yield
      }) : () -> ()
    } else {
    }
    %eq3A_83 = arith.constant 1 : i32
    %eq3A_84 = arith.cmpi eq, %arg0, %eq3A_83 : i32
    %convert_element_type3A_85 = arith.extui %eq3A_84 : i1 to i32
    %cond3A_86 = arith.constant 0 : i32
    %cond3A_87 = arith.cmpi ne, %convert_element_type3A_85, %cond3A_86 : i32
    scf.if %cond3A_87 {
      "tpu.region"() ({
        %run_scoped3A = tpu.sem_alloc : memref<!tpu.dma_semaphore, #tpu.memory_space<semaphore_mem>>
        %dma_start3A = tpu.memref_slice %arg7[%mul3A_48] : memref<10240xf32, #tpu.memory_space<hbm>> -> memref<640xf32, #tpu.memory_space<hbm>>
        %dma_start3A_88 = tpu.memref_slice %arg12[%mul3A_48] : memref<10240xf32, #tpu.memory_space<vmem_shared>> -> memref<640xf32, #tpu.memory_space<vmem_shared>>
        tpu.enqueue_dma source(%dma_start3A_88 : memref<640xf32, #tpu.memory_space<vmem_shared>>) target(%dma_start3A : memref<640xf32, #tpu.memory_space<hbm>>) target_semaphore(%run_scoped3A : memref<!tpu.dma_semaphore, #tpu.memory_space<semaphore_mem>>)
        %dma_wait3A = tpu.memref_slice %arg7[%mul3A_48] : memref<10240xf32, #tpu.memory_space<hbm>> -> memref<640xf32, #tpu.memory_space<hbm>>
        %dma_wait3A_89 = tpu.memref_slice %arg12[%mul3A_48] : memref<10240xf32, #tpu.memory_space<vmem_shared>> -> memref<640xf32, #tpu.memory_space<vmem_shared>>
        tpu.wait_dma2 semaphore(%run_scoped3A : memref<!tpu.dma_semaphore, #tpu.memory_space<semaphore_mem>>) src(%dma_wait3A_89 : memref<640xf32, #tpu.memory_space<vmem_shared>>) dst(%dma_wait3A : memref<640xf32, #tpu.memory_space<hbm>>)
        tpu.yield
      }) : () -> ()
      "tpu.region"() ({
        %run_scoped3A = tpu.sem_alloc : memref<!tpu.dma_semaphore, #tpu.memory_space<semaphore_mem>>
        %dma_start3A = tpu.memref_slice %arg8[%mul3A_48] : memref<10240xf32, #tpu.memory_space<hbm>> -> memref<640xf32, #tpu.memory_space<hbm>>
        %dma_start3A_88 = tpu.memref_slice %arg13[%mul3A_48] : memref<10240xf32, #tpu.memory_space<vmem_shared>> -> memref<640xf32, #tpu.memory_space<vmem_shared>>
        tpu.enqueue_dma source(%dma_start3A_88 : memref<640xf32, #tpu.memory_space<vmem_shared>>) target(%dma_start3A : memref<640xf32, #tpu.memory_space<hbm>>) target_semaphore(%run_scoped3A : memref<!tpu.dma_semaphore, #tpu.memory_space<semaphore_mem>>)
        %dma_wait3A = tpu.memref_slice %arg8[%mul3A_48] : memref<10240xf32, #tpu.memory_space<hbm>> -> memref<640xf32, #tpu.memory_space<hbm>>
        %dma_wait3A_89 = tpu.memref_slice %arg13[%mul3A_48] : memref<10240xf32, #tpu.memory_space<vmem_shared>> -> memref<640xf32, #tpu.memory_space<vmem_shared>>
        tpu.wait_dma2 semaphore(%run_scoped3A : memref<!tpu.dma_semaphore, #tpu.memory_space<semaphore_mem>>) src(%dma_wait3A_89 : memref<640xf32, #tpu.memory_space<vmem_shared>>) dst(%dma_wait3A : memref<640xf32, #tpu.memory_space<hbm>>)
        tpu.yield
      }) : () -> ()
    } else {
    }
    return
  }
}

#map = affine_map<(d0, d1) -> (0, 0)>
#map1 = affine_map<(d0, d1) -> (0, 0, 0)>
module attributes {stable_mosaic.version = 14 : i64} {
  func.func @edge_kernel(%arg0: i32, %arg1: i32, %arg2: memref<10000x128xf32, #tpu.memory_space<hbm>>, %arg3: memref<2688x2x120xi32, #tpu.memory_space<hbm>>, %arg4: memref<10240x128xf32, #tpu.memory_space<hbm>>, %arg5: memref<10240x128xf32, #tpu.memory_space<hbm>>, %arg6: memref<10240x128xf32, #tpu.memory_space<hbm>>, %arg7: memref<2x120xi32, #tpu.memory_space<vmem>>, %arg8: memref<2x120xi32, #tpu.memory_space<vmem>>, %arg9: memref<2x120xi32, #tpu.memory_space<vmem>>, %arg10: memref<120x128xf32, #tpu.memory_space<vmem>>, %arg11: memref<120x128xf32, #tpu.memory_space<vmem>>, %arg12: memref<120x128xf32, #tpu.memory_space<vmem>>, %arg13: memref<10248x128xf32, #tpu.memory_space<vmem_shared>>, %arg14: memref<!tpu.dma_semaphore, #tpu.memory_space<semaphore_mem>>, %arg15: memref<!tpu.dma_semaphore, #tpu.memory_space<semaphore_mem>>, %arg16: memref<!tpu.dma_semaphore, #tpu.memory_space<semaphore_mem>>) attributes {dimension_semantics = [#tpu.dimension_semantics<core_parallel>, #tpu.dimension_semantics<subcore_parallel>], iteration_bounds = array<i64: 2, 16>, scalar_prefetch = 0 : i64, scratch_operands = 10 : i64, tpu.core_type = #tpu.core_type<sc_vector_subcore>, window_params = [{transform_indices = #map}, {transform_indices = #map1}, {transform_indices = #map}, {transform_indices = #map}, {transform_indices = #map}]} {
    %mul3A = arith.constant 16 : i32
    %mul3A_0 = arith.muli %arg0, %mul3A : i32
    %add3A = arith.addi %mul3A_0, %arg1 : i32
    %mul3A_1 = arith.constant 640 : i32
    %mul3A_2 = arith.muli %arg1, %mul3A_1 : i32
    "tpu.region"() ({
      %run_scoped3A = tpu.sem_alloc : memref<!tpu.dma_semaphore, #tpu.memory_space<semaphore_mem>>
      %dma_start3A = arith.constant 0 : i32
      %dma_start3A_16 = tpu.memref_slice %arg13[%mul3A_2, %dma_start3A] : memref<10248x128xf32, #tpu.memory_space<vmem_shared>> -> memref<640x128xf32, #tpu.memory_space<vmem_shared>>
      %dma_start3A_17 = arith.constant 0 : i32
      %dma_start3A_18 = tpu.memref_slice %arg4[%mul3A_2, %dma_start3A_17] : memref<10240x128xf32, #tpu.memory_space<hbm>> -> memref<640x128xf32, #tpu.memory_space<hbm>>
      tpu.enqueue_dma source(%dma_start3A_18 : memref<640x128xf32, #tpu.memory_space<hbm>>) target(%dma_start3A_16 : memref<640x128xf32, #tpu.memory_space<vmem_shared>>) target_semaphore(%run_scoped3A : memref<!tpu.dma_semaphore, #tpu.memory_space<semaphore_mem>>)
      %dma_wait3A = arith.constant 0 : i32
      %dma_wait3A_19 = tpu.memref_slice %arg13[%mul3A_2, %dma_wait3A] : memref<10248x128xf32, #tpu.memory_space<vmem_shared>> -> memref<640x128xf32, #tpu.memory_space<vmem_shared>>
      %dma_wait3A_20 = arith.constant 0 : i32
      %dma_wait3A_21 = tpu.memref_slice %arg4[%mul3A_2, %dma_wait3A_20] : memref<10240x128xf32, #tpu.memory_space<hbm>> -> memref<640x128xf32, #tpu.memory_space<hbm>>
      tpu.wait_dma2 semaphore(%run_scoped3A : memref<!tpu.dma_semaphore, #tpu.memory_space<semaphore_mem>>) src(%dma_wait3A_21 : memref<640x128xf32, #tpu.memory_space<hbm>>) dst(%dma_wait3A_19 : memref<640x128xf32, #tpu.memory_space<vmem_shared>>)
      tpu.yield
    }) : () -> ()
    %barrier3A = arith.constant 0 : index
    tpu.barrier barrier_id(%barrier3A)
    %scan3A = arith.constant 0 : i32
    %scan3A_3 = arith.constant 0 : i32
    %scan3A_4 = arith.constant 28 : i32
    %scan3A_5 = arith.addi %scan3A_3, %scan3A_4 : i32
    %scan3A_6 = arith.constant 1 : i32
    scf.for %scan3A_16 = %scan3A_3 to %scan3A_5 step %scan3A_6  : i32 {
      %mul3A_17 = arith.constant 3 : i32
      %mul3A_18 = arith.muli %mul3A_17, %scan3A_16 : i32
      %add3A_19 = arith.constant 0 : i32
      %add3A_20 = arith.addi %mul3A_18, %add3A_19 : i32
      %mul3A_21 = arith.constant 32 : i32
      %mul3A_22 = arith.muli %mul3A_21, %add3A_20 : i32
      %add3A_23 = arith.addi %add3A, %mul3A_22 : i32
      "tpu.region"() ({
        %run_scoped3A_80 = tpu.sem_alloc : memref<!tpu.dma_semaphore, #tpu.memory_space<semaphore_mem>>
        %dma_start3A_81 = arith.constant 0 : i32
        %dma_start3A_82 = arith.constant 0 : i32
        %dma_start3A_83 = tpu.memref_slice %arg3[%add3A_23, %dma_start3A_81, %dma_start3A_82] : memref<2688x2x120xi32, #tpu.memory_space<hbm>> -> memref<1x2x120xi32, #tpu.memory_space<hbm>>
        %dma_start3A_84 = tpu.memref_squeeze %dma_start3A_83 : memref<1x2x120xi32, #tpu.memory_space<hbm>> -> memref<2x120xi32, #tpu.memory_space<hbm>>
        %dma_start3A_85 = arith.constant 0 : i32
        %dma_start3A_86 = arith.constant 0 : i32
        %dma_start3A_87 = tpu.memref_slice %arg3[%add3A_23, %dma_start3A_85, %dma_start3A_86] : memref<2688x2x120xi32, #tpu.memory_space<hbm>> -> memref<1x2x120xi32, #tpu.memory_space<hbm>>
        %dma_start3A_88 = tpu.memref_squeeze %dma_start3A_87 : memref<1x2x120xi32, #tpu.memory_space<hbm>> -> memref<2x120xi32, #tpu.memory_space<hbm>>
        tpu.enqueue_dma source(%dma_start3A_88 : memref<2x120xi32, #tpu.memory_space<hbm>>) target(%arg7 : memref<2x120xi32, #tpu.memory_space<vmem>>) target_semaphore(%run_scoped3A_80 : memref<!tpu.dma_semaphore, #tpu.memory_space<semaphore_mem>>)
        %dma_wait3A_89 = arith.constant 0 : i32
        %dma_wait3A_90 = arith.constant 0 : i32
        %dma_wait3A_91 = tpu.memref_slice %arg3[%add3A_23, %dma_wait3A_89, %dma_wait3A_90] : memref<2688x2x120xi32, #tpu.memory_space<hbm>> -> memref<1x2x120xi32, #tpu.memory_space<hbm>>
        %dma_wait3A_92 = tpu.memref_squeeze %dma_wait3A_91 : memref<1x2x120xi32, #tpu.memory_space<hbm>> -> memref<2x120xi32, #tpu.memory_space<hbm>>
        %dma_wait3A_93 = arith.constant 0 : i32
        %dma_wait3A_94 = arith.constant 0 : i32
        %dma_wait3A_95 = tpu.memref_slice %arg3[%add3A_23, %dma_wait3A_93, %dma_wait3A_94] : memref<2688x2x120xi32, #tpu.memory_space<hbm>> -> memref<1x2x120xi32, #tpu.memory_space<hbm>>
        %dma_wait3A_96 = tpu.memref_squeeze %dma_wait3A_95 : memref<1x2x120xi32, #tpu.memory_space<hbm>> -> memref<2x120xi32, #tpu.memory_space<hbm>>
        tpu.wait_dma2 semaphore(%run_scoped3A_80 : memref<!tpu.dma_semaphore, #tpu.memory_space<semaphore_mem>>) src(%dma_wait3A_96 : memref<2x120xi32, #tpu.memory_space<hbm>>) dst(%arg7 : memref<2x120xi32, #tpu.memory_space<vmem>>)
        tpu.yield
      }) : () -> ()
      %dma_start3A = arith.constant 0 : i32
      %dma_start3A_24 = arith.constant 0 : i32
      %dma_start3A_25 = tpu.memref_slice %arg7[%dma_start3A, %dma_start3A_24] : memref<2x120xi32, #tpu.memory_space<vmem>> -> memref<1x120xi32, #tpu.memory_space<vmem>>
      %dma_start3A_26 = tpu.memref_squeeze %dma_start3A_25 : memref<1x120xi32, #tpu.memory_space<vmem>> -> memref<120xi32, #tpu.memory_space<vmem>>
      %dma_start3A_27 = arith.constant 0 : i32
      %dma_start3A_28 = arith.constant 0 : i32
      %dma_start3A_29 = tpu.memref_slice %arg2[%dma_start3A_27, %dma_start3A_28] : memref<10000x128xf32, #tpu.memory_space<hbm>> -> memref<10000x128xf32, #tpu.memory_space<hbm>>
      tpu.enqueue_indirect_dma source(%dma_start3A_29 : memref<10000x128xf32, #tpu.memory_space<hbm>>) target(%arg10 : memref<120x128xf32, #tpu.memory_space<vmem>>) offsets(%dma_start3A_26 : memref<120xi32, #tpu.memory_space<vmem>>) semaphore(%arg14 : memref<!tpu.dma_semaphore, #tpu.memory_space<semaphore_mem>>)
      %mul3A_30 = arith.constant 3 : i32
      %mul3A_31 = arith.muli %mul3A_30, %scan3A_16 : i32
      %add3A_32 = arith.constant 1 : i32
      %add3A_33 = arith.addi %mul3A_31, %add3A_32 : i32
      %mul3A_34 = arith.constant 32 : i32
      %mul3A_35 = arith.muli %mul3A_34, %add3A_33 : i32
      %add3A_36 = arith.addi %add3A, %mul3A_35 : i32
      "tpu.region"() ({
        %run_scoped3A_80 = tpu.sem_alloc : memref<!tpu.dma_semaphore, #tpu.memory_space<semaphore_mem>>
        %dma_start3A_81 = arith.constant 0 : i32
        %dma_start3A_82 = arith.constant 0 : i32
        %dma_start3A_83 = tpu.memref_slice %arg3[%add3A_36, %dma_start3A_81, %dma_start3A_82] : memref<2688x2x120xi32, #tpu.memory_space<hbm>> -> memref<1x2x120xi32, #tpu.memory_space<hbm>>
        %dma_start3A_84 = tpu.memref_squeeze %dma_start3A_83 : memref<1x2x120xi32, #tpu.memory_space<hbm>> -> memref<2x120xi32, #tpu.memory_space<hbm>>
        %dma_start3A_85 = arith.constant 0 : i32
        %dma_start3A_86 = arith.constant 0 : i32
        %dma_start3A_87 = tpu.memref_slice %arg3[%add3A_36, %dma_start3A_85, %dma_start3A_86] : memref<2688x2x120xi32, #tpu.memory_space<hbm>> -> memref<1x2x120xi32, #tpu.memory_space<hbm>>
        %dma_start3A_88 = tpu.memref_squeeze %dma_start3A_87 : memref<1x2x120xi32, #tpu.memory_space<hbm>> -> memref<2x120xi32, #tpu.memory_space<hbm>>
        tpu.enqueue_dma source(%dma_start3A_88 : memref<2x120xi32, #tpu.memory_space<hbm>>) target(%arg8 : memref<2x120xi32, #tpu.memory_space<vmem>>) target_semaphore(%run_scoped3A_80 : memref<!tpu.dma_semaphore, #tpu.memory_space<semaphore_mem>>)
        %dma_wait3A_89 = arith.constant 0 : i32
        %dma_wait3A_90 = arith.constant 0 : i32
        %dma_wait3A_91 = tpu.memref_slice %arg3[%add3A_36, %dma_wait3A_89, %dma_wait3A_90] : memref<2688x2x120xi32, #tpu.memory_space<hbm>> -> memref<1x2x120xi32, #tpu.memory_space<hbm>>
        %dma_wait3A_92 = tpu.memref_squeeze %dma_wait3A_91 : memref<1x2x120xi32, #tpu.memory_space<hbm>> -> memref<2x120xi32, #tpu.memory_space<hbm>>
        %dma_wait3A_93 = arith.constant 0 : i32
        %dma_wait3A_94 = arith.constant 0 : i32
        %dma_wait3A_95 = tpu.memref_slice %arg3[%add3A_36, %dma_wait3A_93, %dma_wait3A_94] : memref<2688x2x120xi32, #tpu.memory_space<hbm>> -> memref<1x2x120xi32, #tpu.memory_space<hbm>>
        %dma_wait3A_96 = tpu.memref_squeeze %dma_wait3A_95 : memref<1x2x120xi32, #tpu.memory_space<hbm>> -> memref<2x120xi32, #tpu.memory_space<hbm>>
        tpu.wait_dma2 semaphore(%run_scoped3A_80 : memref<!tpu.dma_semaphore, #tpu.memory_space<semaphore_mem>>) src(%dma_wait3A_96 : memref<2x120xi32, #tpu.memory_space<hbm>>) dst(%arg8 : memref<2x120xi32, #tpu.memory_space<vmem>>)
        tpu.yield
      }) : () -> ()
      %dma_start3A_37 = arith.constant 0 : i32
      %dma_start3A_38 = arith.constant 0 : i32
      %dma_start3A_39 = tpu.memref_slice %arg8[%dma_start3A_37, %dma_start3A_38] : memref<2x120xi32, #tpu.memory_space<vmem>> -> memref<1x120xi32, #tpu.memory_space<vmem>>
      %dma_start3A_40 = tpu.memref_squeeze %dma_start3A_39 : memref<1x120xi32, #tpu.memory_space<vmem>> -> memref<120xi32, #tpu.memory_space<vmem>>
      %dma_start3A_41 = arith.constant 0 : i32
      %dma_start3A_42 = arith.constant 0 : i32
      %dma_start3A_43 = tpu.memref_slice %arg2[%dma_start3A_41, %dma_start3A_42] : memref<10000x128xf32, #tpu.memory_space<hbm>> -> memref<10000x128xf32, #tpu.memory_space<hbm>>
      tpu.enqueue_indirect_dma source(%dma_start3A_43 : memref<10000x128xf32, #tpu.memory_space<hbm>>) target(%arg11 : memref<120x128xf32, #tpu.memory_space<vmem>>) offsets(%dma_start3A_40 : memref<120xi32, #tpu.memory_space<vmem>>) semaphore(%arg15 : memref<!tpu.dma_semaphore, #tpu.memory_space<semaphore_mem>>)
      %mul3A_44 = arith.constant 3 : i32
      %mul3A_45 = arith.muli %mul3A_44, %scan3A_16 : i32
      %add3A_46 = arith.constant 2 : i32
      %add3A_47 = arith.addi %mul3A_45, %add3A_46 : i32
      %mul3A_48 = arith.constant 32 : i32
      %mul3A_49 = arith.muli %mul3A_48, %add3A_47 : i32
      %add3A_50 = arith.addi %add3A, %mul3A_49 : i32
      "tpu.region"() ({
        %run_scoped3A_80 = tpu.sem_alloc : memref<!tpu.dma_semaphore, #tpu.memory_space<semaphore_mem>>
        %dma_start3A_81 = arith.constant 0 : i32
        %dma_start3A_82 = arith.constant 0 : i32
        %dma_start3A_83 = tpu.memref_slice %arg3[%add3A_50, %dma_start3A_81, %dma_start3A_82] : memref<2688x2x120xi32, #tpu.memory_space<hbm>> -> memref<1x2x120xi32, #tpu.memory_space<hbm>>
        %dma_start3A_84 = tpu.memref_squeeze %dma_start3A_83 : memref<1x2x120xi32, #tpu.memory_space<hbm>> -> memref<2x120xi32, #tpu.memory_space<hbm>>
        %dma_start3A_85 = arith.constant 0 : i32
        %dma_start3A_86 = arith.constant 0 : i32
        %dma_start3A_87 = tpu.memref_slice %arg3[%add3A_50, %dma_start3A_85, %dma_start3A_86] : memref<2688x2x120xi32, #tpu.memory_space<hbm>> -> memref<1x2x120xi32, #tpu.memory_space<hbm>>
        %dma_start3A_88 = tpu.memref_squeeze %dma_start3A_87 : memref<1x2x120xi32, #tpu.memory_space<hbm>> -> memref<2x120xi32, #tpu.memory_space<hbm>>
        tpu.enqueue_dma source(%dma_start3A_88 : memref<2x120xi32, #tpu.memory_space<hbm>>) target(%arg9 : memref<2x120xi32, #tpu.memory_space<vmem>>) target_semaphore(%run_scoped3A_80 : memref<!tpu.dma_semaphore, #tpu.memory_space<semaphore_mem>>)
        %dma_wait3A_89 = arith.constant 0 : i32
        %dma_wait3A_90 = arith.constant 0 : i32
        %dma_wait3A_91 = tpu.memref_slice %arg3[%add3A_50, %dma_wait3A_89, %dma_wait3A_90] : memref<2688x2x120xi32, #tpu.memory_space<hbm>> -> memref<1x2x120xi32, #tpu.memory_space<hbm>>
        %dma_wait3A_92 = tpu.memref_squeeze %dma_wait3A_91 : memref<1x2x120xi32, #tpu.memory_space<hbm>> -> memref<2x120xi32, #tpu.memory_space<hbm>>
        %dma_wait3A_93 = arith.constant 0 : i32
        %dma_wait3A_94 = arith.constant 0 : i32
        %dma_wait3A_95 = tpu.memref_slice %arg3[%add3A_50, %dma_wait3A_93, %dma_wait3A_94] : memref<2688x2x120xi32, #tpu.memory_space<hbm>> -> memref<1x2x120xi32, #tpu.memory_space<hbm>>
        %dma_wait3A_96 = tpu.memref_squeeze %dma_wait3A_95 : memref<1x2x120xi32, #tpu.memory_space<hbm>> -> memref<2x120xi32, #tpu.memory_space<hbm>>
        tpu.wait_dma2 semaphore(%run_scoped3A_80 : memref<!tpu.dma_semaphore, #tpu.memory_space<semaphore_mem>>) src(%dma_wait3A_96 : memref<2x120xi32, #tpu.memory_space<hbm>>) dst(%arg9 : memref<2x120xi32, #tpu.memory_space<vmem>>)
        tpu.yield
      }) : () -> ()
      %dma_start3A_51 = arith.constant 0 : i32
      %dma_start3A_52 = arith.constant 0 : i32
      %dma_start3A_53 = tpu.memref_slice %arg9[%dma_start3A_51, %dma_start3A_52] : memref<2x120xi32, #tpu.memory_space<vmem>> -> memref<1x120xi32, #tpu.memory_space<vmem>>
      %dma_start3A_54 = tpu.memref_squeeze %dma_start3A_53 : memref<1x120xi32, #tpu.memory_space<vmem>> -> memref<120xi32, #tpu.memory_space<vmem>>
      %dma_start3A_55 = arith.constant 0 : i32
      %dma_start3A_56 = arith.constant 0 : i32
      %dma_start3A_57 = tpu.memref_slice %arg2[%dma_start3A_55, %dma_start3A_56] : memref<10000x128xf32, #tpu.memory_space<hbm>> -> memref<10000x128xf32, #tpu.memory_space<hbm>>
      tpu.enqueue_indirect_dma source(%dma_start3A_57 : memref<10000x128xf32, #tpu.memory_space<hbm>>) target(%arg12 : memref<120x128xf32, #tpu.memory_space<vmem>>) offsets(%dma_start3A_54 : memref<120xi32, #tpu.memory_space<vmem>>) semaphore(%arg16 : memref<!tpu.dma_semaphore, #tpu.memory_space<semaphore_mem>>)
      %dma_wait3A = arith.constant 0 : i32
      %dma_wait3A_58 = arith.constant 0 : i32
      %dma_wait3A_59 = tpu.memref_slice %arg7[%dma_wait3A, %dma_wait3A_58] : memref<2x120xi32, #tpu.memory_space<vmem>> -> memref<1x120xi32, #tpu.memory_space<vmem>>
      %dma_wait3A_60 = tpu.memref_squeeze %dma_wait3A_59 : memref<1x120xi32, #tpu.memory_space<vmem>> -> memref<120xi32, #tpu.memory_space<vmem>>
      %dma_wait3A_61 = arith.constant 0 : i32
      %dma_wait3A_62 = arith.constant 0 : i32
      %dma_wait3A_63 = tpu.memref_slice %arg2[%dma_wait3A_61, %dma_wait3A_62] : memref<10000x128xf32, #tpu.memory_space<hbm>> -> memref<10000x128xf32, #tpu.memory_space<hbm>>
      tpu.wait_indirect_dma semaphore(%arg14 : memref<!tpu.dma_semaphore, #tpu.memory_space<semaphore_mem>>) src(%dma_wait3A_63 : memref<10000x128xf32, #tpu.memory_space<hbm>>) dst(%arg10 : memref<120x128xf32, #tpu.memory_space<vmem>>)
      %run_scoped3A = arith.constant 1 : i32
      "tpu.region"() ({
        %run_scoped3A_80 = tpu.sem_alloc : memref<!tpu.dma_semaphore, #tpu.memory_space<semaphore_mem>>
        %dma_start3A_81 = arith.constant 0 : i32
        %dma_start3A_82 = tpu.memref_slice %arg7[%run_scoped3A, %dma_start3A_81] : memref<2x120xi32, #tpu.memory_space<vmem>> -> memref<1x120xi32, #tpu.memory_space<vmem>>
        %dma_start3A_83 = tpu.memref_squeeze %dma_start3A_82 : memref<1x120xi32, #tpu.memory_space<vmem>> -> memref<120xi32, #tpu.memory_space<vmem>>
        %dma_start3A_84 = arith.constant 0 : i32
        %dma_start3A_85 = arith.constant 0 : i32
        %dma_start3A_86 = tpu.memref_slice %arg13[%dma_start3A_84, %dma_start3A_85] : memref<10248x128xf32, #tpu.memory_space<vmem_shared>> -> memref<10248x128xf32, #tpu.memory_space<vmem_shared>>
        tpu.enqueue_indirect_dma source(%arg10 : memref<120x128xf32, #tpu.memory_space<vmem>>) target(%dma_start3A_86 : memref<10248x128xf32, #tpu.memory_space<vmem_shared>>) offsets(%dma_start3A_83 : memref<120xi32, #tpu.memory_space<vmem>>) semaphore(%run_scoped3A_80 : memref<!tpu.dma_semaphore, #tpu.memory_space<semaphore_mem>>) {add = true}
        %dma_wait3A_87 = arith.constant 0 : i32
        %dma_wait3A_88 = tpu.memref_slice %arg7[%run_scoped3A, %dma_wait3A_87] : memref<2x120xi32, #tpu.memory_space<vmem>> -> memref<1x120xi32, #tpu.memory_space<vmem>>
        %dma_wait3A_89 = tpu.memref_squeeze %dma_wait3A_88 : memref<1x120xi32, #tpu.memory_space<vmem>> -> memref<120xi32, #tpu.memory_space<vmem>>
        %dma_wait3A_90 = arith.constant 0 : i32
        %dma_wait3A_91 = arith.constant 0 : i32
        %dma_wait3A_92 = tpu.memref_slice %arg13[%dma_wait3A_90, %dma_wait3A_91] : memref<10248x128xf32, #tpu.memory_space<vmem_shared>> -> memref<10248x128xf32, #tpu.memory_space<vmem_shared>>
        tpu.wait_indirect_dma semaphore(%run_scoped3A_80 : memref<!tpu.dma_semaphore, #tpu.memory_space<semaphore_mem>>) src(%arg10 : memref<120x128xf32, #tpu.memory_space<vmem>>) dst(%dma_wait3A_92 : memref<10248x128xf32, #tpu.memory_space<vmem_shared>>)
        tpu.yield
      }) : () -> ()
      %dma_wait3A_64 = arith.constant 0 : i32
      %dma_wait3A_65 = arith.constant 0 : i32
      %dma_wait3A_66 = tpu.memref_slice %arg8[%dma_wait3A_64, %dma_wait3A_65] : memref<2x120xi32, #tpu.memory_space<vmem>> -> memref<1x120xi32, #tpu.memory_space<vmem>>
      %dma_wait3A_67 = tpu.memref_squeeze %dma_wait3A_66 : memref<1x120xi32, #tpu.memory_space<vmem>> -> memref<120xi32, #tpu.memory_space<vmem>>
      %dma_wait3A_68 = arith.constant 0 : i32
      %dma_wait3A_69 = arith.constant 0 : i32
      %dma_wait3A_70 = tpu.memref_slice %arg2[%dma_wait3A_68, %dma_wait3A_69] : memref<10000x128xf32, #tpu.memory_space<hbm>> -> memref<10000x128xf32, #tpu.memory_space<hbm>>
      tpu.wait_indirect_dma semaphore(%arg15 : memref<!tpu.dma_semaphore, #tpu.memory_space<semaphore_mem>>) src(%dma_wait3A_70 : memref<10000x128xf32, #tpu.memory_space<hbm>>) dst(%arg11 : memref<120x128xf32, #tpu.memory_space<vmem>>)
      %run_scoped3A_71 = arith.constant 1 : i32
      "tpu.region"() ({
        %run_scoped3A_80 = tpu.sem_alloc : memref<!tpu.dma_semaphore, #tpu.memory_space<semaphore_mem>>
        %dma_start3A_81 = arith.constant 0 : i32
        %dma_start3A_82 = tpu.memref_slice %arg8[%run_scoped3A_71, %dma_start3A_81] : memref<2x120xi32, #tpu.memory_space<vmem>> -> memref<1x120xi32, #tpu.memory_space<vmem>>
        %dma_start3A_83 = tpu.memref_squeeze %dma_start3A_82 : memref<1x120xi32, #tpu.memory_space<vmem>> -> memref<120xi32, #tpu.memory_space<vmem>>
        %dma_start3A_84 = arith.constant 0 : i32
        %dma_start3A_85 = arith.constant 0 : i32
        %dma_start3A_86 = tpu.memref_slice %arg13[%dma_start3A_84, %dma_start3A_85] : memref<10248x128xf32, #tpu.memory_space<vmem_shared>> -> memref<10248x128xf32, #tpu.memory_space<vmem_shared>>
        tpu.enqueue_indirect_dma source(%arg11 : memref<120x128xf32, #tpu.memory_space<vmem>>) target(%dma_start3A_86 : memref<10248x128xf32, #tpu.memory_space<vmem_shared>>) offsets(%dma_start3A_83 : memref<120xi32, #tpu.memory_space<vmem>>) semaphore(%run_scoped3A_80 : memref<!tpu.dma_semaphore, #tpu.memory_space<semaphore_mem>>) {add = true}
        %dma_wait3A_87 = arith.constant 0 : i32
        %dma_wait3A_88 = tpu.memref_slice %arg8[%run_scoped3A_71, %dma_wait3A_87] : memref<2x120xi32, #tpu.memory_space<vmem>> -> memref<1x120xi32, #tpu.memory_space<vmem>>
        %dma_wait3A_89 = tpu.memref_squeeze %dma_wait3A_88 : memref<1x120xi32, #tpu.memory_space<vmem>> -> memref<120xi32, #tpu.memory_space<vmem>>
        %dma_wait3A_90 = arith.constant 0 : i32
        %dma_wait3A_91 = arith.constant 0 : i32
        %dma_wait3A_92 = tpu.memref_slice %arg13[%dma_wait3A_90, %dma_wait3A_91] : memref<10248x128xf32, #tpu.memory_space<vmem_shared>> -> memref<10248x128xf32, #tpu.memory_space<vmem_shared>>
        tpu.wait_indirect_dma semaphore(%run_scoped3A_80 : memref<!tpu.dma_semaphore, #tpu.memory_space<semaphore_mem>>) src(%arg11 : memref<120x128xf32, #tpu.memory_space<vmem>>) dst(%dma_wait3A_92 : memref<10248x128xf32, #tpu.memory_space<vmem_shared>>)
        tpu.yield
      }) : () -> ()
      %dma_wait3A_72 = arith.constant 0 : i32
      %dma_wait3A_73 = arith.constant 0 : i32
      %dma_wait3A_74 = tpu.memref_slice %arg9[%dma_wait3A_72, %dma_wait3A_73] : memref<2x120xi32, #tpu.memory_space<vmem>> -> memref<1x120xi32, #tpu.memory_space<vmem>>
      %dma_wait3A_75 = tpu.memref_squeeze %dma_wait3A_74 : memref<1x120xi32, #tpu.memory_space<vmem>> -> memref<120xi32, #tpu.memory_space<vmem>>
      %dma_wait3A_76 = arith.constant 0 : i32
      %dma_wait3A_77 = arith.constant 0 : i32
      %dma_wait3A_78 = tpu.memref_slice %arg2[%dma_wait3A_76, %dma_wait3A_77] : memref<10000x128xf32, #tpu.memory_space<hbm>> -> memref<10000x128xf32, #tpu.memory_space<hbm>>
      tpu.wait_indirect_dma semaphore(%arg16 : memref<!tpu.dma_semaphore, #tpu.memory_space<semaphore_mem>>) src(%dma_wait3A_78 : memref<10000x128xf32, #tpu.memory_space<hbm>>) dst(%arg12 : memref<120x128xf32, #tpu.memory_space<vmem>>)
      %run_scoped3A_79 = arith.constant 1 : i32
      "tpu.region"() ({
        %run_scoped3A_80 = tpu.sem_alloc : memref<!tpu.dma_semaphore, #tpu.memory_space<semaphore_mem>>
        %dma_start3A_81 = arith.constant 0 : i32
        %dma_start3A_82 = tpu.memref_slice %arg9[%run_scoped3A_79, %dma_start3A_81] : memref<2x120xi32, #tpu.memory_space<vmem>> -> memref<1x120xi32, #tpu.memory_space<vmem>>
        %dma_start3A_83 = tpu.memref_squeeze %dma_start3A_82 : memref<1x120xi32, #tpu.memory_space<vmem>> -> memref<120xi32, #tpu.memory_space<vmem>>
        %dma_start3A_84 = arith.constant 0 : i32
        %dma_start3A_85 = arith.constant 0 : i32
        %dma_start3A_86 = tpu.memref_slice %arg13[%dma_start3A_84, %dma_start3A_85] : memref<10248x128xf32, #tpu.memory_space<vmem_shared>> -> memref<10248x128xf32, #tpu.memory_space<vmem_shared>>
        tpu.enqueue_indirect_dma source(%arg12 : memref<120x128xf32, #tpu.memory_space<vmem>>) target(%dma_start3A_86 : memref<10248x128xf32, #tpu.memory_space<vmem_shared>>) offsets(%dma_start3A_83 : memref<120xi32, #tpu.memory_space<vmem>>) semaphore(%run_scoped3A_80 : memref<!tpu.dma_semaphore, #tpu.memory_space<semaphore_mem>>) {add = true}
        %dma_wait3A_87 = arith.constant 0 : i32
        %dma_wait3A_88 = tpu.memref_slice %arg9[%run_scoped3A_79, %dma_wait3A_87] : memref<2x120xi32, #tpu.memory_space<vmem>> -> memref<1x120xi32, #tpu.memory_space<vmem>>
        %dma_wait3A_89 = tpu.memref_squeeze %dma_wait3A_88 : memref<1x120xi32, #tpu.memory_space<vmem>> -> memref<120xi32, #tpu.memory_space<vmem>>
        %dma_wait3A_90 = arith.constant 0 : i32
        %dma_wait3A_91 = arith.constant 0 : i32
        %dma_wait3A_92 = tpu.memref_slice %arg13[%dma_wait3A_90, %dma_wait3A_91] : memref<10248x128xf32, #tpu.memory_space<vmem_shared>> -> memref<10248x128xf32, #tpu.memory_space<vmem_shared>>
        tpu.wait_indirect_dma semaphore(%run_scoped3A_80 : memref<!tpu.dma_semaphore, #tpu.memory_space<semaphore_mem>>) src(%arg12 : memref<120x128xf32, #tpu.memory_space<vmem>>) dst(%dma_wait3A_92 : memref<10248x128xf32, #tpu.memory_space<vmem_shared>>)
        tpu.yield
      }) : () -> ()
    }
    %scan3A_7 = arith.constant 28 : i32
    %barrier3A_8 = arith.constant 0 : index
    tpu.barrier barrier_id(%barrier3A_8)
    %eq3A = arith.constant 0 : i32
    %eq3A_9 = arith.cmpi eq, %arg0, %eq3A : i32
    %convert_element_type3A = arith.extui %eq3A_9 : i1 to i32
    %cond3A = arith.constant 0 : i32
    %cond3A_10 = arith.cmpi ne, %convert_element_type3A, %cond3A : i32
    scf.if %cond3A_10 {
      "tpu.region"() ({
        %run_scoped3A = tpu.sem_alloc : memref<!tpu.dma_semaphore, #tpu.memory_space<semaphore_mem>>
        %dma_start3A = arith.constant 0 : i32
        %dma_start3A_16 = tpu.memref_slice %arg5[%mul3A_2, %dma_start3A] : memref<10240x128xf32, #tpu.memory_space<hbm>> -> memref<640x128xf32, #tpu.memory_space<hbm>>
        %dma_start3A_17 = arith.constant 0 : i32
        %dma_start3A_18 = tpu.memref_slice %arg13[%mul3A_2, %dma_start3A_17] : memref<10248x128xf32, #tpu.memory_space<vmem_shared>> -> memref<640x128xf32, #tpu.memory_space<vmem_shared>>
        tpu.enqueue_dma source(%dma_start3A_18 : memref<640x128xf32, #tpu.memory_space<vmem_shared>>) target(%dma_start3A_16 : memref<640x128xf32, #tpu.memory_space<hbm>>) target_semaphore(%run_scoped3A : memref<!tpu.dma_semaphore, #tpu.memory_space<semaphore_mem>>)
        %dma_wait3A = arith.constant 0 : i32
        %dma_wait3A_19 = tpu.memref_slice %arg5[%mul3A_2, %dma_wait3A] : memref<10240x128xf32, #tpu.memory_space<hbm>> -> memref<640x128xf32, #tpu.memory_space<hbm>>
        %dma_wait3A_20 = arith.constant 0 : i32
        %dma_wait3A_21 = tpu.memref_slice %arg13[%mul3A_2, %dma_wait3A_20] : memref<10248x128xf32, #tpu.memory_space<vmem_shared>> -> memref<640x128xf32, #tpu.memory_space<vmem_shared>>
        tpu.wait_dma2 semaphore(%run_scoped3A : memref<!tpu.dma_semaphore, #tpu.memory_space<semaphore_mem>>) src(%dma_wait3A_21 : memref<640x128xf32, #tpu.memory_space<vmem_shared>>) dst(%dma_wait3A_19 : memref<640x128xf32, #tpu.memory_space<hbm>>)
        tpu.yield
      }) : () -> ()
    } else {
    }
    %eq3A_11 = arith.constant 1 : i32
    %eq3A_12 = arith.cmpi eq, %arg0, %eq3A_11 : i32
    %convert_element_type3A_13 = arith.extui %eq3A_12 : i1 to i32
    %cond3A_14 = arith.constant 0 : i32
    %cond3A_15 = arith.cmpi ne, %convert_element_type3A_13, %cond3A_14 : i32
    scf.if %cond3A_15 {
      "tpu.region"() ({
        %run_scoped3A = tpu.sem_alloc : memref<!tpu.dma_semaphore, #tpu.memory_space<semaphore_mem>>
        %dma_start3A = arith.constant 0 : i32
        %dma_start3A_16 = tpu.memref_slice %arg6[%mul3A_2, %dma_start3A] : memref<10240x128xf32, #tpu.memory_space<hbm>> -> memref<640x128xf32, #tpu.memory_space<hbm>>
        %dma_start3A_17 = arith.constant 0 : i32
        %dma_start3A_18 = tpu.memref_slice %arg13[%mul3A_2, %dma_start3A_17] : memref<10248x128xf32, #tpu.memory_space<vmem_shared>> -> memref<640x128xf32, #tpu.memory_space<vmem_shared>>
        tpu.enqueue_dma source(%dma_start3A_18 : memref<640x128xf32, #tpu.memory_space<vmem_shared>>) target(%dma_start3A_16 : memref<640x128xf32, #tpu.memory_space<hbm>>) target_semaphore(%run_scoped3A : memref<!tpu.dma_semaphore, #tpu.memory_space<semaphore_mem>>)
        %dma_wait3A = arith.constant 0 : i32
        %dma_wait3A_19 = tpu.memref_slice %arg6[%mul3A_2, %dma_wait3A] : memref<10240x128xf32, #tpu.memory_space<hbm>> -> memref<640x128xf32, #tpu.memory_space<hbm>>
        %dma_wait3A_20 = arith.constant 0 : i32
        %dma_wait3A_21 = tpu.memref_slice %arg13[%mul3A_2, %dma_wait3A_20] : memref<10248x128xf32, #tpu.memory_space<vmem_shared>> -> memref<640x128xf32, #tpu.memory_space<vmem_shared>>
        tpu.wait_dma2 semaphore(%run_scoped3A : memref<!tpu.dma_semaphore, #tpu.memory_space<semaphore_mem>>) src(%dma_wait3A_21 : memref<640x128xf32, #tpu.memory_space<vmem_shared>>) dst(%dma_wait3A_19 : memref<640x128xf32, #tpu.memory_space<hbm>>)
        tpu.yield
      }) : () -> ()
    } else {
    }
    return
  }
}

#map = affine_map<(d0, d1) -> (0, 0)>
#map1 = affine_map<(d0, d1) -> (0, 0, 0)>
module attributes {stable_mosaic.version = 14 : i64} {
  func.func @edge_kernel(%arg0: i32, %arg1: i32, %arg2: memref<10000x128xf32, #tpu.memory_space<hbm>>, %arg3: memref<2688x2x120xi32, #tpu.memory_space<hbm>>, %arg4: memref<10240x128xf32, #tpu.memory_space<hbm>>, %arg5: memref<10240x128xf32, #tpu.memory_space<hbm>>, %arg6: memref<10240x128xf32, #tpu.memory_space<hbm>>, %arg7: memref<2x120xi32, #tpu.memory_space<vmem>>, %arg8: memref<2x120xi32, #tpu.memory_space<vmem>>, %arg9: memref<2x120xi32, #tpu.memory_space<vmem>>, %arg10: memref<120x128xf32, #tpu.memory_space<vmem>>, %arg11: memref<120x128xf32, #tpu.memory_space<vmem>>, %arg12: memref<120x128xf32, #tpu.memory_space<vmem>>, %arg13: memref<10248x128xf32, #tpu.memory_space<vmem_shared>>, %arg14: memref<!tpu.dma_semaphore, #tpu.memory_space<semaphore_mem>>, %arg15: memref<!tpu.dma_semaphore, #tpu.memory_space<semaphore_mem>>, %arg16: memref<!tpu.dma_semaphore, #tpu.memory_space<semaphore_mem>>) attributes {dimension_semantics = [#tpu.dimension_semantics<core_parallel>, #tpu.dimension_semantics<subcore_parallel>], iteration_bounds = array<i64: 2, 16>, scalar_prefetch = 0 : i64, scratch_operands = 10 : i64, tpu.core_type = #tpu.core_type<sc_vector_subcore>, window_params = [{transform_indices = #map}, {transform_indices = #map1}, {transform_indices = #map}, {transform_indices = #map}, {transform_indices = #map}]} {
    %mul3A = arith.constant 16 : i32
    %mul3A_0 = arith.muli %arg0, %mul3A : i32
    %add3A = arith.addi %mul3A_0, %arg1 : i32
    %mul3A_1 = arith.constant 640 : i32
    %mul3A_2 = arith.muli %arg1, %mul3A_1 : i32
    "tpu.region"() ({
      %run_scoped3A = tpu.sem_alloc : memref<!tpu.dma_semaphore, #tpu.memory_space<semaphore_mem>>
      %dma_start3A = arith.constant 0 : i32
      %dma_start3A_16 = tpu.memref_slice %arg13[%mul3A_2, %dma_start3A] : memref<10248x128xf32, #tpu.memory_space<vmem_shared>> -> memref<640x128xf32, #tpu.memory_space<vmem_shared>>
      %dma_start3A_17 = arith.constant 0 : i32
      %dma_start3A_18 = tpu.memref_slice %arg4[%mul3A_2, %dma_start3A_17] : memref<10240x128xf32, #tpu.memory_space<hbm>> -> memref<640x128xf32, #tpu.memory_space<hbm>>
      tpu.enqueue_dma source(%dma_start3A_18 : memref<640x128xf32, #tpu.memory_space<hbm>>) target(%dma_start3A_16 : memref<640x128xf32, #tpu.memory_space<vmem_shared>>) target_semaphore(%run_scoped3A : memref<!tpu.dma_semaphore, #tpu.memory_space<semaphore_mem>>)
      %dma_wait3A = arith.constant 0 : i32
      %dma_wait3A_19 = tpu.memref_slice %arg13[%mul3A_2, %dma_wait3A] : memref<10248x128xf32, #tpu.memory_space<vmem_shared>> -> memref<640x128xf32, #tpu.memory_space<vmem_shared>>
      %dma_wait3A_20 = arith.constant 0 : i32
      %dma_wait3A_21 = tpu.memref_slice %arg4[%mul3A_2, %dma_wait3A_20] : memref<10240x128xf32, #tpu.memory_space<hbm>> -> memref<640x128xf32, #tpu.memory_space<hbm>>
      tpu.wait_dma2 semaphore(%run_scoped3A : memref<!tpu.dma_semaphore, #tpu.memory_space<semaphore_mem>>) src(%dma_wait3A_21 : memref<640x128xf32, #tpu.memory_space<hbm>>) dst(%dma_wait3A_19 : memref<640x128xf32, #tpu.memory_space<vmem_shared>>)
      tpu.yield
    }) : () -> ()
    %barrier3A = arith.constant 0 : index
    tpu.barrier barrier_id(%barrier3A)
    %scan3A = arith.constant 0 : i32
    %scan3A_3 = arith.constant 0 : i32
    %scan3A_4 = arith.constant 28 : i32
    %scan3A_5 = arith.addi %scan3A_3, %scan3A_4 : i32
    %scan3A_6 = arith.constant 1 : i32
    scf.for %scan3A_16 = %scan3A_3 to %scan3A_5 step %scan3A_6  : i32 {
      %mul3A_17 = arith.constant 3 : i32
      %mul3A_18 = arith.muli %mul3A_17, %scan3A_16 : i32
      %add3A_19 = arith.constant 0 : i32
      %add3A_20 = arith.addi %mul3A_18, %add3A_19 : i32
      %mul3A_21 = arith.constant 32 : i32
      %mul3A_22 = arith.muli %mul3A_21, %add3A_20 : i32
      %add3A_23 = arith.addi %add3A, %mul3A_22 : i32
      "tpu.region"() ({
        %run_scoped3A_80 = tpu.sem_alloc : memref<!tpu.dma_semaphore, #tpu.memory_space<semaphore_mem>>
        %dma_start3A_81 = arith.constant 0 : i32
        %dma_start3A_82 = arith.constant 0 : i32
        %dma_start3A_83 = tpu.memref_slice %arg3[%add3A_23, %dma_start3A_81, %dma_start3A_82] : memref<2688x2x120xi32, #tpu.memory_space<hbm>> -> memref<1x2x120xi32, #tpu.memory_space<hbm>>
        %dma_start3A_84 = tpu.memref_squeeze %dma_start3A_83 : memref<1x2x120xi32, #tpu.memory_space<hbm>> -> memref<2x120xi32, #tpu.memory_space<hbm>>
        %dma_start3A_85 = arith.constant 0 : i32
        %dma_start3A_86 = arith.constant 0 : i32
        %dma_start3A_87 = tpu.memref_slice %arg3[%add3A_23, %dma_start3A_85, %dma_start3A_86] : memref<2688x2x120xi32, #tpu.memory_space<hbm>> -> memref<1x2x120xi32, #tpu.memory_space<hbm>>
        %dma_start3A_88 = tpu.memref_squeeze %dma_start3A_87 : memref<1x2x120xi32, #tpu.memory_space<hbm>> -> memref<2x120xi32, #tpu.memory_space<hbm>>
        tpu.enqueue_dma source(%dma_start3A_88 : memref<2x120xi32, #tpu.memory_space<hbm>>) target(%arg7 : memref<2x120xi32, #tpu.memory_space<vmem>>) target_semaphore(%run_scoped3A_80 : memref<!tpu.dma_semaphore, #tpu.memory_space<semaphore_mem>>)
        %dma_wait3A_89 = arith.constant 0 : i32
        %dma_wait3A_90 = arith.constant 0 : i32
        %dma_wait3A_91 = tpu.memref_slice %arg3[%add3A_23, %dma_wait3A_89, %dma_wait3A_90] : memref<2688x2x120xi32, #tpu.memory_space<hbm>> -> memref<1x2x120xi32, #tpu.memory_space<hbm>>
        %dma_wait3A_92 = tpu.memref_squeeze %dma_wait3A_91 : memref<1x2x120xi32, #tpu.memory_space<hbm>> -> memref<2x120xi32, #tpu.memory_space<hbm>>
        %dma_wait3A_93 = arith.constant 0 : i32
        %dma_wait3A_94 = arith.constant 0 : i32
        %dma_wait3A_95 = tpu.memref_slice %arg3[%add3A_23, %dma_wait3A_93, %dma_wait3A_94] : memref<2688x2x120xi32, #tpu.memory_space<hbm>> -> memref<1x2x120xi32, #tpu.memory_space<hbm>>
        %dma_wait3A_96 = tpu.memref_squeeze %dma_wait3A_95 : memref<1x2x120xi32, #tpu.memory_space<hbm>> -> memref<2x120xi32, #tpu.memory_space<hbm>>
        tpu.wait_dma2 semaphore(%run_scoped3A_80 : memref<!tpu.dma_semaphore, #tpu.memory_space<semaphore_mem>>) src(%dma_wait3A_96 : memref<2x120xi32, #tpu.memory_space<hbm>>) dst(%arg7 : memref<2x120xi32, #tpu.memory_space<vmem>>)
        tpu.yield
      }) : () -> ()
      %dma_start3A = arith.constant 0 : i32
      %dma_start3A_24 = arith.constant 0 : i32
      %dma_start3A_25 = tpu.memref_slice %arg7[%dma_start3A, %dma_start3A_24] : memref<2x120xi32, #tpu.memory_space<vmem>> -> memref<1x120xi32, #tpu.memory_space<vmem>>
      %dma_start3A_26 = tpu.memref_squeeze %dma_start3A_25 : memref<1x120xi32, #tpu.memory_space<vmem>> -> memref<120xi32, #tpu.memory_space<vmem>>
      %dma_start3A_27 = arith.constant 0 : i32
      %dma_start3A_28 = arith.constant 0 : i32
      %dma_start3A_29 = tpu.memref_slice %arg2[%dma_start3A_27, %dma_start3A_28] : memref<10000x128xf32, #tpu.memory_space<hbm>> -> memref<10000x128xf32, #tpu.memory_space<hbm>>
      tpu.enqueue_indirect_dma source(%dma_start3A_29 : memref<10000x128xf32, #tpu.memory_space<hbm>>) target(%arg10 : memref<120x128xf32, #tpu.memory_space<vmem>>) offsets(%dma_start3A_26 : memref<120xi32, #tpu.memory_space<vmem>>) semaphore(%arg14 : memref<!tpu.dma_semaphore, #tpu.memory_space<semaphore_mem>>)
      %mul3A_30 = arith.constant 3 : i32
      %mul3A_31 = arith.muli %mul3A_30, %scan3A_16 : i32
      %add3A_32 = arith.constant 1 : i32
      %add3A_33 = arith.addi %mul3A_31, %add3A_32 : i32
      %mul3A_34 = arith.constant 32 : i32
      %mul3A_35 = arith.muli %mul3A_34, %add3A_33 : i32
      %add3A_36 = arith.addi %add3A, %mul3A_35 : i32
      "tpu.region"() ({
        %run_scoped3A_80 = tpu.sem_alloc : memref<!tpu.dma_semaphore, #tpu.memory_space<semaphore_mem>>
        %dma_start3A_81 = arith.constant 0 : i32
        %dma_start3A_82 = arith.constant 0 : i32
        %dma_start3A_83 = tpu.memref_slice %arg3[%add3A_36, %dma_start3A_81, %dma_start3A_82] : memref<2688x2x120xi32, #tpu.memory_space<hbm>> -> memref<1x2x120xi32, #tpu.memory_space<hbm>>
        %dma_start3A_84 = tpu.memref_squeeze %dma_start3A_83 : memref<1x2x120xi32, #tpu.memory_space<hbm>> -> memref<2x120xi32, #tpu.memory_space<hbm>>
        %dma_start3A_85 = arith.constant 0 : i32
        %dma_start3A_86 = arith.constant 0 : i32
        %dma_start3A_87 = tpu.memref_slice %arg3[%add3A_36, %dma_start3A_85, %dma_start3A_86] : memref<2688x2x120xi32, #tpu.memory_space<hbm>> -> memref<1x2x120xi32, #tpu.memory_space<hbm>>
        %dma_start3A_88 = tpu.memref_squeeze %dma_start3A_87 : memref<1x2x120xi32, #tpu.memory_space<hbm>> -> memref<2x120xi32, #tpu.memory_space<hbm>>
        tpu.enqueue_dma source(%dma_start3A_88 : memref<2x120xi32, #tpu.memory_space<hbm>>) target(%arg8 : memref<2x120xi32, #tpu.memory_space<vmem>>) target_semaphore(%run_scoped3A_80 : memref<!tpu.dma_semaphore, #tpu.memory_space<semaphore_mem>>)
        %dma_wait3A_89 = arith.constant 0 : i32
        %dma_wait3A_90 = arith.constant 0 : i32
        %dma_wait3A_91 = tpu.memref_slice %arg3[%add3A_36, %dma_wait3A_89, %dma_wait3A_90] : memref<2688x2x120xi32, #tpu.memory_space<hbm>> -> memref<1x2x120xi32, #tpu.memory_space<hbm>>
        %dma_wait3A_92 = tpu.memref_squeeze %dma_wait3A_91 : memref<1x2x120xi32, #tpu.memory_space<hbm>> -> memref<2x120xi32, #tpu.memory_space<hbm>>
        %dma_wait3A_93 = arith.constant 0 : i32
        %dma_wait3A_94 = arith.constant 0 : i32
        %dma_wait3A_95 = tpu.memref_slice %arg3[%add3A_36, %dma_wait3A_93, %dma_wait3A_94] : memref<2688x2x120xi32, #tpu.memory_space<hbm>> -> memref<1x2x120xi32, #tpu.memory_space<hbm>>
        %dma_wait3A_96 = tpu.memref_squeeze %dma_wait3A_95 : memref<1x2x120xi32, #tpu.memory_space<hbm>> -> memref<2x120xi32, #tpu.memory_space<hbm>>
        tpu.wait_dma2 semaphore(%run_scoped3A_80 : memref<!tpu.dma_semaphore, #tpu.memory_space<semaphore_mem>>) src(%dma_wait3A_96 : memref<2x120xi32, #tpu.memory_space<hbm>>) dst(%arg8 : memref<2x120xi32, #tpu.memory_space<vmem>>)
        tpu.yield
      }) : () -> ()
      %dma_start3A_37 = arith.constant 0 : i32
      %dma_start3A_38 = arith.constant 0 : i32
      %dma_start3A_39 = tpu.memref_slice %arg8[%dma_start3A_37, %dma_start3A_38] : memref<2x120xi32, #tpu.memory_space<vmem>> -> memref<1x120xi32, #tpu.memory_space<vmem>>
      %dma_start3A_40 = tpu.memref_squeeze %dma_start3A_39 : memref<1x120xi32, #tpu.memory_space<vmem>> -> memref<120xi32, #tpu.memory_space<vmem>>
      %dma_start3A_41 = arith.constant 0 : i32
      %dma_start3A_42 = arith.constant 0 : i32
      %dma_start3A_43 = tpu.memref_slice %arg2[%dma_start3A_41, %dma_start3A_42] : memref<10000x128xf32, #tpu.memory_space<hbm>> -> memref<10000x128xf32, #tpu.memory_space<hbm>>
      tpu.enqueue_indirect_dma source(%dma_start3A_43 : memref<10000x128xf32, #tpu.memory_space<hbm>>) target(%arg11 : memref<120x128xf32, #tpu.memory_space<vmem>>) offsets(%dma_start3A_40 : memref<120xi32, #tpu.memory_space<vmem>>) semaphore(%arg15 : memref<!tpu.dma_semaphore, #tpu.memory_space<semaphore_mem>>)
      %mul3A_44 = arith.constant 3 : i32
      %mul3A_45 = arith.muli %mul3A_44, %scan3A_16 : i32
      %add3A_46 = arith.constant 2 : i32
      %add3A_47 = arith.addi %mul3A_45, %add3A_46 : i32
      %mul3A_48 = arith.constant 32 : i32
      %mul3A_49 = arith.muli %mul3A_48, %add3A_47 : i32
      %add3A_50 = arith.addi %add3A, %mul3A_49 : i32
      "tpu.region"() ({
        %run_scoped3A_80 = tpu.sem_alloc : memref<!tpu.dma_semaphore, #tpu.memory_space<semaphore_mem>>
        %dma_start3A_81 = arith.constant 0 : i32
        %dma_start3A_82 = arith.constant 0 : i32
        %dma_start3A_83 = tpu.memref_slice %arg3[%add3A_50, %dma_start3A_81, %dma_start3A_82] : memref<2688x2x120xi32, #tpu.memory_space<hbm>> -> memref<1x2x120xi32, #tpu.memory_space<hbm>>
        %dma_start3A_84 = tpu.memref_squeeze %dma_start3A_83 : memref<1x2x120xi32, #tpu.memory_space<hbm>> -> memref<2x120xi32, #tpu.memory_space<hbm>>
        %dma_start3A_85 = arith.constant 0 : i32
        %dma_start3A_86 = arith.constant 0 : i32
        %dma_start3A_87 = tpu.memref_slice %arg3[%add3A_50, %dma_start3A_85, %dma_start3A_86] : memref<2688x2x120xi32, #tpu.memory_space<hbm>> -> memref<1x2x120xi32, #tpu.memory_space<hbm>>
        %dma_start3A_88 = tpu.memref_squeeze %dma_start3A_87 : memref<1x2x120xi32, #tpu.memory_space<hbm>> -> memref<2x120xi32, #tpu.memory_space<hbm>>
        tpu.enqueue_dma source(%dma_start3A_88 : memref<2x120xi32, #tpu.memory_space<hbm>>) target(%arg9 : memref<2x120xi32, #tpu.memory_space<vmem>>) target_semaphore(%run_scoped3A_80 : memref<!tpu.dma_semaphore, #tpu.memory_space<semaphore_mem>>)
        %dma_wait3A_89 = arith.constant 0 : i32
        %dma_wait3A_90 = arith.constant 0 : i32
        %dma_wait3A_91 = tpu.memref_slice %arg3[%add3A_50, %dma_wait3A_89, %dma_wait3A_90] : memref<2688x2x120xi32, #tpu.memory_space<hbm>> -> memref<1x2x120xi32, #tpu.memory_space<hbm>>
        %dma_wait3A_92 = tpu.memref_squeeze %dma_wait3A_91 : memref<1x2x120xi32, #tpu.memory_space<hbm>> -> memref<2x120xi32, #tpu.memory_space<hbm>>
        %dma_wait3A_93 = arith.constant 0 : i32
        %dma_wait3A_94 = arith.constant 0 : i32
        %dma_wait3A_95 = tpu.memref_slice %arg3[%add3A_50, %dma_wait3A_93, %dma_wait3A_94] : memref<2688x2x120xi32, #tpu.memory_space<hbm>> -> memref<1x2x120xi32, #tpu.memory_space<hbm>>
        %dma_wait3A_96 = tpu.memref_squeeze %dma_wait3A_95 : memref<1x2x120xi32, #tpu.memory_space<hbm>> -> memref<2x120xi32, #tpu.memory_space<hbm>>
        tpu.wait_dma2 semaphore(%run_scoped3A_80 : memref<!tpu.dma_semaphore, #tpu.memory_space<semaphore_mem>>) src(%dma_wait3A_96 : memref<2x120xi32, #tpu.memory_space<hbm>>) dst(%arg9 : memref<2x120xi32, #tpu.memory_space<vmem>>)
        tpu.yield
      }) : () -> ()
      %dma_start3A_51 = arith.constant 0 : i32
      %dma_start3A_52 = arith.constant 0 : i32
      %dma_start3A_53 = tpu.memref_slice %arg9[%dma_start3A_51, %dma_start3A_52] : memref<2x120xi32, #tpu.memory_space<vmem>> -> memref<1x120xi32, #tpu.memory_space<vmem>>
      %dma_start3A_54 = tpu.memref_squeeze %dma_start3A_53 : memref<1x120xi32, #tpu.memory_space<vmem>> -> memref<120xi32, #tpu.memory_space<vmem>>
      %dma_start3A_55 = arith.constant 0 : i32
      %dma_start3A_56 = arith.constant 0 : i32
      %dma_start3A_57 = tpu.memref_slice %arg2[%dma_start3A_55, %dma_start3A_56] : memref<10000x128xf32, #tpu.memory_space<hbm>> -> memref<10000x128xf32, #tpu.memory_space<hbm>>
      tpu.enqueue_indirect_dma source(%dma_start3A_57 : memref<10000x128xf32, #tpu.memory_space<hbm>>) target(%arg12 : memref<120x128xf32, #tpu.memory_space<vmem>>) offsets(%dma_start3A_54 : memref<120xi32, #tpu.memory_space<vmem>>) semaphore(%arg16 : memref<!tpu.dma_semaphore, #tpu.memory_space<semaphore_mem>>)
      %dma_wait3A = arith.constant 0 : i32
      %dma_wait3A_58 = arith.constant 0 : i32
      %dma_wait3A_59 = tpu.memref_slice %arg7[%dma_wait3A, %dma_wait3A_58] : memref<2x120xi32, #tpu.memory_space<vmem>> -> memref<1x120xi32, #tpu.memory_space<vmem>>
      %dma_wait3A_60 = tpu.memref_squeeze %dma_wait3A_59 : memref<1x120xi32, #tpu.memory_space<vmem>> -> memref<120xi32, #tpu.memory_space<vmem>>
      %dma_wait3A_61 = arith.constant 0 : i32
      %dma_wait3A_62 = arith.constant 0 : i32
      %dma_wait3A_63 = tpu.memref_slice %arg2[%dma_wait3A_61, %dma_wait3A_62] : memref<10000x128xf32, #tpu.memory_space<hbm>> -> memref<10000x128xf32, #tpu.memory_space<hbm>>
      tpu.wait_indirect_dma semaphore(%arg14 : memref<!tpu.dma_semaphore, #tpu.memory_space<semaphore_mem>>) src(%dma_wait3A_63 : memref<10000x128xf32, #tpu.memory_space<hbm>>) dst(%arg10 : memref<120x128xf32, #tpu.memory_space<vmem>>)
      %run_scoped3A = arith.constant 1 : i32
      "tpu.region"() ({
        %run_scoped3A_80 = tpu.sem_alloc : memref<!tpu.dma_semaphore, #tpu.memory_space<semaphore_mem>>
        %dma_start3A_81 = arith.constant 0 : i32
        %dma_start3A_82 = tpu.memref_slice %arg7[%run_scoped3A, %dma_start3A_81] : memref<2x120xi32, #tpu.memory_space<vmem>> -> memref<1x120xi32, #tpu.memory_space<vmem>>
        %dma_start3A_83 = tpu.memref_squeeze %dma_start3A_82 : memref<1x120xi32, #tpu.memory_space<vmem>> -> memref<120xi32, #tpu.memory_space<vmem>>
        %dma_start3A_84 = arith.constant 0 : i32
        %dma_start3A_85 = arith.constant 0 : i32
        %dma_start3A_86 = tpu.memref_slice %arg13[%dma_start3A_84, %dma_start3A_85] : memref<10248x128xf32, #tpu.memory_space<vmem_shared>> -> memref<10248x128xf32, #tpu.memory_space<vmem_shared>>
        tpu.enqueue_indirect_dma source(%arg10 : memref<120x128xf32, #tpu.memory_space<vmem>>) target(%dma_start3A_86 : memref<10248x128xf32, #tpu.memory_space<vmem_shared>>) offsets(%dma_start3A_83 : memref<120xi32, #tpu.memory_space<vmem>>) semaphore(%run_scoped3A_80 : memref<!tpu.dma_semaphore, #tpu.memory_space<semaphore_mem>>) {add = true}
        %dma_wait3A_87 = arith.constant 0 : i32
        %dma_wait3A_88 = tpu.memref_slice %arg7[%run_scoped3A, %dma_wait3A_87] : memref<2x120xi32, #tpu.memory_space<vmem>> -> memref<1x120xi32, #tpu.memory_space<vmem>>
        %dma_wait3A_89 = tpu.memref_squeeze %dma_wait3A_88 : memref<1x120xi32, #tpu.memory_space<vmem>> -> memref<120xi32, #tpu.memory_space<vmem>>
        %dma_wait3A_90 = arith.constant 0 : i32
        %dma_wait3A_91 = arith.constant 0 : i32
        %dma_wait3A_92 = tpu.memref_slice %arg13[%dma_wait3A_90, %dma_wait3A_91] : memref<10248x128xf32, #tpu.memory_space<vmem_shared>> -> memref<10248x128xf32, #tpu.memory_space<vmem_shared>>
        tpu.wait_indirect_dma semaphore(%run_scoped3A_80 : memref<!tpu.dma_semaphore, #tpu.memory_space<semaphore_mem>>) src(%arg10 : memref<120x128xf32, #tpu.memory_space<vmem>>) dst(%dma_wait3A_92 : memref<10248x128xf32, #tpu.memory_space<vmem_shared>>)
        tpu.yield
      }) : () -> ()
      %dma_wait3A_64 = arith.constant 0 : i32
      %dma_wait3A_65 = arith.constant 0 : i32
      %dma_wait3A_66 = tpu.memref_slice %arg8[%dma_wait3A_64, %dma_wait3A_65] : memref<2x120xi32, #tpu.memory_space<vmem>> -> memref<1x120xi32, #tpu.memory_space<vmem>>
      %dma_wait3A_67 = tpu.memref_squeeze %dma_wait3A_66 : memref<1x120xi32, #tpu.memory_space<vmem>> -> memref<120xi32, #tpu.memory_space<vmem>>
      %dma_wait3A_68 = arith.constant 0 : i32
      %dma_wait3A_69 = arith.constant 0 : i32
      %dma_wait3A_70 = tpu.memref_slice %arg2[%dma_wait3A_68, %dma_wait3A_69] : memref<10000x128xf32, #tpu.memory_space<hbm>> -> memref<10000x128xf32, #tpu.memory_space<hbm>>
      tpu.wait_indirect_dma semaphore(%arg15 : memref<!tpu.dma_semaphore, #tpu.memory_space<semaphore_mem>>) src(%dma_wait3A_70 : memref<10000x128xf32, #tpu.memory_space<hbm>>) dst(%arg11 : memref<120x128xf32, #tpu.memory_space<vmem>>)
      %run_scoped3A_71 = arith.constant 1 : i32
      "tpu.region"() ({
        %run_scoped3A_80 = tpu.sem_alloc : memref<!tpu.dma_semaphore, #tpu.memory_space<semaphore_mem>>
        %dma_start3A_81 = arith.constant 0 : i32
        %dma_start3A_82 = tpu.memref_slice %arg8[%run_scoped3A_71, %dma_start3A_81] : memref<2x120xi32, #tpu.memory_space<vmem>> -> memref<1x120xi32, #tpu.memory_space<vmem>>
        %dma_start3A_83 = tpu.memref_squeeze %dma_start3A_82 : memref<1x120xi32, #tpu.memory_space<vmem>> -> memref<120xi32, #tpu.memory_space<vmem>>
        %dma_start3A_84 = arith.constant 0 : i32
        %dma_start3A_85 = arith.constant 0 : i32
        %dma_start3A_86 = tpu.memref_slice %arg13[%dma_start3A_84, %dma_start3A_85] : memref<10248x128xf32, #tpu.memory_space<vmem_shared>> -> memref<10248x128xf32, #tpu.memory_space<vmem_shared>>
        tpu.enqueue_indirect_dma source(%arg11 : memref<120x128xf32, #tpu.memory_space<vmem>>) target(%dma_start3A_86 : memref<10248x128xf32, #tpu.memory_space<vmem_shared>>) offsets(%dma_start3A_83 : memref<120xi32, #tpu.memory_space<vmem>>) semaphore(%run_scoped3A_80 : memref<!tpu.dma_semaphore, #tpu.memory_space<semaphore_mem>>) {add = true}
        %dma_wait3A_87 = arith.constant 0 : i32
        %dma_wait3A_88 = tpu.memref_slice %arg8[%run_scoped3A_71, %dma_wait3A_87] : memref<2x120xi32, #tpu.memory_space<vmem>> -> memref<1x120xi32, #tpu.memory_space<vmem>>
        %dma_wait3A_89 = tpu.memref_squeeze %dma_wait3A_88 : memref<1x120xi32, #tpu.memory_space<vmem>> -> memref<120xi32, #tpu.memory_space<vmem>>
        %dma_wait3A_90 = arith.constant 0 : i32
        %dma_wait3A_91 = arith.constant 0 : i32
        %dma_wait3A_92 = tpu.memref_slice %arg13[%dma_wait3A_90, %dma_wait3A_91] : memref<10248x128xf32, #tpu.memory_space<vmem_shared>> -> memref<10248x128xf32, #tpu.memory_space<vmem_shared>>
        tpu.wait_indirect_dma semaphore(%run_scoped3A_80 : memref<!tpu.dma_semaphore, #tpu.memory_space<semaphore_mem>>) src(%arg11 : memref<120x128xf32, #tpu.memory_space<vmem>>) dst(%dma_wait3A_92 : memref<10248x128xf32, #tpu.memory_space<vmem_shared>>)
        tpu.yield
      }) : () -> ()
      %dma_wait3A_72 = arith.constant 0 : i32
      %dma_wait3A_73 = arith.constant 0 : i32
      %dma_wait3A_74 = tpu.memref_slice %arg9[%dma_wait3A_72, %dma_wait3A_73] : memref<2x120xi32, #tpu.memory_space<vmem>> -> memref<1x120xi32, #tpu.memory_space<vmem>>
      %dma_wait3A_75 = tpu.memref_squeeze %dma_wait3A_74 : memref<1x120xi32, #tpu.memory_space<vmem>> -> memref<120xi32, #tpu.memory_space<vmem>>
      %dma_wait3A_76 = arith.constant 0 : i32
      %dma_wait3A_77 = arith.constant 0 : i32
      %dma_wait3A_78 = tpu.memref_slice %arg2[%dma_wait3A_76, %dma_wait3A_77] : memref<10000x128xf32, #tpu.memory_space<hbm>> -> memref<10000x128xf32, #tpu.memory_space<hbm>>
      tpu.wait_indirect_dma semaphore(%arg16 : memref<!tpu.dma_semaphore, #tpu.memory_space<semaphore_mem>>) src(%dma_wait3A_78 : memref<10000x128xf32, #tpu.memory_space<hbm>>) dst(%arg12 : memref<120x128xf32, #tpu.memory_space<vmem>>)
      %run_scoped3A_79 = arith.constant 1 : i32
      "tpu.region"() ({
        %run_scoped3A_80 = tpu.sem_alloc : memref<!tpu.dma_semaphore, #tpu.memory_space<semaphore_mem>>
        %dma_start3A_81 = arith.constant 0 : i32
        %dma_start3A_82 = tpu.memref_slice %arg9[%run_scoped3A_79, %dma_start3A_81] : memref<2x120xi32, #tpu.memory_space<vmem>> -> memref<1x120xi32, #tpu.memory_space<vmem>>
        %dma_start3A_83 = tpu.memref_squeeze %dma_start3A_82 : memref<1x120xi32, #tpu.memory_space<vmem>> -> memref<120xi32, #tpu.memory_space<vmem>>
        %dma_start3A_84 = arith.constant 0 : i32
        %dma_start3A_85 = arith.constant 0 : i32
        %dma_start3A_86 = tpu.memref_slice %arg13[%dma_start3A_84, %dma_start3A_85] : memref<10248x128xf32, #tpu.memory_space<vmem_shared>> -> memref<10248x128xf32, #tpu.memory_space<vmem_shared>>
        tpu.enqueue_indirect_dma source(%arg12 : memref<120x128xf32, #tpu.memory_space<vmem>>) target(%dma_start3A_86 : memref<10248x128xf32, #tpu.memory_space<vmem_shared>>) offsets(%dma_start3A_83 : memref<120xi32, #tpu.memory_space<vmem>>) semaphore(%run_scoped3A_80 : memref<!tpu.dma_semaphore, #tpu.memory_space<semaphore_mem>>) {add = true}
        %dma_wait3A_87 = arith.constant 0 : i32
        %dma_wait3A_88 = tpu.memref_slice %arg9[%run_scoped3A_79, %dma_wait3A_87] : memref<2x120xi32, #tpu.memory_space<vmem>> -> memref<1x120xi32, #tpu.memory_space<vmem>>
        %dma_wait3A_89 = tpu.memref_squeeze %dma_wait3A_88 : memref<1x120xi32, #tpu.memory_space<vmem>> -> memref<120xi32, #tpu.memory_space<vmem>>
        %dma_wait3A_90 = arith.constant 0 : i32
        %dma_wait3A_91 = arith.constant 0 : i32
        %dma_wait3A_92 = tpu.memref_slice %arg13[%dma_wait3A_90, %dma_wait3A_91] : memref<10248x128xf32, #tpu.memory_space<vmem_shared>> -> memref<10248x128xf32, #tpu.memory_space<vmem_shared>>
        tpu.wait_indirect_dma semaphore(%run_scoped3A_80 : memref<!tpu.dma_semaphore, #tpu.memory_space<semaphore_mem>>) src(%arg12 : memref<120x128xf32, #tpu.memory_space<vmem>>) dst(%dma_wait3A_92 : memref<10248x128xf32, #tpu.memory_space<vmem_shared>>)
        tpu.yield
      }) : () -> ()
    }
    %scan3A_7 = arith.constant 28 : i32
    %barrier3A_8 = arith.constant 0 : index
    tpu.barrier barrier_id(%barrier3A_8)
    %eq3A = arith.constant 0 : i32
    %eq3A_9 = arith.cmpi eq, %arg0, %eq3A : i32
    %convert_element_type3A = arith.extui %eq3A_9 : i1 to i32
    %cond3A = arith.constant 0 : i32
    %cond3A_10 = arith.cmpi ne, %convert_element_type3A, %cond3A : i32
    scf.if %cond3A_10 {
      "tpu.region"() ({
        %run_scoped3A = tpu.sem_alloc : memref<!tpu.dma_semaphore, #tpu.memory_space<semaphore_mem>>
        %dma_start3A = arith.constant 0 : i32
        %dma_start3A_16 = tpu.memref_slice %arg5[%mul3A_2, %dma_start3A] : memref<10240x128xf32, #tpu.memory_space<hbm>> -> memref<640x128xf32, #tpu.memory_space<hbm>>
        %dma_start3A_17 = arith.constant 0 : i32
        %dma_start3A_18 = tpu.memref_slice %arg13[%mul3A_2, %dma_start3A_17] : memref<10248x128xf32, #tpu.memory_space<vmem_shared>> -> memref<640x128xf32, #tpu.memory_space<vmem_shared>>
        tpu.enqueue_dma source(%dma_start3A_18 : memref<640x128xf32, #tpu.memory_space<vmem_shared>>) target(%dma_start3A_16 : memref<640x128xf32, #tpu.memory_space<hbm>>) target_semaphore(%run_scoped3A : memref<!tpu.dma_semaphore, #tpu.memory_space<semaphore_mem>>)
        %dma_wait3A = arith.constant 0 : i32
        %dma_wait3A_19 = tpu.memref_slice %arg5[%mul3A_2, %dma_wait3A] : memref<10240x128xf32, #tpu.memory_space<hbm>> -> memref<640x128xf32, #tpu.memory_space<hbm>>
        %dma_wait3A_20 = arith.constant 0 : i32
        %dma_wait3A_21 = tpu.memref_slice %arg13[%mul3A_2, %dma_wait3A_20] : memref<10248x128xf32, #tpu.memory_space<vmem_shared>> -> memref<640x128xf32, #tpu.memory_space<vmem_shared>>
        tpu.wait_dma2 semaphore(%run_scoped3A : memref<!tpu.dma_semaphore, #tpu.memory_space<semaphore_mem>>) src(%dma_wait3A_21 : memref<640x128xf32, #tpu.memory_space<vmem_shared>>) dst(%dma_wait3A_19 : memref<640x128xf32, #tpu.memory_space<hbm>>)
        tpu.yield
      }) : () -> ()
    } else {
    }
    %eq3A_11 = arith.constant 1 : i32
    %eq3A_12 = arith.cmpi eq, %arg0, %eq3A_11 : i32
    %convert_element_type3A_13 = arith.extui %eq3A_12 : i1 to i32
    %cond3A_14 = arith.constant 0 : i32
    %cond3A_15 = arith.cmpi ne, %convert_element_type3A_13, %cond3A_14 : i32
    scf.if %cond3A_15 {
      "tpu.region"() ({
        %run_scoped3A = tpu.sem_alloc : memref<!tpu.dma_semaphore, #tpu.memory_space<semaphore_mem>>
        %dma_start3A = arith.constant 0 : i32
        %dma_start3A_16 = tpu.memref_slice %arg6[%mul3A_2, %dma_start3A] : memref<10240x128xf32, #tpu.memory_space<hbm>> -> memref<640x128xf32, #tpu.memory_space<hbm>>
        %dma_start3A_17 = arith.constant 0 : i32
        %dma_start3A_18 = tpu.memref_slice %arg13[%mul3A_2, %dma_start3A_17] : memref<10248x128xf32, #tpu.memory_space<vmem_shared>> -> memref<640x128xf32, #tpu.memory_space<vmem_shared>>
        tpu.enqueue_dma source(%dma_start3A_18 : memref<640x128xf32, #tpu.memory_space<vmem_shared>>) target(%dma_start3A_16 : memref<640x128xf32, #tpu.memory_space<hbm>>) target_semaphore(%run_scoped3A : memref<!tpu.dma_semaphore, #tpu.memory_space<semaphore_mem>>)
        %dma_wait3A = arith.constant 0 : i32
        %dma_wait3A_19 = tpu.memref_slice %arg6[%mul3A_2, %dma_wait3A] : memref<10240x128xf32, #tpu.memory_space<hbm>> -> memref<640x128xf32, #tpu.memory_space<hbm>>
        %dma_wait3A_20 = arith.constant 0 : i32
        %dma_wait3A_21 = tpu.memref_slice %arg13[%mul3A_2, %dma_wait3A_20] : memref<10248x128xf32, #tpu.memory_space<vmem_shared>> -> memref<640x128xf32, #tpu.memory_space<vmem_shared>>
        tpu.wait_dma2 semaphore(%run_scoped3A : memref<!tpu.dma_semaphore, #tpu.memory_space<semaphore_mem>>) src(%dma_wait3A_21 : memref<640x128xf32, #tpu.memory_space<vmem_shared>>) dst(%dma_wait3A_19 : memref<640x128xf32, #tpu.memory_space<hbm>>)
        tpu.yield
      }) : () -> ()
    } else {
    }
    return
  }
}

#map = affine_map<(d0, d1) -> (0, 0)>
#map1 = affine_map<(d0, d1) -> (0, 0, 0)>
module attributes {stable_mosaic.version = 14 : i64} {
  func.func @edge_kernel(%arg0: i32, %arg1: i32, %arg2: memref<10000x128xf32, #tpu.memory_space<hbm>>, %arg3: memref<2688x2x120xi32, #tpu.memory_space<hbm>>, %arg4: memref<10240x128xf32, #tpu.memory_space<hbm>>, %arg5: memref<10240x128xf32, #tpu.memory_space<hbm>>, %arg6: memref<10240x128xf32, #tpu.memory_space<hbm>>, %arg7: memref<2x120xi32, #tpu.memory_space<vmem>>, %arg8: memref<2x120xi32, #tpu.memory_space<vmem>>, %arg9: memref<2x120xi32, #tpu.memory_space<vmem>>, %arg10: memref<120x128xf32, #tpu.memory_space<vmem>>, %arg11: memref<120x128xf32, #tpu.memory_space<vmem>>, %arg12: memref<120x128xf32, #tpu.memory_space<vmem>>, %arg13: memref<10248x128xf32, #tpu.memory_space<vmem_shared>>, %arg14: memref<!tpu.dma_semaphore, #tpu.memory_space<semaphore_mem>>, %arg15: memref<!tpu.dma_semaphore, #tpu.memory_space<semaphore_mem>>, %arg16: memref<!tpu.dma_semaphore, #tpu.memory_space<semaphore_mem>>) attributes {dimension_semantics = [#tpu.dimension_semantics<core_parallel>, #tpu.dimension_semantics<subcore_parallel>], iteration_bounds = array<i64: 2, 16>, scalar_prefetch = 0 : i64, scratch_operands = 10 : i64, tpu.core_type = #tpu.core_type<sc_vector_subcore>, window_params = [{transform_indices = #map}, {transform_indices = #map1}, {transform_indices = #map}, {transform_indices = #map}, {transform_indices = #map}]} {
    %mul3A = arith.constant 16 : i32
    %mul3A_0 = arith.muli %arg0, %mul3A : i32
    %add3A = arith.addi %mul3A_0, %arg1 : i32
    %mul3A_1 = arith.constant 640 : i32
    %mul3A_2 = arith.muli %arg1, %mul3A_1 : i32
    "tpu.region"() ({
      %run_scoped3A = tpu.sem_alloc : memref<!tpu.dma_semaphore, #tpu.memory_space<semaphore_mem>>
      %dma_start3A = arith.constant 0 : i32
      %dma_start3A_16 = tpu.memref_slice %arg13[%mul3A_2, %dma_start3A] : memref<10248x128xf32, #tpu.memory_space<vmem_shared>> -> memref<640x128xf32, #tpu.memory_space<vmem_shared>>
      %dma_start3A_17 = arith.constant 0 : i32
      %dma_start3A_18 = tpu.memref_slice %arg4[%mul3A_2, %dma_start3A_17] : memref<10240x128xf32, #tpu.memory_space<hbm>> -> memref<640x128xf32, #tpu.memory_space<hbm>>
      tpu.enqueue_dma source(%dma_start3A_18 : memref<640x128xf32, #tpu.memory_space<hbm>>) target(%dma_start3A_16 : memref<640x128xf32, #tpu.memory_space<vmem_shared>>) target_semaphore(%run_scoped3A : memref<!tpu.dma_semaphore, #tpu.memory_space<semaphore_mem>>)
      %dma_wait3A = arith.constant 0 : i32
      %dma_wait3A_19 = tpu.memref_slice %arg13[%mul3A_2, %dma_wait3A] : memref<10248x128xf32, #tpu.memory_space<vmem_shared>> -> memref<640x128xf32, #tpu.memory_space<vmem_shared>>
      %dma_wait3A_20 = arith.constant 0 : i32
      %dma_wait3A_21 = tpu.memref_slice %arg4[%mul3A_2, %dma_wait3A_20] : memref<10240x128xf32, #tpu.memory_space<hbm>> -> memref<640x128xf32, #tpu.memory_space<hbm>>
      tpu.wait_dma2 semaphore(%run_scoped3A : memref<!tpu.dma_semaphore, #tpu.memory_space<semaphore_mem>>) src(%dma_wait3A_21 : memref<640x128xf32, #tpu.memory_space<hbm>>) dst(%dma_wait3A_19 : memref<640x128xf32, #tpu.memory_space<vmem_shared>>)
      tpu.yield
    }) : () -> ()
    %barrier3A = arith.constant 0 : index
    tpu.barrier barrier_id(%barrier3A)
    %scan3A = arith.constant 0 : i32
    %scan3A_3 = arith.constant 0 : i32
    %scan3A_4 = arith.constant 28 : i32
    %scan3A_5 = arith.addi %scan3A_3, %scan3A_4 : i32
    %scan3A_6 = arith.constant 1 : i32
    scf.for %scan3A_16 = %scan3A_3 to %scan3A_5 step %scan3A_6  : i32 {
      %mul3A_17 = arith.constant 3 : i32
      %mul3A_18 = arith.muli %mul3A_17, %scan3A_16 : i32
      %add3A_19 = arith.constant 0 : i32
      %add3A_20 = arith.addi %mul3A_18, %add3A_19 : i32
      %mul3A_21 = arith.constant 32 : i32
      %mul3A_22 = arith.muli %mul3A_21, %add3A_20 : i32
      %add3A_23 = arith.addi %add3A, %mul3A_22 : i32
      "tpu.region"() ({
        %run_scoped3A_80 = tpu.sem_alloc : memref<!tpu.dma_semaphore, #tpu.memory_space<semaphore_mem>>
        %dma_start3A_81 = arith.constant 0 : i32
        %dma_start3A_82 = arith.constant 0 : i32
        %dma_start3A_83 = tpu.memref_slice %arg3[%add3A_23, %dma_start3A_81, %dma_start3A_82] : memref<2688x2x120xi32, #tpu.memory_space<hbm>> -> memref<1x2x120xi32, #tpu.memory_space<hbm>>
        %dma_start3A_84 = tpu.memref_squeeze %dma_start3A_83 : memref<1x2x120xi32, #tpu.memory_space<hbm>> -> memref<2x120xi32, #tpu.memory_space<hbm>>
        %dma_start3A_85 = arith.constant 0 : i32
        %dma_start3A_86 = arith.constant 0 : i32
        %dma_start3A_87 = tpu.memref_slice %arg3[%add3A_23, %dma_start3A_85, %dma_start3A_86] : memref<2688x2x120xi32, #tpu.memory_space<hbm>> -> memref<1x2x120xi32, #tpu.memory_space<hbm>>
        %dma_start3A_88 = tpu.memref_squeeze %dma_start3A_87 : memref<1x2x120xi32, #tpu.memory_space<hbm>> -> memref<2x120xi32, #tpu.memory_space<hbm>>
        tpu.enqueue_dma source(%dma_start3A_88 : memref<2x120xi32, #tpu.memory_space<hbm>>) target(%arg7 : memref<2x120xi32, #tpu.memory_space<vmem>>) target_semaphore(%run_scoped3A_80 : memref<!tpu.dma_semaphore, #tpu.memory_space<semaphore_mem>>)
        %dma_wait3A_89 = arith.constant 0 : i32
        %dma_wait3A_90 = arith.constant 0 : i32
        %dma_wait3A_91 = tpu.memref_slice %arg3[%add3A_23, %dma_wait3A_89, %dma_wait3A_90] : memref<2688x2x120xi32, #tpu.memory_space<hbm>> -> memref<1x2x120xi32, #tpu.memory_space<hbm>>
        %dma_wait3A_92 = tpu.memref_squeeze %dma_wait3A_91 : memref<1x2x120xi32, #tpu.memory_space<hbm>> -> memref<2x120xi32, #tpu.memory_space<hbm>>
        %dma_wait3A_93 = arith.constant 0 : i32
        %dma_wait3A_94 = arith.constant 0 : i32
        %dma_wait3A_95 = tpu.memref_slice %arg3[%add3A_23, %dma_wait3A_93, %dma_wait3A_94] : memref<2688x2x120xi32, #tpu.memory_space<hbm>> -> memref<1x2x120xi32, #tpu.memory_space<hbm>>
        %dma_wait3A_96 = tpu.memref_squeeze %dma_wait3A_95 : memref<1x2x120xi32, #tpu.memory_space<hbm>> -> memref<2x120xi32, #tpu.memory_space<hbm>>
        tpu.wait_dma2 semaphore(%run_scoped3A_80 : memref<!tpu.dma_semaphore, #tpu.memory_space<semaphore_mem>>) src(%dma_wait3A_96 : memref<2x120xi32, #tpu.memory_space<hbm>>) dst(%arg7 : memref<2x120xi32, #tpu.memory_space<vmem>>)
        tpu.yield
      }) : () -> ()
      %dma_start3A = arith.constant 0 : i32
      %dma_start3A_24 = arith.constant 0 : i32
      %dma_start3A_25 = tpu.memref_slice %arg7[%dma_start3A, %dma_start3A_24] : memref<2x120xi32, #tpu.memory_space<vmem>> -> memref<1x120xi32, #tpu.memory_space<vmem>>
      %dma_start3A_26 = tpu.memref_squeeze %dma_start3A_25 : memref<1x120xi32, #tpu.memory_space<vmem>> -> memref<120xi32, #tpu.memory_space<vmem>>
      %dma_start3A_27 = arith.constant 0 : i32
      %dma_start3A_28 = arith.constant 0 : i32
      %dma_start3A_29 = tpu.memref_slice %arg2[%dma_start3A_27, %dma_start3A_28] : memref<10000x128xf32, #tpu.memory_space<hbm>> -> memref<10000x128xf32, #tpu.memory_space<hbm>>
      tpu.enqueue_indirect_dma source(%dma_start3A_29 : memref<10000x128xf32, #tpu.memory_space<hbm>>) target(%arg10 : memref<120x128xf32, #tpu.memory_space<vmem>>) offsets(%dma_start3A_26 : memref<120xi32, #tpu.memory_space<vmem>>) semaphore(%arg14 : memref<!tpu.dma_semaphore, #tpu.memory_space<semaphore_mem>>)
      %mul3A_30 = arith.constant 3 : i32
      %mul3A_31 = arith.muli %mul3A_30, %scan3A_16 : i32
      %add3A_32 = arith.constant 1 : i32
      %add3A_33 = arith.addi %mul3A_31, %add3A_32 : i32
      %mul3A_34 = arith.constant 32 : i32
      %mul3A_35 = arith.muli %mul3A_34, %add3A_33 : i32
      %add3A_36 = arith.addi %add3A, %mul3A_35 : i32
      "tpu.region"() ({
        %run_scoped3A_80 = tpu.sem_alloc : memref<!tpu.dma_semaphore, #tpu.memory_space<semaphore_mem>>
        %dma_start3A_81 = arith.constant 0 : i32
        %dma_start3A_82 = arith.constant 0 : i32
        %dma_start3A_83 = tpu.memref_slice %arg3[%add3A_36, %dma_start3A_81, %dma_start3A_82] : memref<2688x2x120xi32, #tpu.memory_space<hbm>> -> memref<1x2x120xi32, #tpu.memory_space<hbm>>
        %dma_start3A_84 = tpu.memref_squeeze %dma_start3A_83 : memref<1x2x120xi32, #tpu.memory_space<hbm>> -> memref<2x120xi32, #tpu.memory_space<hbm>>
        %dma_start3A_85 = arith.constant 0 : i32
        %dma_start3A_86 = arith.constant 0 : i32
        %dma_start3A_87 = tpu.memref_slice %arg3[%add3A_36, %dma_start3A_85, %dma_start3A_86] : memref<2688x2x120xi32, #tpu.memory_space<hbm>> -> memref<1x2x120xi32, #tpu.memory_space<hbm>>
        %dma_start3A_88 = tpu.memref_squeeze %dma_start3A_87 : memref<1x2x120xi32, #tpu.memory_space<hbm>> -> memref<2x120xi32, #tpu.memory_space<hbm>>
        tpu.enqueue_dma source(%dma_start3A_88 : memref<2x120xi32, #tpu.memory_space<hbm>>) target(%arg8 : memref<2x120xi32, #tpu.memory_space<vmem>>) target_semaphore(%run_scoped3A_80 : memref<!tpu.dma_semaphore, #tpu.memory_space<semaphore_mem>>)
        %dma_wait3A_89 = arith.constant 0 : i32
        %dma_wait3A_90 = arith.constant 0 : i32
        %dma_wait3A_91 = tpu.memref_slice %arg3[%add3A_36, %dma_wait3A_89, %dma_wait3A_90] : memref<2688x2x120xi32, #tpu.memory_space<hbm>> -> memref<1x2x120xi32, #tpu.memory_space<hbm>>
        %dma_wait3A_92 = tpu.memref_squeeze %dma_wait3A_91 : memref<1x2x120xi32, #tpu.memory_space<hbm>> -> memref<2x120xi32, #tpu.memory_space<hbm>>
        %dma_wait3A_93 = arith.constant 0 : i32
        %dma_wait3A_94 = arith.constant 0 : i32
        %dma_wait3A_95 = tpu.memref_slice %arg3[%add3A_36, %dma_wait3A_93, %dma_wait3A_94] : memref<2688x2x120xi32, #tpu.memory_space<hbm>> -> memref<1x2x120xi32, #tpu.memory_space<hbm>>
        %dma_wait3A_96 = tpu.memref_squeeze %dma_wait3A_95 : memref<1x2x120xi32, #tpu.memory_space<hbm>> -> memref<2x120xi32, #tpu.memory_space<hbm>>
        tpu.wait_dma2 semaphore(%run_scoped3A_80 : memref<!tpu.dma_semaphore, #tpu.memory_space<semaphore_mem>>) src(%dma_wait3A_96 : memref<2x120xi32, #tpu.memory_space<hbm>>) dst(%arg8 : memref<2x120xi32, #tpu.memory_space<vmem>>)
        tpu.yield
      }) : () -> ()
      %dma_start3A_37 = arith.constant 0 : i32
      %dma_start3A_38 = arith.constant 0 : i32
      %dma_start3A_39 = tpu.memref_slice %arg8[%dma_start3A_37, %dma_start3A_38] : memref<2x120xi32, #tpu.memory_space<vmem>> -> memref<1x120xi32, #tpu.memory_space<vmem>>
      %dma_start3A_40 = tpu.memref_squeeze %dma_start3A_39 : memref<1x120xi32, #tpu.memory_space<vmem>> -> memref<120xi32, #tpu.memory_space<vmem>>
      %dma_start3A_41 = arith.constant 0 : i32
      %dma_start3A_42 = arith.constant 0 : i32
      %dma_start3A_43 = tpu.memref_slice %arg2[%dma_start3A_41, %dma_start3A_42] : memref<10000x128xf32, #tpu.memory_space<hbm>> -> memref<10000x128xf32, #tpu.memory_space<hbm>>
      tpu.enqueue_indirect_dma source(%dma_start3A_43 : memref<10000x128xf32, #tpu.memory_space<hbm>>) target(%arg11 : memref<120x128xf32, #tpu.memory_space<vmem>>) offsets(%dma_start3A_40 : memref<120xi32, #tpu.memory_space<vmem>>) semaphore(%arg15 : memref<!tpu.dma_semaphore, #tpu.memory_space<semaphore_mem>>)
      %mul3A_44 = arith.constant 3 : i32
      %mul3A_45 = arith.muli %mul3A_44, %scan3A_16 : i32
      %add3A_46 = arith.constant 2 : i32
      %add3A_47 = arith.addi %mul3A_45, %add3A_46 : i32
      %mul3A_48 = arith.constant 32 : i32
      %mul3A_49 = arith.muli %mul3A_48, %add3A_47 : i32
      %add3A_50 = arith.addi %add3A, %mul3A_49 : i32
      "tpu.region"() ({
        %run_scoped3A_80 = tpu.sem_alloc : memref<!tpu.dma_semaphore, #tpu.memory_space<semaphore_mem>>
        %dma_start3A_81 = arith.constant 0 : i32
        %dma_start3A_82 = arith.constant 0 : i32
        %dma_start3A_83 = tpu.memref_slice %arg3[%add3A_50, %dma_start3A_81, %dma_start3A_82] : memref<2688x2x120xi32, #tpu.memory_space<hbm>> -> memref<1x2x120xi32, #tpu.memory_space<hbm>>
        %dma_start3A_84 = tpu.memref_squeeze %dma_start3A_83 : memref<1x2x120xi32, #tpu.memory_space<hbm>> -> memref<2x120xi32, #tpu.memory_space<hbm>>
        %dma_start3A_85 = arith.constant 0 : i32
        %dma_start3A_86 = arith.constant 0 : i32
        %dma_start3A_87 = tpu.memref_slice %arg3[%add3A_50, %dma_start3A_85, %dma_start3A_86] : memref<2688x2x120xi32, #tpu.memory_space<hbm>> -> memref<1x2x120xi32, #tpu.memory_space<hbm>>
        %dma_start3A_88 = tpu.memref_squeeze %dma_start3A_87 : memref<1x2x120xi32, #tpu.memory_space<hbm>> -> memref<2x120xi32, #tpu.memory_space<hbm>>
        tpu.enqueue_dma source(%dma_start3A_88 : memref<2x120xi32, #tpu.memory_space<hbm>>) target(%arg9 : memref<2x120xi32, #tpu.memory_space<vmem>>) target_semaphore(%run_scoped3A_80 : memref<!tpu.dma_semaphore, #tpu.memory_space<semaphore_mem>>)
        %dma_wait3A_89 = arith.constant 0 : i32
        %dma_wait3A_90 = arith.constant 0 : i32
        %dma_wait3A_91 = tpu.memref_slice %arg3[%add3A_50, %dma_wait3A_89, %dma_wait3A_90] : memref<2688x2x120xi32, #tpu.memory_space<hbm>> -> memref<1x2x120xi32, #tpu.memory_space<hbm>>
        %dma_wait3A_92 = tpu.memref_squeeze %dma_wait3A_91 : memref<1x2x120xi32, #tpu.memory_space<hbm>> -> memref<2x120xi32, #tpu.memory_space<hbm>>
        %dma_wait3A_93 = arith.constant 0 : i32
        %dma_wait3A_94 = arith.constant 0 : i32
        %dma_wait3A_95 = tpu.memref_slice %arg3[%add3A_50, %dma_wait3A_93, %dma_wait3A_94] : memref<2688x2x120xi32, #tpu.memory_space<hbm>> -> memref<1x2x120xi32, #tpu.memory_space<hbm>>
        %dma_wait3A_96 = tpu.memref_squeeze %dma_wait3A_95 : memref<1x2x120xi32, #tpu.memory_space<hbm>> -> memref<2x120xi32, #tpu.memory_space<hbm>>
        tpu.wait_dma2 semaphore(%run_scoped3A_80 : memref<!tpu.dma_semaphore, #tpu.memory_space<semaphore_mem>>) src(%dma_wait3A_96 : memref<2x120xi32, #tpu.memory_space<hbm>>) dst(%arg9 : memref<2x120xi32, #tpu.memory_space<vmem>>)
        tpu.yield
      }) : () -> ()
      %dma_start3A_51 = arith.constant 0 : i32
      %dma_start3A_52 = arith.constant 0 : i32
      %dma_start3A_53 = tpu.memref_slice %arg9[%dma_start3A_51, %dma_start3A_52] : memref<2x120xi32, #tpu.memory_space<vmem>> -> memref<1x120xi32, #tpu.memory_space<vmem>>
      %dma_start3A_54 = tpu.memref_squeeze %dma_start3A_53 : memref<1x120xi32, #tpu.memory_space<vmem>> -> memref<120xi32, #tpu.memory_space<vmem>>
      %dma_start3A_55 = arith.constant 0 : i32
      %dma_start3A_56 = arith.constant 0 : i32
      %dma_start3A_57 = tpu.memref_slice %arg2[%dma_start3A_55, %dma_start3A_56] : memref<10000x128xf32, #tpu.memory_space<hbm>> -> memref<10000x128xf32, #tpu.memory_space<hbm>>
      tpu.enqueue_indirect_dma source(%dma_start3A_57 : memref<10000x128xf32, #tpu.memory_space<hbm>>) target(%arg12 : memref<120x128xf32, #tpu.memory_space<vmem>>) offsets(%dma_start3A_54 : memref<120xi32, #tpu.memory_space<vmem>>) semaphore(%arg16 : memref<!tpu.dma_semaphore, #tpu.memory_space<semaphore_mem>>)
      %dma_wait3A = arith.constant 0 : i32
      %dma_wait3A_58 = arith.constant 0 : i32
      %dma_wait3A_59 = tpu.memref_slice %arg7[%dma_wait3A, %dma_wait3A_58] : memref<2x120xi32, #tpu.memory_space<vmem>> -> memref<1x120xi32, #tpu.memory_space<vmem>>
      %dma_wait3A_60 = tpu.memref_squeeze %dma_wait3A_59 : memref<1x120xi32, #tpu.memory_space<vmem>> -> memref<120xi32, #tpu.memory_space<vmem>>
      %dma_wait3A_61 = arith.constant 0 : i32
      %dma_wait3A_62 = arith.constant 0 : i32
      %dma_wait3A_63 = tpu.memref_slice %arg2[%dma_wait3A_61, %dma_wait3A_62] : memref<10000x128xf32, #tpu.memory_space<hbm>> -> memref<10000x128xf32, #tpu.memory_space<hbm>>
      tpu.wait_indirect_dma semaphore(%arg14 : memref<!tpu.dma_semaphore, #tpu.memory_space<semaphore_mem>>) src(%dma_wait3A_63 : memref<10000x128xf32, #tpu.memory_space<hbm>>) dst(%arg10 : memref<120x128xf32, #tpu.memory_space<vmem>>)
      %run_scoped3A = arith.constant 1 : i32
      "tpu.region"() ({
        %run_scoped3A_80 = tpu.sem_alloc : memref<!tpu.dma_semaphore, #tpu.memory_space<semaphore_mem>>
        %dma_start3A_81 = arith.constant 0 : i32
        %dma_start3A_82 = tpu.memref_slice %arg7[%run_scoped3A, %dma_start3A_81] : memref<2x120xi32, #tpu.memory_space<vmem>> -> memref<1x120xi32, #tpu.memory_space<vmem>>
        %dma_start3A_83 = tpu.memref_squeeze %dma_start3A_82 : memref<1x120xi32, #tpu.memory_space<vmem>> -> memref<120xi32, #tpu.memory_space<vmem>>
        %dma_start3A_84 = arith.constant 0 : i32
        %dma_start3A_85 = arith.constant 0 : i32
        %dma_start3A_86 = tpu.memref_slice %arg13[%dma_start3A_84, %dma_start3A_85] : memref<10248x128xf32, #tpu.memory_space<vmem_shared>> -> memref<10248x128xf32, #tpu.memory_space<vmem_shared>>
        tpu.enqueue_indirect_dma source(%arg10 : memref<120x128xf32, #tpu.memory_space<vmem>>) target(%dma_start3A_86 : memref<10248x128xf32, #tpu.memory_space<vmem_shared>>) offsets(%dma_start3A_83 : memref<120xi32, #tpu.memory_space<vmem>>) semaphore(%run_scoped3A_80 : memref<!tpu.dma_semaphore, #tpu.memory_space<semaphore_mem>>) {add = true}
        %dma_wait3A_87 = arith.constant 0 : i32
        %dma_wait3A_88 = tpu.memref_slice %arg7[%run_scoped3A, %dma_wait3A_87] : memref<2x120xi32, #tpu.memory_space<vmem>> -> memref<1x120xi32, #tpu.memory_space<vmem>>
        %dma_wait3A_89 = tpu.memref_squeeze %dma_wait3A_88 : memref<1x120xi32, #tpu.memory_space<vmem>> -> memref<120xi32, #tpu.memory_space<vmem>>
        %dma_wait3A_90 = arith.constant 0 : i32
        %dma_wait3A_91 = arith.constant 0 : i32
        %dma_wait3A_92 = tpu.memref_slice %arg13[%dma_wait3A_90, %dma_wait3A_91] : memref<10248x128xf32, #tpu.memory_space<vmem_shared>> -> memref<10248x128xf32, #tpu.memory_space<vmem_shared>>
        tpu.wait_indirect_dma semaphore(%run_scoped3A_80 : memref<!tpu.dma_semaphore, #tpu.memory_space<semaphore_mem>>) src(%arg10 : memref<120x128xf32, #tpu.memory_space<vmem>>) dst(%dma_wait3A_92 : memref<10248x128xf32, #tpu.memory_space<vmem_shared>>)
        tpu.yield
      }) : () -> ()
      %dma_wait3A_64 = arith.constant 0 : i32
      %dma_wait3A_65 = arith.constant 0 : i32
      %dma_wait3A_66 = tpu.memref_slice %arg8[%dma_wait3A_64, %dma_wait3A_65] : memref<2x120xi32, #tpu.memory_space<vmem>> -> memref<1x120xi32, #tpu.memory_space<vmem>>
      %dma_wait3A_67 = tpu.memref_squeeze %dma_wait3A_66 : memref<1x120xi32, #tpu.memory_space<vmem>> -> memref<120xi32, #tpu.memory_space<vmem>>
      %dma_wait3A_68 = arith.constant 0 : i32
      %dma_wait3A_69 = arith.constant 0 : i32
      %dma_wait3A_70 = tpu.memref_slice %arg2[%dma_wait3A_68, %dma_wait3A_69] : memref<10000x128xf32, #tpu.memory_space<hbm>> -> memref<10000x128xf32, #tpu.memory_space<hbm>>
      tpu.wait_indirect_dma semaphore(%arg15 : memref<!tpu.dma_semaphore, #tpu.memory_space<semaphore_mem>>) src(%dma_wait3A_70 : memref<10000x128xf32, #tpu.memory_space<hbm>>) dst(%arg11 : memref<120x128xf32, #tpu.memory_space<vmem>>)
      %run_scoped3A_71 = arith.constant 1 : i32
      "tpu.region"() ({
        %run_scoped3A_80 = tpu.sem_alloc : memref<!tpu.dma_semaphore, #tpu.memory_space<semaphore_mem>>
        %dma_start3A_81 = arith.constant 0 : i32
        %dma_start3A_82 = tpu.memref_slice %arg8[%run_scoped3A_71, %dma_start3A_81] : memref<2x120xi32, #tpu.memory_space<vmem>> -> memref<1x120xi32, #tpu.memory_space<vmem>>
        %dma_start3A_83 = tpu.memref_squeeze %dma_start3A_82 : memref<1x120xi32, #tpu.memory_space<vmem>> -> memref<120xi32, #tpu.memory_space<vmem>>
        %dma_start3A_84 = arith.constant 0 : i32
        %dma_start3A_85 = arith.constant 0 : i32
        %dma_start3A_86 = tpu.memref_slice %arg13[%dma_start3A_84, %dma_start3A_85] : memref<10248x128xf32, #tpu.memory_space<vmem_shared>> -> memref<10248x128xf32, #tpu.memory_space<vmem_shared>>
        tpu.enqueue_indirect_dma source(%arg11 : memref<120x128xf32, #tpu.memory_space<vmem>>) target(%dma_start3A_86 : memref<10248x128xf32, #tpu.memory_space<vmem_shared>>) offsets(%dma_start3A_83 : memref<120xi32, #tpu.memory_space<vmem>>) semaphore(%run_scoped3A_80 : memref<!tpu.dma_semaphore, #tpu.memory_space<semaphore_mem>>) {add = true}
        %dma_wait3A_87 = arith.constant 0 : i32
        %dma_wait3A_88 = tpu.memref_slice %arg8[%run_scoped3A_71, %dma_wait3A_87] : memref<2x120xi32, #tpu.memory_space<vmem>> -> memref<1x120xi32, #tpu.memory_space<vmem>>
        %dma_wait3A_89 = tpu.memref_squeeze %dma_wait3A_88 : memref<1x120xi32, #tpu.memory_space<vmem>> -> memref<120xi32, #tpu.memory_space<vmem>>
        %dma_wait3A_90 = arith.constant 0 : i32
        %dma_wait3A_91 = arith.constant 0 : i32
        %dma_wait3A_92 = tpu.memref_slice %arg13[%dma_wait3A_90, %dma_wait3A_91] : memref<10248x128xf32, #tpu.memory_space<vmem_shared>> -> memref<10248x128xf32, #tpu.memory_space<vmem_shared>>
        tpu.wait_indirect_dma semaphore(%run_scoped3A_80 : memref<!tpu.dma_semaphore, #tpu.memory_space<semaphore_mem>>) src(%arg11 : memref<120x128xf32, #tpu.memory_space<vmem>>) dst(%dma_wait3A_92 : memref<10248x128xf32, #tpu.memory_space<vmem_shared>>)
        tpu.yield
      }) : () -> ()
      %dma_wait3A_72 = arith.constant 0 : i32
      %dma_wait3A_73 = arith.constant 0 : i32
      %dma_wait3A_74 = tpu.memref_slice %arg9[%dma_wait3A_72, %dma_wait3A_73] : memref<2x120xi32, #tpu.memory_space<vmem>> -> memref<1x120xi32, #tpu.memory_space<vmem>>
      %dma_wait3A_75 = tpu.memref_squeeze %dma_wait3A_74 : memref<1x120xi32, #tpu.memory_space<vmem>> -> memref<120xi32, #tpu.memory_space<vmem>>
      %dma_wait3A_76 = arith.constant 0 : i32
      %dma_wait3A_77 = arith.constant 0 : i32
      %dma_wait3A_78 = tpu.memref_slice %arg2[%dma_wait3A_76, %dma_wait3A_77] : memref<10000x128xf32, #tpu.memory_space<hbm>> -> memref<10000x128xf32, #tpu.memory_space<hbm>>
      tpu.wait_indirect_dma semaphore(%arg16 : memref<!tpu.dma_semaphore, #tpu.memory_space<semaphore_mem>>) src(%dma_wait3A_78 : memref<10000x128xf32, #tpu.memory_space<hbm>>) dst(%arg12 : memref<120x128xf32, #tpu.memory_space<vmem>>)
      %run_scoped3A_79 = arith.constant 1 : i32
      "tpu.region"() ({
        %run_scoped3A_80 = tpu.sem_alloc : memref<!tpu.dma_semaphore, #tpu.memory_space<semaphore_mem>>
        %dma_start3A_81 = arith.constant 0 : i32
        %dma_start3A_82 = tpu.memref_slice %arg9[%run_scoped3A_79, %dma_start3A_81] : memref<2x120xi32, #tpu.memory_space<vmem>> -> memref<1x120xi32, #tpu.memory_space<vmem>>
        %dma_start3A_83 = tpu.memref_squeeze %dma_start3A_82 : memref<1x120xi32, #tpu.memory_space<vmem>> -> memref<120xi32, #tpu.memory_space<vmem>>
        %dma_start3A_84 = arith.constant 0 : i32
        %dma_start3A_85 = arith.constant 0 : i32
        %dma_start3A_86 = tpu.memref_slice %arg13[%dma_start3A_84, %dma_start3A_85] : memref<10248x128xf32, #tpu.memory_space<vmem_shared>> -> memref<10248x128xf32, #tpu.memory_space<vmem_shared>>
        tpu.enqueue_indirect_dma source(%arg12 : memref<120x128xf32, #tpu.memory_space<vmem>>) target(%dma_start3A_86 : memref<10248x128xf32, #tpu.memory_space<vmem_shared>>) offsets(%dma_start3A_83 : memref<120xi32, #tpu.memory_space<vmem>>) semaphore(%run_scoped3A_80 : memref<!tpu.dma_semaphore, #tpu.memory_space<semaphore_mem>>) {add = true}
        %dma_wait3A_87 = arith.constant 0 : i32
        %dma_wait3A_88 = tpu.memref_slice %arg9[%run_scoped3A_79, %dma_wait3A_87] : memref<2x120xi32, #tpu.memory_space<vmem>> -> memref<1x120xi32, #tpu.memory_space<vmem>>
        %dma_wait3A_89 = tpu.memref_squeeze %dma_wait3A_88 : memref<1x120xi32, #tpu.memory_space<vmem>> -> memref<120xi32, #tpu.memory_space<vmem>>
        %dma_wait3A_90 = arith.constant 0 : i32
        %dma_wait3A_91 = arith.constant 0 : i32
        %dma_wait3A_92 = tpu.memref_slice %arg13[%dma_wait3A_90, %dma_wait3A_91] : memref<10248x128xf32, #tpu.memory_space<vmem_shared>> -> memref<10248x128xf32, #tpu.memory_space<vmem_shared>>
        tpu.wait_indirect_dma semaphore(%run_scoped3A_80 : memref<!tpu.dma_semaphore, #tpu.memory_space<semaphore_mem>>) src(%arg12 : memref<120x128xf32, #tpu.memory_space<vmem>>) dst(%dma_wait3A_92 : memref<10248x128xf32, #tpu.memory_space<vmem_shared>>)
        tpu.yield
      }) : () -> ()
    }
    %scan3A_7 = arith.constant 28 : i32
    %barrier3A_8 = arith.constant 0 : index
    tpu.barrier barrier_id(%barrier3A_8)
    %eq3A = arith.constant 0 : i32
    %eq3A_9 = arith.cmpi eq, %arg0, %eq3A : i32
    %convert_element_type3A = arith.extui %eq3A_9 : i1 to i32
    %cond3A = arith.constant 0 : i32
    %cond3A_10 = arith.cmpi ne, %convert_element_type3A, %cond3A : i32
    scf.if %cond3A_10 {
      "tpu.region"() ({
        %run_scoped3A = tpu.sem_alloc : memref<!tpu.dma_semaphore, #tpu.memory_space<semaphore_mem>>
        %dma_start3A = arith.constant 0 : i32
        %dma_start3A_16 = tpu.memref_slice %arg5[%mul3A_2, %dma_start3A] : memref<10240x128xf32, #tpu.memory_space<hbm>> -> memref<640x128xf32, #tpu.memory_space<hbm>>
        %dma_start3A_17 = arith.constant 0 : i32
        %dma_start3A_18 = tpu.memref_slice %arg13[%mul3A_2, %dma_start3A_17] : memref<10248x128xf32, #tpu.memory_space<vmem_shared>> -> memref<640x128xf32, #tpu.memory_space<vmem_shared>>
        tpu.enqueue_dma source(%dma_start3A_18 : memref<640x128xf32, #tpu.memory_space<vmem_shared>>) target(%dma_start3A_16 : memref<640x128xf32, #tpu.memory_space<hbm>>) target_semaphore(%run_scoped3A : memref<!tpu.dma_semaphore, #tpu.memory_space<semaphore_mem>>)
        %dma_wait3A = arith.constant 0 : i32
        %dma_wait3A_19 = tpu.memref_slice %arg5[%mul3A_2, %dma_wait3A] : memref<10240x128xf32, #tpu.memory_space<hbm>> -> memref<640x128xf32, #tpu.memory_space<hbm>>
        %dma_wait3A_20 = arith.constant 0 : i32
        %dma_wait3A_21 = tpu.memref_slice %arg13[%mul3A_2, %dma_wait3A_20] : memref<10248x128xf32, #tpu.memory_space<vmem_shared>> -> memref<640x128xf32, #tpu.memory_space<vmem_shared>>
        tpu.wait_dma2 semaphore(%run_scoped3A : memref<!tpu.dma_semaphore, #tpu.memory_space<semaphore_mem>>) src(%dma_wait3A_21 : memref<640x128xf32, #tpu.memory_space<vmem_shared>>) dst(%dma_wait3A_19 : memref<640x128xf32, #tpu.memory_space<hbm>>)
        tpu.yield
      }) : () -> ()
    } else {
    }
    %eq3A_11 = arith.constant 1 : i32
    %eq3A_12 = arith.cmpi eq, %arg0, %eq3A_11 : i32
    %convert_element_type3A_13 = arith.extui %eq3A_12 : i1 to i32
    %cond3A_14 = arith.constant 0 : i32
    %cond3A_15 = arith.cmpi ne, %convert_element_type3A_13, %cond3A_14 : i32
    scf.if %cond3A_15 {
      "tpu.region"() ({
        %run_scoped3A = tpu.sem_alloc : memref<!tpu.dma_semaphore, #tpu.memory_space<semaphore_mem>>
        %dma_start3A = arith.constant 0 : i32
        %dma_start3A_16 = tpu.memref_slice %arg6[%mul3A_2, %dma_start3A] : memref<10240x128xf32, #tpu.memory_space<hbm>> -> memref<640x128xf32, #tpu.memory_space<hbm>>
        %dma_start3A_17 = arith.constant 0 : i32
        %dma_start3A_18 = tpu.memref_slice %arg13[%mul3A_2, %dma_start3A_17] : memref<10248x128xf32, #tpu.memory_space<vmem_shared>> -> memref<640x128xf32, #tpu.memory_space<vmem_shared>>
        tpu.enqueue_dma source(%dma_start3A_18 : memref<640x128xf32, #tpu.memory_space<vmem_shared>>) target(%dma_start3A_16 : memref<640x128xf32, #tpu.memory_space<hbm>>) target_semaphore(%run_scoped3A : memref<!tpu.dma_semaphore, #tpu.memory_space<semaphore_mem>>)
        %dma_wait3A = arith.constant 0 : i32
        %dma_wait3A_19 = tpu.memref_slice %arg6[%mul3A_2, %dma_wait3A] : memref<10240x128xf32, #tpu.memory_space<hbm>> -> memref<640x128xf32, #tpu.memory_space<hbm>>
        %dma_wait3A_20 = arith.constant 0 : i32
        %dma_wait3A_21 = tpu.memref_slice %arg13[%mul3A_2, %dma_wait3A_20] : memref<10248x128xf32, #tpu.memory_space<vmem_shared>> -> memref<640x128xf32, #tpu.memory_space<vmem_shared>>
        tpu.wait_dma2 semaphore(%run_scoped3A : memref<!tpu.dma_semaphore, #tpu.memory_space<semaphore_mem>>) src(%dma_wait3A_21 : memref<640x128xf32, #tpu.memory_space<vmem_shared>>) dst(%dma_wait3A_19 : memref<640x128xf32, #tpu.memory_space<hbm>>)
        tpu.yield
      }) : () -> ()
    } else {
    }
    return
  }
}

module attributes {stable_mosaic.version = 14 : i64} {
  func.func @body(%arg0: i32, %arg1: memref<1000x128xf32, #tpu.memory_space<vmem>>, %arg2: memref<128x128xf32, #tpu.memory_space<vmem>>, %arg3: memref<1000x2xf32, #tpu.memory_space<vmem>>, %arg4: memref<1000x128xf32, #tpu.memory_space<vmem>>) attributes {dimension_semantics = [#tpu.dimension_semantics<arbitrary>], iteration_bounds = array<i64: 10>, scalar_prefetch = 0 : i64, scratch_operands = 0 : i64, tpu.core_type = #tpu.core_type<tc>, window_params = [{transform_indices = @transform_0, window_bounds = array<i64: 1000, 128>}, {pipeline_mode = #tpu.pipeline_mode<synchronous>, transform_indices = @transform_1, window_bounds = array<i64: 128, 128>}, {transform_indices = @transform_2, window_bounds = array<i64: 1000, 2>}, {transform_indices = @transform_3, window_bounds = array<i64: 1000, 128>}]} {
    %get3A = arith.constant 0 : index
    %get3A_0 = arith.constant 0 : index
    %get3A_1 = vector.load %arg3[%get3A, %get3A_0] : memref<1000x2xf32, #tpu.memory_space<vmem>>, vector<1000x1xf32>
    %get3A_2 = vector.shape_cast %get3A_1 : vector<1000x1xf32> to vector<1000xf32>
    %get3A_3 = arith.constant 0 : index
    %get3A_4 = arith.constant 1 : index
    %get3A_5 = vector.load %arg3[%get3A_3, %get3A_4] : memref<1000x2xf32, #tpu.memory_space<vmem>>, vector<1000x1xf32>
    %get3A_6 = vector.shape_cast %get3A_5 : vector<1000x1xf32> to vector<1000xf32>
    %add3A = arith.addf %get3A_2, %get3A_6 : vector<1000xf32>
    %gt3A = arith.constant 0.000000e+00 : f32
    %gt3A_7 = vector.broadcast %gt3A : f32 to vector<1000xf32>
    %gt3A_8 = arith.cmpf ogt, %add3A, %gt3A_7 : vector<1000xf32>
    %rsqrt3A = math.rsqrt %add3A : vector<1000xf32>
    %jit3A = arith.constant 0.000000e+00 : f32
    %broadcast_in_dim3A = vector.broadcast %jit3A : f32 to vector<1000xf32>
    %select_n3A = arith.select %gt3A_8, %rsqrt3A, %broadcast_in_dim3A : vector<1000xi1>, vector<1000xf32>
    %get3A_9 = arith.constant 0 : index
    %get3A_10 = arith.constant 0 : index
    %get3A_11 = vector.load %arg1[%get3A_9, %get3A_10] : memref<1000x128xf32, #tpu.memory_space<vmem>>, vector<1000x128xf32>
    %get3A_12 = arith.constant 0 : index
    %get3A_13 = arith.constant 0 : index
    %get3A_14 = vector.load %arg2[%get3A_12, %get3A_13] : memref<128x128xf32, #tpu.memory_space<vmem>>, vector<128x128xf32>
    %dot_general3A = arith.constant dense<0.000000e+00> : vector<1000x128xf32>
    %dot_general3A_15 = tpu.matmul %get3A_11, %get3A_14, %dot_general3A {dimension_numbers = #tpu.dot_dimension_numbers<[1], [0], [0], [1], [0, 0, 1, 1], [], []>, transpose_lhs_hint = false} : vector<1000x128xf32>, vector<128x128xf32>, vector<1000x128xf32> -> vector<1000x128xf32>
    %broadcast_in_dim3A_16 = vector.shape_cast %select_n3A : vector<1000xf32> to vector<1000x1xf32>
    %mul3A = vector.broadcast %broadcast_in_dim3A_16 : vector<1000x1xf32> to vector<1000x128xf32>
    %mul3A_17 = arith.mulf %dot_general3A_15, %mul3A : vector<1000x128xf32>
    %swap3A = arith.constant 0 : index
    %swap3A_18 = arith.constant 0 : index
    %swap3A_19 = vector.load %arg4[%swap3A, %swap3A_18] : memref<1000x128xf32, #tpu.memory_space<vmem>>, vector<1000x128xf32>
    tpu.vector_store %arg4[%swap3A, %swap3A_18], %mul3A_17 {strides = array<i32>} : memref<1000x128xf32, #tpu.memory_space<vmem>>, vector<1000x128xf32>,
    return
  }
  func.func @transform_0(%arg0: i32) -> (i32, i32) {
    %c0_i32 = arith.constant 0 : i32
    %c0_i32_0 = arith.constant 0 : i32
    return %arg0, %c0_i32 : i32, i32
  }
  func.func @transform_1(%arg0: i32) -> (i32, i32) {
    %c0_i32 = arith.constant 0 : i32
    %c0_i32_0 = arith.constant 0 : i32
    %c0_i32_1 = arith.constant 0 : i32
    return %c0_i32, %c0_i32_0 : i32, i32
  }
  func.func @transform_2(%arg0: i32) -> (i32, i32) {
    %c0_i32 = arith.constant 0 : i32
    %c0_i32_0 = arith.constant 0 : i32
    return %arg0, %c0_i32 : i32, i32
  }
  func.func @transform_3(%arg0: i32) -> (i32, i32) {
    %c0_i32 = arith.constant 0 : i32
    %c0_i32_0 = arith.constant 0 : i32
    return %arg0, %c0_i32 : i32, i32
  }
}

module attributes {stable_mosaic.version = 14 : i64} {
  func.func @body(%arg0: i32, %arg1: memref<1000x128xf32, #tpu.memory_space<vmem>>, %arg2: memref<1000x128xf32, #tpu.memory_space<vmem>>, %arg3: memref<1000x2xf32, #tpu.memory_space<vmem>>, %arg4: memref<128xf32, #tpu.memory_space<vmem>>, %arg5: memref<1000x128xf32, #tpu.memory_space<vmem>>) attributes {dimension_semantics = [#tpu.dimension_semantics<arbitrary>], iteration_bounds = array<i64: 10>, scalar_prefetch = 0 : i64, scratch_operands = 0 : i64, tpu.core_type = #tpu.core_type<tc>, window_params = [{transform_indices = @transform_0, window_bounds = array<i64: 1000, 128>}, {transform_indices = @transform_1, window_bounds = array<i64: 1000, 128>}, {transform_indices = @transform_2, window_bounds = array<i64: 1000, 2>}, {pipeline_mode = #tpu.pipeline_mode<synchronous>, transform_indices = @transform_3, window_bounds = array<i64: 128>}, {transform_indices = @transform_4, window_bounds = array<i64: 1000, 128>}]} {
    %get3A = arith.constant 0 : index
    %get3A_0 = arith.constant 0 : index
    %get3A_1 = vector.load %arg1[%get3A, %get3A_0] : memref<1000x128xf32, #tpu.memory_space<vmem>>, vector<1000x128xf32>
    %get3A_2 = arith.constant 0 : index
    %get3A_3 = arith.constant 0 : index
    %get3A_4 = vector.load %arg2[%get3A_2, %get3A_3] : memref<1000x128xf32, #tpu.memory_space<vmem>>, vector<1000x128xf32>
    %add3A = arith.addf %get3A_1, %get3A_4 : vector<1000x128xf32>
    %get3A_5 = arith.constant 0 : index
    %get3A_6 = arith.constant 0 : index
    %get3A_7 = vector.load %arg3[%get3A_5, %get3A_6] : memref<1000x2xf32, #tpu.memory_space<vmem>>, vector<1000x1xf32>
    %get3A_8 = vector.shape_cast %get3A_7 : vector<1000x1xf32> to vector<1000xf32>
    %get3A_9 = arith.constant 0 : index
    %get3A_10 = arith.constant 1 : index
    %get3A_11 = vector.load %arg3[%get3A_9, %get3A_10] : memref<1000x2xf32, #tpu.memory_space<vmem>>, vector<1000x1xf32>
    %get3A_12 = vector.shape_cast %get3A_11 : vector<1000x1xf32> to vector<1000xf32>
    %add3A_13 = arith.addf %get3A_8, %get3A_12 : vector<1000xf32>
    %gt3A = arith.constant 0.000000e+00 : f32
    %gt3A_14 = vector.broadcast %gt3A : f32 to vector<1000xf32>
    %gt3A_15 = arith.cmpf ogt, %add3A_13, %gt3A_14 : vector<1000xf32>
    %rsqrt3A = math.rsqrt %add3A_13 : vector<1000xf32>
    %jit3A = arith.constant 0.000000e+00 : f32
    %broadcast_in_dim3A = vector.broadcast %jit3A : f32 to vector<1000xf32>
    %select_n3A = arith.select %gt3A_15, %rsqrt3A, %broadcast_in_dim3A : vector<1000xi1>, vector<1000xf32>
    %broadcast_in_dim3A_16 = vector.shape_cast %select_n3A : vector<1000xf32> to vector<1000x1xf32>
    %mul3A = vector.broadcast %broadcast_in_dim3A_16 : vector<1000x1xf32> to vector<1000x128xf32>
    %mul3A_17 = arith.mulf %add3A, %mul3A : vector<1000x128xf32>
    %get3A_18 = arith.constant 0 : index
    %get3A_19 = vector.load %arg4[%get3A_18] : memref<128xf32, #tpu.memory_space<vmem>>, vector<128xf32>
    %broadcast_in_dim3A_20 = vector.shape_cast %get3A_19 : vector<128xf32> to vector<1x128xf32>
    %add3A_21 = vector.broadcast %broadcast_in_dim3A_20 : vector<1x128xf32> to vector<1000x128xf32>
    %add3A_22 = arith.addf %mul3A_17, %add3A_21 : vector<1000x128xf32>
    %swap3A = arith.constant 0 : index
    %swap3A_23 = arith.constant 0 : index
    %swap3A_24 = vector.load %arg5[%swap3A, %swap3A_23] : memref<1000x128xf32, #tpu.memory_space<vmem>>, vector<1000x128xf32>
    tpu.vector_store %arg5[%swap3A, %swap3A_23], %add3A_22 {strides = array<i32>} : memref<1000x128xf32, #tpu.memory_space<vmem>>, vector<1000x128xf32>,
    return
  }
  func.func @transform_0(%arg0: i32) -> (i32, i32) {
    %c0_i32 = arith.constant 0 : i32
    %c0_i32_0 = arith.constant 0 : i32
    return %arg0, %c0_i32 : i32, i32
  }
  func.func @transform_1(%arg0: i32) -> (i32, i32) {
    %c0_i32 = arith.constant 0 : i32
    %c0_i32_0 = arith.constant 0 : i32
    return %arg0, %c0_i32 : i32, i32
  }
  func.func @transform_2(%arg0: i32) -> (i32, i32) {
    %c0_i32 = arith.constant 0 : i32
    %c0_i32_0 = arith.constant 0 : i32
    return %arg0, %c0_i32 : i32, i32
  }
  func.func @transform_3(%arg0: i32) -> i32 {
    %c0_i32 = arith.constant 0 : i32
    %c0_i32_0 = arith.constant 0 : i32
    return %c0_i32 : i32
  }
  func.func @transform_4(%arg0: i32) -> (i32, i32) {
    %c0_i32 = arith.constant 0 : i32
    %c0_i32_0 = arith.constant 0 : i32
    return %arg0, %c0_i32 : i32, i32
  }
}

</mosaic_0001>

<sc_bundles>
// kernel: kernel.12.cloned.1.call-start
scs
__scs_entry_jumppad:
0x0: {  	(pc) =	sbr.rel $0x88, $3  }
0x1: {  	(tag) =	ssettag $0x0;
	lr =	simm.s32 $0x1  }
0x2: {  	[smem:$0x3F99] =	sst lr;
	_ =	strace $0xD0000000  }
0x3: {  	_ = 	snop  }
0x4: {  	_ = 	snop  }
0x5: {  	_ = 	snop  }
0x6: {  	_ = 	snop  }
0x7: {  	_ = 	snop  }
__scs_overlays_trampoline_lowered:
0x8: {  	[smem:$0x3FA8] =	sst s0  }
0x9: {  	[smem:$0x3FA9] =	sst s1  }
0xa: {  	[smem:$0x3FAA] =	sst s2  }
0xb: {  	[smem:$0x3FAB] =	sst s3  }
0xc: {  	[smem:$0x3FAC] =	sst s4  }
0xd: {  	[smem:$0x3FAD] =	sst s5  }
0xe: {  	[smem:$0x3FAE] =	sst s6  }
0xf: {  	[smem:$0x3FAF] =	sst s7  }
0x10: {  	[smem:$0x3FB0] =	sst s8  }
0x11: {  	[smem:$0x3FB1] =	sst s9;
	s0 =	simm.s32 @!p0 $0x0  }
0x12: {  	s1 =	sld [smem:$0x3F97];
	s0 =	simm.s32 @p0 $0x1  }
0x13: {  	[smem:$0x3FB2] =	sst s0;
	s0 =	simm.s32 @!p1 $0x0  }
0x14: {  	s2 =	sld [smem:$0x3F96];
	s0 =	simm.s32 @p1 $0x1  }
0x15: {  	[smem:$0x3FB3] =	sst s0;
	s0 =	simm.s32 @!p2 $0x0  }
0x16: {  	s3 =	sld [smem:$0x3FDB];
	s0 =	simm.s32 @p2 $0x1  }
0x17: {  	s4 =	simm.s32 $0x1BF5;
	[smem:$0x3FB5] =	sst s0  }
0x18: {  	s0 =	sld [smem:$0x3F98];
	_ =	swait.ge [sflag:s4], $0x0  }
0x19: {  	s7 =	sld [smem:$0x3F99]  }
0x1a: {  	s8 =	sadd.s32 $0xFFFFE003, lr  }
0x1b: {  	s9 =	sadd.s32 $0xFFFFFEF7, lr;
	s5 =	simm.s32 $0xFFFFFFFF;
	p2 =	slt.u32 s8, $0xFFFFF086  }
0x1c: {  	p1 =	slt.u32 s9, $0xF7A;
	s5 =	simm.s32 @!p2 $0x0  }
0x1d: {  	s5 =	simm.s32 @p1 $0x1;
	p0 =	seq.s32 s7, s2  }
0x1e: {  	s7 =	smul.u32 @!p0 $0xF7A, s2;
	p2 =	seq.s32 @!p0 s5, $0x0  }
0x1f: {  	s9 =	smul.u32 $0xF7A, s1;
	s8 =	simm.s32 @!p0 $0x1BF5;
	p2 =	por !p2, p0  }
0x20: {  	[sflag:s8] =	ssyncset.s32 @!p0 $0xFFFFF086;
	s6 =	sadd.s32 @!p0 s3, s7;
	s7 =	simm.s32 @!p0 $0x108  }
0x21: {  	s3 =	sadd.s32 s3, s9;
	s6 =	sadd.s32 @!p0 $0x88, s6;
	s7 =	simm.s32 @p2 $0x1082  }
0x22: {  	[simem:s7], [sflag:s8] =	dma.local @!p0 [hbm:s6], $0xF7A  }
0x23: {  	s9 =	sor.u32 $0xD0000000, s2;
	s6 =	simm.s32 $0x108;
	_ =	swait.ge @!p0 [sflag:s8], $0x0  }
0x24: {  	s3 =	sadd.s32 $0x88, s3;
	s6 =	simm.s32 @!p1 $0x1082;
	[sflag:s4] =	ssyncset.s32 $0xFFFFF086  }
0x25: {  	[simem:s6], [sflag:s4] =	dma.local [hbm:s3], $0xF7A  }
0x26: {  	[smem:$0x3F99] =	sst s1;
	(tag) =	ssettag s2;
	_ =	strace s9  }
0x27: {  	s1 =	sld [smem:$0x3FA9]  }
0x28: {  	s2 =	sld [smem:$0x3FAA]  }
0x29: {  	s4 =	sld [smem:$0x3FAC]  }
0x2a: {  	p0 =	seq.s32 s5, $0x0;
	s5 =	sld [smem:$0x3FAD]  }
0x2b: {  	s6 =	sld [smem:$0x3FAE]  }
0x2c: {  	s7 =	sld [smem:$0x3FAF]  }
0x2d: {  	s3 =	simm.s32 $0x108;
	s8 =	sld [smem:$0x3FB0]  }
0x2e: {  	s3 =	simm.s32 @!p0 $0x1082;
	s9 =	sld [smem:$0x3FB1]  }
0x2f: {  	lr =	sadd.s32 s0, s3;
	s0 =	sld [smem:$0x3FA8]  }
0x30: {  	s3 =	sld [smem:$0x3FAB]  }
0x31: {  	[smem:$0x3FB4] =	sst s10  }
0x32: {  	s10 =	sld [smem:$0x3FB2];
	_ =	sdelay $0x3  }
0x33: {  	p0 =	seq.s32 s10, $0x1;
	s10 =	sld [smem:$0x3FB4];
	_ =	sdelay $0x3  }
0x34: {  	[smem:$0x3FB4] =	sst s10  }
0x35: {  	s10 =	sld [smem:$0x3FB3];
	_ =	sdelay $0x3  }
0x36: {  	p1 =	seq.s32 s10, $0x1;
	s10 =	sld [smem:$0x3FB4];
	_ =	sdelay $0x3  }
0x37: {  	[smem:$0x3FB4] =	sst s10  }
0x38: {  	s10 =	sld [smem:$0x3FB5]  }
0x39: {  	_ = 	snop;
	(pc) =	sbr.ind lr, $3  }
0x3a: {  	_ = 	snop  }
0x3b: {  	_ = 	snop  }
0x3c: {  	p2 =	seq.s32 s10, $0x1;
	s10 =	sld [smem:$0x3FB4]  }
0x3d: {  	_ =	shalt  }
0x3e: {  	_ =	shalt  }
0x3f: {  	_ =	shalt  }
0x40: {  	_ =	shalt  }
0x41: {  	_ =	shalt  }
0x42: {  	_ =	shalt  }
0x43: {  	_ =	shalt  }
0x44: {  	_ =	shalt  }
0x45: {  	_ =	shalt  }
0x46: {  	_ =	shalt  }
0x47: {  	_ =	shalt  }
0x48: {  	_ =	shalt  }
0x49: {  	_ =	shalt  }
0x4a: {  	_ =	shalt  }
0x4b: {  	_ =	shalt  }
0x4c: {  	_ =	shalt  }
0x4d: {  	_ =	shalt  }
0x4e: {  	_ =	shalt  }
0x4f: {  	_ =	shalt  }
0x50: {  	_ =	shalt  }
0x51: {  	_ =	shalt  }
0x52: {  	_ =	shalt  }
0x53: {  	_ =	shalt  }
0x54: {  	_ =	shalt  }
0x55: {  	_ =	shalt  }
0x56: {  	_ =	shalt  }
0x57: {  	_ =	shalt  }
0x58: {  	_ =	shalt  }
0x59: {  	_ =	shalt  }
0x5a: {  	_ =	shalt  }
0x5b: {  	_ =	shalt  }
0x5c: {  	_ =	shalt  }
0x5d: {  	_ =	shalt  }
0x5e: {  	_ =	shalt  }
0x5f: {  	_ =	shalt  }
0x60: {  	_ =	shalt  }
0x61: {  	_ =	shalt  }
0x62: {  	_ =	shalt  }
0x63: {  	_ =	shalt  }
0x64: {  	_ =	shalt  }
0x65: {  	_ =	shalt  }
0x66: {  	_ =	shalt  }
0x67: {  	_ =	shalt  }
0x68: {  	_ =	shalt  }
0x69: {  	_ =	shalt  }
0x6a: {  	_ =	shalt  }
0x6b: {  	_ =	shalt  }
0x6c: {  	_ =	shalt  }
0x6d: {  	_ =	shalt  }
0x6e: {  	_ =	shalt  }
0x6f: {  	_ =	shalt  }
0x70: {  	_ =	shalt  }
0x71: {  	_ =	shalt  }
0x72: {  	_ =	shalt  }
0x73: {  	_ =	shalt  }
0x74: {  	_ =	shalt  }
0x75: {  	_ =	shalt  }
0x76: {  	_ =	shalt  }
0x77: {  	_ =	shalt  }
0x78: {  	_ =	shalt  }
0x79: {  	_ =	shalt  }
0x7a: {  	_ =	shalt  }
0x7b: {  	_ =	shalt  }
0x7c: {  	_ =	shalt  }
0x7d: {  	_ =	shalt  }
0x7e: {  	_ =	shalt  }
0x7f: {  	_ =	shalt  }
0x80: {  	_ =	shalt  }
0x81: {  	_ =	shalt  }
0x82: {  	_ =	shalt  }
0x83: {  	_ =	shalt  }
0x84: {  	_ =	shalt  }
0x85: {  	_ =	shalt  }
0x86: {  	_ =	shalt  }
0x87: {  	_ =	shalt  }
.Lfunc_end0:
.L_simem_size_0:
called_computation_lowered:
.L_overlay_start_0:
0x88: {  	s2 =	sld [smem:$0x3FD9]  }
0x89: {  	s3 =	sld [smem:$0x3FFE];
	_ =	sdelay $0x1  }
0x8a: {  	s1 =	srdreg.scid  }
0x8b: {  	s0 =	sand.u32 $0x1, s1  }
0x8c: {  	s17 =	sshll.u32 s0, $0xA;
	s2 =	sadd.s32 s3, s2  }
0x8d: {  	s2 =	sadd.s32 s2, s17  }
0x8e: {  	[smem:$0x3FC0] =	sst s2  }
0x8f: {  	_ = 	snop  }
0x90: {  	s2 =	sld [smem:$0x3FD0];
	(tm) =	ssettm $0x1  }
0x91: {  	s18 =	sld [smem:$0x3FFB];
	_ =	sdelay $0x3  }
0x92: {  	_ =	strace s18  }
0x93: {  	s3 =	sld [smem:$0x3FFC];
	_ =	sdelay $0x3  }
0x94: {  	_ =	strace s3  }
0x95: {  	s3 =	sld [smem:$0x3FFD];
	_ =	sdelay $0x3  }
0x96: {  	_ =	strace s3  }
0x97: {  	_ =	strace $0x8FFFFFFF  }
0x98: {  	s19 =	sld [smem:$0x3FDB];
	_ =	sdelay $0x1  }
0x99: {  	s4 =	simm.s32 $_scs_section_size  }
0x9a: {  	s5 =	simm.s32 $_size__tile_overlayer_lowered;
	s6 =	simm.s32 $_tile_overlayer_lowered  }
0x9b: {  	s22 =	simm.s32 $0x1BFF;
	s21 =	sshll.u32 s6, $0x1;
	s3 =	sadd.s32 s4, s19  }
0x9c: {  	s7 =	simm.s32 $0x0;
	s20 =	sshll.u32 s5, $0x1;
	s5 =	sadd.s32 s21, s3  }
0x9d: {  	[timem:s7], [sflag:s22] =	dma.local [hbm:s5], s20  }
0x9e: {  	_ =	swait.ge [sflag:s22], s20  }
0x9f: {  	s4 =	ssub.s32 $0x0, s20;
	[sflag:s22] =	ssyncset.done $0x0  }
0xa0: {  	[sflag:s22] =	ssyncadd.s32 s4;
	_ =	sdelay $0x1  }
0xa1: {  	s23 =	simm.s32 $0x1B8B  }
0xa2: {  	_ =	swait.ge [sflag:s23], $0x1  }
0xa3: {  	[sflag:s23] =	ssyncset.done $0x0  }
0xa4: {  	s25 =	simm.s32 $0x1B8E;
	s24 =	sld [smem:$0x3FFE];
	[sflag:s23] =	ssyncadd.s32 $0xFFFFFFFF  }
0xa5: {  	s26 =	simm.s32 $execute0_lowered;
	[smem:$0x3FD2] =	sst s25  }
0xa6: {  	s5 =	sshll.u32 s26, $0x1;
	_ =	strace $0x80000046;
	[dreg:$0x1] =	wrdreg $0xFFFFFFFF  }
0xa7: {  	s28 =	simm.s32 $_size_execute0_lowered;
	s3 =	sadd.s32 s3, s5;
	[dreg:$0x0] =	wrdreg $0x0  }
0xa8: {  	s5 =	sshll.u32 s28, $0x1;
	[dreg:$0x2] =	wrdreg s3  }
0xa9: {  	[dreg:$0x3] =	wrdreg s5  }
0xaa: {  	[dreg:$0x4] =	wrdreg $0xC0  }
0xab: {  	_ =	task [dreg:s7], $0x5FFFF  }
0xac: {  	[dreg:$0x1] =	wrdreg $0xFFFFFFFF  }
0xad: {  	[dreg:$0x0] =	wrdreg $0x60  }
0xae: {  	[dreg:$0x2] =	wrdreg s24  }
0xaf: {  	[dreg:$0x3] =	wrdreg s2  }
0xb0: {  	[dreg:$0x4] =	wrdreg $0x1800  }
0xb1: {  	[dreg:$0x5] =	wrdreg $0x4000  }
0xb2: {  	[dreg:$0x6] =	wrdreg $0x9  }
0xb3: {  	_ =	task.clear_ibuf [dreg:s7], $0x7FFFF;
	_ =	strace $0x90000046  }
0xb4: {  	s29 =	simm.s32 $0x9;
	_ =	strace $0x80000048  }
0xb5: {  	_ =	swait.ge [sflag:s29], $0x1  }
0xb6: {  	[sflag:s29] =	ssyncadd.s32 $0xFFFFFFFF  }
0xb7: {  	_ =	strace $0x90000048  }
0xb8: {  	_ =	sfence  }
0xb9: {  	s30 =	sld [smem:$0x0];
	_ =	sdelay $0x2  }
0xba: {  	s31 =	sshll.u32 s1, $0xD;
	s1 =	sshrl.u32 s1, $0x2  }
0xbb: {  	s3 =	sand.u32 $0x4000, s31;
	s1 =	sadd.s32 s1, s30  }
0xbc: {  	s0 =	sor.u32 s3, s0;
	s1 =	sshll.u32 s1, $0x11  }
0xbd: {  	s0 =	sor.u32 s1, s0  }
0xbe: {  	s0 =	sadd.s32 $0x8F2B, s0  }
0xbf: {  	[sflag:s0] =	ssyncadd.remote.s32 $0x1  }
0xc0: {  	_ =	sfence.sel $0xFFFF  }
0xc1: {  	[dreg:$0x0] =	wrdreg $0xFFFFFFFF;
	(pc) =	sbr.abs _section_cstart, $3  }
0xc2: {  	[dreg:$0x1] =	wrdreg $0xFFFFFFFF  }
0xc3: {  	_ =	task.clear_ibuf [dreg:s7], $0x2FFFF;
	_ =	strace $0x9FFFFFFF  }
0xc4: {  	(tm) =	ssettm $0x7FFFFFFF  }
0xc5: {  	_ =	shalt  }
tec
execute0_lowered:
.L_overlay_start_1:
0x0: {  	(tag) =	ssettag $0x1  }
0x1: {  	s7 =	rddreg [dreg:$0x0]  }
0x2: {  	s2 =	rddreg [dreg:$0x1]  }
0x3: {  	s3 =	rddreg [dreg:$0x2]  }
0x4: {  	s4 =	rddreg [dreg:$0x3];
	s1 =	stileid.u32  }
0x5: {  	s0 =	rddreg [dreg:$0x4];
	s5 =	simm.s32 $0x0;
	s6 =	srdreg.scid  }
0x6: {  	s9 =	smul.u32 $0x280, s1;
	[smem:$0x7FF] =	sst s5  }
0x7: {  	s12 =	sand.u32 $0x1, s6;
	s6 =	sadd.s32 $0x3A00, s7;
	s13 =	sadd.s32 $0xDE00, s7  }
0x8: {  	s14 =	sadd.s32 $0xEA00, s7;
	s16 =	sadd.s32 $0xE400, s7;
	s17 =	sadd.s32 $0xF000, s7  }
0x9: {  	s19 =	sshll.u32 s1, $0x6;
	s31 =	sshll.u32 s1, $0x7;
	_ =	strace $0x80000047  }
0xa: {  	s10 =	ssub.s32 $0x2, s12;
	s26 =	sshll.u32 s12, $0x4;
	p0 =	seq.s32 s12, $0x1  }
0xb: {  	s30 =	sshll.u32 s12, $0xB;
	s11 =	sshrl.u32 s9, $0x3;
	s15 =	sshrl.u32 s10, $0x1  }
0xc: {  	s18 =	sadd.s32 s9, s3;
	s28 =	sadd.s32 s9, s4;
	s13 =	smov.u32 @p0 s16  }
0xd: {  	s14 =	smov.u32 @p0 s17;
	s29 =	sor.u32 s26, s1;
	s17 =	simm.s32 $0x80  }
0xe: {  	s8 =	sadd.s32 s11, s7;
	s10 =	ssub.s32 s10, s15;
	s15 =	simm.s32 $0x1  }
0xf: {  	s16 =	sshrl.u32 s28, $0x3;
	s7 =	sadd.s32 $0xD800, s8;
	s8 =	sor.u32 $0x1C01, s19  }
0x10: {  	s9 =	smax.u32 s10, $0x1;
	s10 =	sadd.s32 s13, s11;
	s13 =	ssub.s32 $0x9E3, s29  }
0x11: {  	s11 =	sadd.s32 s14, s11;
	s14 =	sshrl.u32 s18, $0x3;
	s18 =	simm.s32 $0x100  }
0x12: {  	v0 =	vimm.f32 $1.000000000e+00;
	s19 =	simm.s32 $0x0;
	s12 =	sshrl.u32 s13, $0x5;
	s13 =	sor.u32 s31, s30  }
.LBB2_1:
0x13: {  	[tilespmem:$0x100] =	vst v0  }
0x14: {  	[tilespmem:$0x110] =	vst v0  }
0x15: {  	[tilespmem:$0x120] =	vst v0  }
0x16: {  	[tilespmem:$0x130] =	vst v0  }
0x17: {  	[tilespmem:$0x140] =	vst v0  }
0x18: {  	[tilespmem:$0x150] =	vst v0  }
0x19: {  	[tilespmem:$0x160] =	vst v0  }
0x1a: {  	[tilespmem:$0x170] =	vst v0  }
0x1b: {  	[spmem:s14], [sflag:s8] =	dma.local [hbm:s7], $0x50  }
0x1c: {  	_ =	swait.ge [sflag:s15], $0x50  }
0x1d: {  	[sflag:s15] =	ssyncset.done $0x0  }
0x1e: {  	p1 =	sne.s32 s12, $0x1;
	[sflag:s15] =	ssyncadd.s32 $0xFFFFFFB0  }
0x1f: {  	[spmem:s16], [sflag:s8] =	dma.local [hbm:s7], $0x50  }
.Ltmp0:
0x20: {  	_ =	swait.ge [sflag:s15], $0x50;
	(pc) =	sbr.rel @!p1 .LBB2_4-.Ltmp0, $4  }
0x21: {  	[sflag:s15] =	ssyncset.done $0x0  }
0x22: {  	[sflag:s15] =	ssyncadd.s32 $0xFFFFFFB0  }
0x23: {  	[bflag:$0x0] =	sbarrier.arrive $0xFFFF  }
0x24: {  	s20 =	sadd.s32 $0xFFFFFFFF, s12;
	s22 =	sshrl.u32 s13, $0x3;
	p0 =	por $0x0, $0x0  }
0x25: {  	s21 =	sadd.s32 s6, s22  }
0x26: {  	[tilespmem:s5], [sflag:$0x1] =	stream.linear.gather [hbm4b:s21+s5], $0x80, $0x38;
	[tilespmem:$0x680] =	vst v63  }
0x27: {  	_ =	swait.ge [sflag:s15], $0x80  }
0x28: {  	[sflag:s15] =	ssyncset.done $0x0  }
0x29: {  	s31 =	sadd.s32 s2, s22;
	[sflag:s15] =	ssyncadd.s32 $0xFFFFFF80  }
0x2a: {  	[tilespmem:s17], [sflag:$0x1] =	stream.linear.gather [hbm4b:s31+s5], $0x80, $0x38;
	[tilespmem:$0x680] =	vst v63  }
0x2b: {  	_ =	swait.ge [sflag:s15], $0x80  }
0x2c: {  	[sflag:s15] =	ssyncset.done $0x0  }
0x2d: {  	[sflag:s15] =	ssyncadd.s32 $0xFFFFFF80  }
0x2e: {  	[spmem:s3] =	stream.indirect.scatter.add.f32 [tilespmem:s18], [sflag:$0x1], $0x1, s5, s17, $0xb8;
	[tilespmem:$0x680] =	vst v63  }
0x2f: {  	p1 =	sne.s32 s20, $0x1;
	_ =	swait.ge [sflag:s15], $0x80  }
.Ltmp1:
0x30: {  	[sflag:s15] =	ssyncset.done $0x0;
	(pc) =	sbr.rel @!p1 .LBB2_4-.Ltmp1, $4  }
0x31: {  	[sflag:s15] =	ssyncadd.s32 $0xFFFFFF80  }
0x32: {  	[spmem:s4] =	stream.indirect.scatter.add.f32 [tilespmem:s18], [sflag:$0x1], $0x1, s17, s17, $0xb8;
	[tilespmem:$0x680] =	vst v63  }
0x33: {  	s20 =	sadd.s32 $0xFFFFFFFF, s20;
	s21 =	sadd.s32 $0x1000, s13;
	_ =	swait.ge [sflag:s15], $0x80  }
0x34: {  	p0 =	por $0x1, $0x1;
	s22 =	sshrl.u32 s21, $0x3;
	[sflag:s15] =	ssyncset.done $0x0  }
.LBB2_3:
0x35: {  	p1 =	sne.s32 s20, $0x1;
	s23 =	sadd.s32 s6, s22;
	[sflag:s15] =	ssyncadd.s32 $0xFFFFFF80  }
0x36: {  	[tilespmem:s5], [sflag:$0x1] =	stream.linear.gather [hbm4b:s23+s5], $0x80, $0x38;
	[tilespmem:$0x680] =	vst v63  }
0x37: {  	s20 =	sadd.s32 $0xFFFFFFFF, s20;
	_ =	swait.ge [sflag:s15], $0x80  }
0x38: {  	[sflag:s15] =	ssyncset.done $0x0  }
0x39: {  	s22 =	sadd.s32 s2, s22;
	[sflag:s15] =	ssyncadd.s32 $0xFFFFFF80  }
0x3a: {  	[tilespmem:s17], [sflag:$0x1] =	stream.linear.gather [hbm4b:s22+s5], $0x80, $0x38;
	[tilespmem:$0x680] =	vst v63  }
0x3b: {  	_ =	swait.ge [sflag:s15], $0x80  }
0x3c: {  	[sflag:s15] =	ssyncset.done $0x0  }
0x3d: {  	[sflag:s15] =	ssyncadd.s32 $0xFFFFFF80  }
0x3e: {  	[spmem:s3] =	stream.indirect.scatter.add.f32 [tilespmem:s18], [sflag:$0x1], $0x1, s5, s17, $0xb8;
	[tilespmem:$0x680] =	vst v63  }
0x3f: {  	_ =	swait.ge [sflag:s15], $0x80  }
.Ltmp2:
0x40: {  	[sflag:s15] =	ssyncset.done $0x0;
	(pc) =	sbr.rel @p1 .LBB2_3-.Ltmp2, $4  }
0x41: {  	[sflag:s15] =	ssyncadd.s32 $0xFFFFFF80  }
0x42: {  	[spmem:s4] =	stream.indirect.scatter.add.f32 [tilespmem:s18], [sflag:$0x1], $0x1, s17, s17, $0xb8;
	[tilespmem:$0x680] =	vst v63  }
0x43: {  	s21 =	sadd.s32 $0x1000, s21;
	_ =	swait.ge [sflag:s15], $0x80  }
0x44: {  	s22 =	sshrl.u32 s21, $0x3;
	[sflag:s15] =	ssyncset.done $0x0  }
.LBB2_4:
0x45: {  	s20 =	sadd.s32 s6, s22;
	[sflag:s15] =	ssyncadd.s32 @p0 $0xFFFFFF80  }
0x46: {  	[tilespmem:s5], [sflag:$0x1] =	stream.linear.gather [hbm4b:s20+s5], $0x80, $0x38;
	[tilespmem:$0x680] =	vst v63  }
0x47: {  	_ =	swait.ge [sflag:s15], $0x80  }
0x48: {  	[sflag:s15] =	ssyncset.done $0x0  }
0x49: {  	s31 =	sadd.s32 s2, s22;
	[sflag:s15] =	ssyncadd.s32 $0xFFFFFF80  }
0x4a: {  	[tilespmem:s17], [sflag:$0x1] =	stream.linear.gather [hbm4b:s31+s5], $0x80, $0x38;
	[tilespmem:$0x680] =	vst v63  }
0x4b: {  	_ =	swait.ge [sflag:s15], $0x80  }
0x4c: {  	[sflag:s15] =	ssyncset.done $0x0  }
0x4d: {  	[sflag:s15] =	ssyncadd.s32 $0xFFFFFF80  }
0x4e: {  	[spmem:s3] =	stream.indirect.scatter.add.f32 [tilespmem:s18], [sflag:$0x1], $0x1, s5, s17, $0xb8;
	[tilespmem:$0x680] =	vst v63  }
0x4f: {  	_ =	swait.ge [sflag:s15], $0x80  }
0x50: {  	[sflag:s15] =	ssyncset.done $0x0  }
0x51: {  	[sflag:s15] =	ssyncadd.s32 $0xFFFFFF80  }
0x52: {  	[spmem:s4] =	stream.indirect.scatter.add.f32 [tilespmem:s18], [sflag:$0x1], $0x1, s17, s17, $0xb8;
	[tilespmem:$0x680] =	vst v63  }
0x53: {  	_ =	swait.ge [sflag:s15], $0x80  }
0x54: {  	[sflag:s15] =	ssyncset.done $0x0  }
0x55: {  	[sflag:s15] =	ssyncadd.s32 $0xFFFFFF80  }
0x56: {  	[bflag:$0x0] =	sbarrier.arrive $0xFFFF  }
0x57: {  	[hbm:s10], [sflag:s8] =	dma.local [spmem:s14], $0x50  }
0x58: {  	s19 =	sadd.s32 $0x1, s19;
	_ =	swait.ge [sflag:s15], $0x50  }
0x59: {  	p0 =	sne.s32 s19, s9;
	[sflag:s15] =	ssyncset.done $0x0  }
.Ltmp3:
0x5a: {  	[sflag:s15] =	ssyncadd.s32 $0xFFFFFFB0;
	(pc) =	sbr.rel @p0 .LBB2_1-.Ltmp3, $4  }
0x5b: {  	[hbm:s11], [sflag:s8] =	dma.local [spmem:s16], $0x50  }
0x5c: {  	_ =	swait.ge [sflag:s15], $0x50  }
0x5d: {  	[sflag:s15] =	ssyncset.done $0x0  }
0x5e: {  	[sflag:s15] =	ssyncadd.s32 $0xFFFFFFB0  }
0x5f: {  	_ =	sfence.sel $0x180000  }
0x60: {  	[bflag:$0x0] =	sbarrier.arrive $0xFFFF  }
0x61: {  	p0 =	sne.s32 s1, $0x0;
	_ =	strace $0x90000047  }
0x62: {  	s0 =	sadd.s32 @!p0 $0x100000, s0;
	[bflag:$0x2] =	sbarrier.arrive $0xFFFF  }
0x63: {  	[sflag:s0] =	ssyncadd.tile.s32 @!p0 $0x1;
	_ =	shalt  }
.Lfunc_end2:
_tile_overlayer_lowered:
.L_overlay_start_2:
0x64: {  	(tag) =	ssettag $0x2  }
0x65: {  	s0 =	rddreg [dreg:$0x0];
	s2 =	stileid.u32  }
0x66: {  	s1 =	rddreg [dreg:$0x1];
	p0 =	sne.s32 s2, $0x0  }
0x67: {  	s3 =	rddreg [dreg:$0x2];
	[bflag:$0x3] =	sbarrier.arrive $0xFFFF;
	s2 =	simm.s32 @!p0 $0x1C01  }
0x68: {  	[timem:s3], [sflag:s2] =	dma.local @!p0 [hbm:s0], s1  }
0x69: {  	s0 =	simm.s32 @!p0 $0x1  }
0x6a: {  	_ =	swait.ge @!p0 [sflag:s0], s1  }
0x6b: {  	s1 =	ssub.s32 @!p0 $0x0, s1;
	[sflag:s0] =	ssyncset.done @!p0 $0x0  }
0x6c: {  	[sflag:s0] =	ssyncadd.s32 @!p0 s1  }
0x6d: {  	[bflag:$0x3] =	sbarrier.arrive $0xFFFF  }
0x6e: {  	_ =	shalt  }

// kernel: kernel.15.cloned.1.call-start
scs
__scs_entry_jumppad:
0x0: {  	(pc) =	sbr.rel $0x88, $3  }
0x1: {  	(tag) =	ssettag $0x0;
	lr =	simm.s32 $0x1  }
0x2: {  	[smem:$0x3F99] =	sst lr;
	_ =	strace $0xD0000000  }
0x3: {  	_ = 	snop  }
0x4: {  	_ = 	snop  }
0x5: {  	_ = 	snop  }
0x6: {  	_ = 	snop  }
0x7: {  	_ = 	snop  }
__scs_overlays_trampoline_lowered:
0x8: {  	[smem:$0x3FA8] =	sst s0  }
0x9: {  	[smem:$0x3FA9] =	sst s1  }
0xa: {  	[smem:$0x3FAA] =	sst s2  }
0xb: {  	[smem:$0x3FAB] =	sst s3  }
0xc: {  	[smem:$0x3FAC] =	sst s4  }
0xd: {  	[smem:$0x3FAD] =	sst s5  }
0xe: {  	[smem:$0x3FAE] =	sst s6  }
0xf: {  	[smem:$0x3FAF] =	sst s7  }
0x10: {  	[smem:$0x3FB0] =	sst s8  }
0x11: {  	[smem:$0x3FB1] =	sst s9;
	s0 =	simm.s32 @!p0 $0x0  }
0x12: {  	s1 =	sld [smem:$0x3F97];
	s0 =	simm.s32 @p0 $0x1  }
0x13: {  	[smem:$0x3FB2] =	sst s0;
	s0 =	simm.s32 @!p1 $0x0  }
0x14: {  	s2 =	sld [smem:$0x3F96];
	s0 =	simm.s32 @p1 $0x1  }
0x15: {  	[smem:$0x3FB3] =	sst s0;
	s0 =	simm.s32 @!p2 $0x0  }
0x16: {  	s3 =	sld [smem:$0x3FDB];
	s0 =	simm.s32 @p2 $0x1  }
0x17: {  	s4 =	simm.s32 $0x1BF5;
	[smem:$0x3FB5] =	sst s0  }
0x18: {  	s0 =	sld [smem:$0x3F98];
	_ =	swait.ge [sflag:s4], $0x0  }
0x19: {  	s7 =	sld [smem:$0x3F99]  }
0x1a: {  	s8 =	sadd.s32 $0xFFFFE003, lr  }
0x1b: {  	s9 =	sadd.s32 $0xFFFFFEF7, lr;
	s5 =	simm.s32 $0xFFFFFFFF;
	p2 =	slt.u32 s8, $0xFFFFF086  }
0x1c: {  	p1 =	slt.u32 s9, $0xF7A;
	s5 =	simm.s32 @!p2 $0x0  }
0x1d: {  	s5 =	simm.s32 @p1 $0x1;
	p0 =	seq.s32 s7, s2  }
0x1e: {  	s7 =	smul.u32 @!p0 $0xF7A, s2;
	p2 =	seq.s32 @!p0 s5, $0x0  }
0x1f: {  	s9 =	smul.u32 $0xF7A, s1;
	s8 =	simm.s32 @!p0 $0x1BF5;
	p2 =	por !p2, p0  }
0x20: {  	[sflag:s8] =	ssyncset.s32 @!p0 $0xFFFFF086;
	s6 =	sadd.s32 @!p0 s3, s7;
	s7 =	simm.s32 @!p0 $0x108  }
0x21: {  	s3 =	sadd.s32 s3, s9;
	s6 =	sadd.s32 @!p0 $0x88, s6;
	s7 =	simm.s32 @p2 $0x1082  }
0x22: {  	[simem:s7], [sflag:s8] =	dma.local @!p0 [hbm:s6], $0xF7A  }
0x23: {  	s9 =	sor.u32 $0xD0000000, s2;
	s6 =	simm.s32 $0x108;
	_ =	swait.ge @!p0 [sflag:s8], $0x0  }
0x24: {  	s3 =	sadd.s32 $0x88, s3;
	s6 =	simm.s32 @!p1 $0x1082;
	[sflag:s4] =	ssyncset.s32 $0xFFFFF086  }
0x25: {  	[simem:s6], [sflag:s4] =	dma.local [hbm:s3], $0xF7A  }
0x26: {  	[smem:$0x3F99] =	sst s1;
	(tag) =	ssettag s2;
	_ =	strace s9  }
0x27: {  	s1 =	sld [smem:$0x3FA9]  }
0x28: {  	s2 =	sld [smem:$0x3FAA]  }
0x29: {  	s4 =	sld [smem:$0x3FAC]  }
0x2a: {  	p0 =	seq.s32 s5, $0x0;
	s5 =	sld [smem:$0x3FAD]  }
0x2b: {  	s6 =	sld [smem:$0x3FAE]  }
0x2c: {  	s7 =	sld [smem:$0x3FAF]  }
0x2d: {  	s3 =	simm.s32 $0x108;
	s8 =	sld [smem:$0x3FB0]  }
0x2e: {  	s3 =	simm.s32 @!p0 $0x1082;
	s9 =	sld [smem:$0x3FB1]  }
0x2f: {  	lr =	sadd.s32 s0, s3;
	s0 =	sld [smem:$0x3FA8]  }
0x30: {  	s3 =	sld [smem:$0x3FAB]  }
0x31: {  	[smem:$0x3FB4] =	sst s10  }
0x32: {  	s10 =	sld [smem:$0x3FB2];
	_ =	sdelay $0x3  }
0x33: {  	p0 =	seq.s32 s10, $0x1;
	s10 =	sld [smem:$0x3FB4];
	_ =	sdelay $0x3  }
0x34: {  	[smem:$0x3FB4] =	sst s10  }
0x35: {  	s10 =	sld [smem:$0x3FB3];
	_ =	sdelay $0x3  }
0x36: {  	p1 =	seq.s32 s10, $0x1;
	s10 =	sld [smem:$0x3FB4];
	_ =	sdelay $0x3  }
0x37: {  	[smem:$0x3FB4] =	sst s10  }
0x38: {  	s10 =	sld [smem:$0x3FB5]  }
0x39: {  	_ = 	snop;
	(pc) =	sbr.ind lr, $3  }
0x3a: {  	_ = 	snop  }
0x3b: {  	_ = 	snop  }
0x3c: {  	p2 =	seq.s32 s10, $0x1;
	s10 =	sld [smem:$0x3FB4]  }
0x3d: {  	_ =	shalt  }
0x3e: {  	_ =	shalt  }
0x3f: {  	_ =	shalt  }
0x40: {  	_ =	shalt  }
0x41: {  	_ =	shalt  }
0x42: {  	_ =	shalt  }
0x43: {  	_ =	shalt  }
0x44: {  	_ =	shalt  }
0x45: {  	_ =	shalt  }
0x46: {  	_ =	shalt  }
0x47: {  	_ =	shalt  }
0x48: {  	_ =	shalt  }
0x49: {  	_ =	shalt  }
0x4a: {  	_ =	shalt  }
0x4b: {  	_ =	shalt  }
0x4c: {  	_ =	shalt  }
0x4d: {  	_ =	shalt  }
0x4e: {  	_ =	shalt  }
0x4f: {  	_ =	shalt  }
0x50: {  	_ =	shalt  }
0x51: {  	_ =	shalt  }
0x52: {  	_ =	shalt  }
0x53: {  	_ =	shalt  }
0x54: {  	_ =	shalt  }
0x55: {  	_ =	shalt  }
0x56: {  	_ =	shalt  }
0x57: {  	_ =	shalt  }
0x58: {  	_ =	shalt  }
0x59: {  	_ =	shalt  }
0x5a: {  	_ =	shalt  }
0x5b: {  	_ =	shalt  }
0x5c: {  	_ =	shalt  }
0x5d: {  	_ =	shalt  }
0x5e: {  	_ =	shalt  }
0x5f: {  	_ =	shalt  }
0x60: {  	_ =	shalt  }
0x61: {  	_ =	shalt  }
0x62: {  	_ =	shalt  }
0x63: {  	_ =	shalt  }
0x64: {  	_ =	shalt  }
0x65: {  	_ =	shalt  }
0x66: {  	_ =	shalt  }
0x67: {  	_ =	shalt  }
0x68: {  	_ =	shalt  }
0x69: {  	_ =	shalt  }
0x6a: {  	_ =	shalt  }
0x6b: {  	_ =	shalt  }
0x6c: {  	_ =	shalt  }
0x6d: {  	_ =	shalt  }
0x6e: {  	_ =	shalt  }
0x6f: {  	_ =	shalt  }
0x70: {  	_ =	shalt  }
0x71: {  	_ =	shalt  }
0x72: {  	_ =	shalt  }
0x73: {  	_ =	shalt  }
0x74: {  	_ =	shalt  }
0x75: {  	_ =	shalt  }
0x76: {  	_ =	shalt  }
0x77: {  	_ =	shalt  }
0x78: {  	_ =	shalt  }
0x79: {  	_ =	shalt  }
0x7a: {  	_ =	shalt  }
0x7b: {  	_ =	shalt  }
0x7c: {  	_ =	shalt  }
0x7d: {  	_ =	shalt  }
0x7e: {  	_ =	shalt  }
0x7f: {  	_ =	shalt  }
0x80: {  	_ =	shalt  }
0x81: {  	_ =	shalt  }
0x82: {  	_ =	shalt  }
0x83: {  	_ =	shalt  }
0x84: {  	_ =	shalt  }
0x85: {  	_ =	shalt  }
0x86: {  	_ =	shalt  }
0x87: {  	_ =	shalt  }
.Lfunc_end0:
.L_simem_size_0:
called_computation.1_lowered:
.L_overlay_start_0:
0x88: {  	s2 =	sld [smem:$0x3FD9]  }
0x89: {  	s3 =	sld [smem:$0x3FFE];
	_ =	sdelay $0x1  }
0x8a: {  	s1 =	srdreg.scid  }
0x8b: {  	s0 =	sand.u32 $0x1, s1  }
0x8c: {  	s16 =	sshll.u32 s0, $0xA;
	s2 =	sadd.s32 s3, s2  }
0x8d: {  	s2 =	sadd.s32 s2, s16  }
0x8e: {  	[smem:$0x3FC0] =	sst s2  }
0x8f: {  	_ = 	snop  }
0x90: {  	(tm) =	ssettm $0x1  }
0x91: {  	s17 =	sld [smem:$0x3FFB];
	_ =	sdelay $0x3  }
0x92: {  	_ =	strace s17  }
0x93: {  	s2 =	sld [smem:$0x3FFC];
	_ =	sdelay $0x3  }
0x94: {  	_ =	strace s2  }
0x95: {  	s2 =	sld [smem:$0x3FFD];
	_ =	sdelay $0x3  }
0x96: {  	_ =	strace s2  }
0x97: {  	_ =	strace $0x8FFFFFFF  }
0x98: {  	s18 =	sld [smem:$0x3FDB];
	_ =	sdelay $0x1  }
0x99: {  	s19 =	simm.s32 $_scs_section_size  }
0x9a: {  	s4 =	simm.s32 $_size__tile_overlayer_lowered;
	s5 =	simm.s32 $_tile_overlayer_lowered  }
0x9b: {  	s22 =	simm.s32 $0x1BFF;
	s21 =	sshll.u32 s5, $0x1;
	s2 =	sadd.s32 s19, s18  }
0x9c: {  	s6 =	simm.s32 $0x0;
	s20 =	sshll.u32 s4, $0x1;
	s4 =	sadd.s32 s21, s2  }
0x9d: {  	[timem:s6], [sflag:s22] =	dma.local [hbm:s4], s20  }
0x9e: {  	_ =	swait.ge [sflag:s22], s20  }
0x9f: {  	s3 =	ssub.s32 $0x0, s20;
	[sflag:s22] =	ssyncset.done $0x0  }
0xa0: {  	[sflag:s22] =	ssyncadd.s32 s3;
	_ =	sdelay $0x1  }
0xa1: {  	s23 =	simm.s32 $0x1B8B  }
0xa2: {  	_ =	swait.ge [sflag:s23], $0x1  }
0xa3: {  	[sflag:s23] =	ssyncset.done $0x0  }
0xa4: {  	s25 =	simm.s32 $0x1B8E;
	s24 =	sld [smem:$0x3FFE];
	[sflag:s23] =	ssyncadd.s32 $0xFFFFFFFF  }
0xa5: {  	s26 =	simm.s32 $execute0_lowered;
	[smem:$0x3FD2] =	sst s25  }
0xa6: {  	s4 =	sshll.u32 s26, $0x1;
	_ =	strace $0x80000049;
	[dreg:$0x1] =	wrdreg $0xFFFFFFFF  }
0xa7: {  	s28 =	simm.s32 $_size_execute0_lowered;
	s2 =	sadd.s32 s2, s4;
	[dreg:$0x0] =	wrdreg $0x0  }
0xa8: {  	s4 =	sshll.u32 s28, $0x1;
	[dreg:$0x2] =	wrdreg s2  }
0xa9: {  	[dreg:$0x3] =	wrdreg s4  }
0xaa: {  	[dreg:$0x4] =	wrdreg $0xC0  }
0xab: {  	_ =	task [dreg:s6], $0x5FFFF  }
0xac: {  	[dreg:$0x1] =	wrdreg $0xFFFFFFFF  }
0xad: {  	[dreg:$0x0] =	wrdreg $0x60  }
0xae: {  	[dreg:$0x2] =	wrdreg s24  }
0xaf: {  	[dreg:$0x3] =	wrdreg $0xB7000  }
0xb0: {  	[dreg:$0x4] =	wrdreg $0x9  }
0xb1: {  	_ =	task.clear_ibuf [dreg:s6], $0x5FFFF;
	_ =	strace $0x90000049  }
0xb2: {  	s29 =	simm.s32 $0x9;
	_ =	strace $0x8000004B  }
0xb3: {  	_ =	swait.ge [sflag:s29], $0x1  }
0xb4: {  	[sflag:s29] =	ssyncadd.s32 $0xFFFFFFFF  }
0xb5: {  	_ =	strace $0x9000004B  }
0xb6: {  	_ =	sfence  }
0xb7: {  	s30 =	sld [smem:$0x0];
	_ =	sdelay $0x2  }
0xb8: {  	s31 =	sshll.u32 s1, $0xD;
	s1 =	sshrl.u32 s1, $0x2  }
0xb9: {  	s3 =	sand.u32 $0x4000, s31;
	s1 =	sadd.s32 s1, s30  }
0xba: {  	s0 =	sor.u32 s3, s0;
	s1 =	sshll.u32 s1, $0x11  }
0xbb: {  	s0 =	sor.u32 s1, s0  }
0xbc: {  	s0 =	sadd.s32 $0x8F2B, s0  }
0xbd: {  	[sflag:s0] =	ssyncadd.remote.s32 $0x1  }
0xbe: {  	_ =	sfence.sel $0xFFFF  }
0xbf: {  	[dreg:$0x0] =	wrdreg $0xFFFFFFFF;
	(pc) =	sbr.abs _section_cstart, $3  }
0xc0: {  	[dreg:$0x1] =	wrdreg $0xFFFFFFFF  }
0xc1: {  	_ =	task.clear_ibuf [dreg:s6], $0x2FFFF;
	_ =	strace $0x9FFFFFFF  }
0xc2: {  	(tm) =	ssettm $0x7FFFFFFF  }
0xc3: {  	_ =	shalt  }
tec
execute0_lowered:
.L_overlay_start_1:
0x0: {  	(tag) =	ssettag $0x1  }
0x1: {  	s5 =	rddreg [dreg:$0x0]  }
0x2: {  	s1 =	rddreg [dreg:$0x1]  }
0x3: {  	s0 =	rddreg [dreg:$0x2];
	s3 =	simm.s32 $0x0  }
0x4: {  	s4 =	srdreg.scid;
	s2 =	stileid.u32;
	s14 =	simm.s32 $0x100  }
0x5: {  	s15 =	simm.s32 $0x3F00;
	s16 =	simm.s32 $0x200;
	s17 =	simm.s32 $0x7B00  }
0x6: {  	s18 =	simm.s32 $0x1;
	s19 =	simm.s32 $0x80;
	s20 =	simm.s32 $0x2  }
0x7: {  	s21 =	simm.s32 $0x180;
	s22 =	simm.s32 $0x3;
	s23 =	simm.s32 $0x280  }
0x8: {  	s24 =	simm.s32 $0x0;
	[smem:$0x7FF] =	sst s3;
	s7 =	smul.u32 $0x2800, s2  }
0x9: {  	s6 =	sand.u32 $0x1, s4;
	s10 =	smul.u32 $0x50000, s2;
	s4 =	sadd.s32 $0x24600, s5  }
0xa: {  	s30 =	sshll.u32 s2, $0x6;
	s13 =	sshll.u32 s2, $0x5;
	_ =	strace $0x8000004A  }
0xb: {  	s8 =	sshll.u32 s6, $0x9;
	s9 =	ssub.s32 $0x2, s6;
	p0 =	seq.s32 s6, $0x1  }
0xc: {  	s6 =	sor.u32 $0x1C04, s30;
	s8 =	sadd.s32 s8, s5;
	s11 =	sshrl.u32 s9, $0x1  }
0xd: {  	s12 =	sadd.s32 s7, s5;
	s29 =	sshrl.u32 s10, $0x2;
	s28 =	ssub.s32 s9, s11  }
0xe: {  	s10 =	sadd.s32 s29, s1;
	s5 =	sadd.s32 $0x4B800, s12;
	s11 =	simm.s32 $0x9B800  }
0xf: {  	s31 =	sadd.s32 s13, s8;
	s13 =	simm.s32 $0x300;
	s11 =	simm.s32 @!p0 $0x73800  }
0x10: {  	s7 =	smax.u32 s28, $0x1;
	s9 =	sadd.s32 $0xF600, s31;
	s10 =	sshrl.u32 s10, $0x3  }
0x11: {  	s8 =	sadd.s32 s11, s12;
	s11 =	simm.s32 $0x4;
	s12 =	simm.s32 $0x78  }
.LBB2_1:
0x12: {  	[spmem:s10], [sflag:s6] =	dma.local [hbm:s5], $0x2800  }
0x13: {  	_ =	swait.ge [sflag:s11], $0x2800  }
0x14: {  	[sflag:s11] =	ssyncset.done $0x0  }
0x15: {  	[sflag:s11] =	ssyncadd.s32 $0xFFFFD800  }
0x16: {  	s25 =	sadd.s32 $0x0, s9;
	[bflag:$0x0] =	sbarrier.arrive $0xFFFF  }
0x17: {  	[tilespmem:s3], [sflag:$0x4] =	stream.linear.gather [hbm4b:s25+s3], $0x100, $0x38;
	[tilespmem:$0x1F740] =	vst v63  }
0x18: {  	_ =	swait.ge [sflag:s11], $0x100  }
0x19: {  	[sflag:s11] =	ssyncset.done $0x0  }
0x1a: {  	[sflag:s11] =	ssyncadd.s32 $0xFFFFFF00  }
0x1b: {  	[tilespmem:s13], [sflag:$0x1] =	stream.indirect.gather [hbm4b:s4+s12], $0x80, s3, s12, $0xb8;
	[tilespmem:$0x1F740] =	vst v63  }
0x1c: {  	s26 =	sadd.s32 $0x400, s25  }
0x1d: {  	[tilespmem:s14], [sflag:$0x4] =	stream.linear.gather [hbm4b:s26+s3], $0x100, $0x38;
	[tilespmem:$0x1F740] =	vst v63  }
0x1e: {  	_ =	swait.ge [sflag:s11], $0x100  }
0x1f: {  	[sflag:s11] =	ssyncset.done $0x0  }
0x20: {  	[sflag:s11] =	ssyncadd.s32 $0xFFFFFF00  }
0x21: {  	[tilespmem:s15], [sflag:$0x2] =	stream.indirect.gather [hbm4b:s4+s12], $0x80, s14, s12, $0xb8;
	[tilespmem:$0x1F740] =	vst v63  }
0x22: {  	s25 =	sadd.s32 $0x800, s25  }
0x23: {  	[tilespmem:s16], [sflag:$0x4] =	stream.linear.gather [hbm4b:s25+s3], $0x100, $0x38;
	[tilespmem:$0x1F740] =	vst v63  }
0x24: {  	_ =	swait.ge [sflag:s11], $0x100  }
0x25: {  	[sflag:s11] =	ssyncset.done $0x0  }
0x26: {  	[sflag:s11] =	ssyncadd.s32 $0xFFFFFF00  }
0x27: {  	[tilespmem:s17], [sflag:$0x3] =	stream.indirect.gather [hbm4b:s4+s12], $0x80, s16, s12, $0xb8;
	[tilespmem:$0x1F740] =	vst v63  }
0x28: {  	_ =	swait.ge [sflag:s18], $0x3C00  }
0x29: {  	[sflag:s18] =	ssyncset.done $0x0  }
0x2a: {  	[sflag:s18] =	ssyncadd.s32 $0xFFFFC400  }
0x2b: {  	[spmem:s1] =	stream.indirect.scatter.add.f32 [tilespmem:s13], [sflag:$0x4], $0x80, s19, s12, $0xb8;
	[tilespmem:$0x1F740] =	vst v63  }
0x2c: {  	_ =	swait.ge [sflag:s11], $0x3C00  }
0x2d: {  	[sflag:s11] =	ssyncset.done $0x0  }
0x2e: {  	[sflag:s11] =	ssyncadd.s32 $0xFFFFC400  }
0x2f: {  	_ =	swait.ge [sflag:s20], $0x3C00  }
0x30: {  	[sflag:s20] =	ssyncset.done $0x0  }
0x31: {  	[sflag:s20] =	ssyncadd.s32 $0xFFFFC400  }
0x32: {  	[spmem:s1] =	stream.indirect.scatter.add.f32 [tilespmem:s15], [sflag:$0x4], $0x80, s21, s12, $0xb8;
	[tilespmem:$0x1F740] =	vst v63  }
0x33: {  	_ =	swait.ge [sflag:s11], $0x3C00  }
0x34: {  	[sflag:s11] =	ssyncset.done $0x0  }
0x35: {  	[sflag:s11] =	ssyncadd.s32 $0xFFFFC400  }
0x36: {  	_ =	swait.ge [sflag:s22], $0x3C00  }
0x37: {  	[sflag:s22] =	ssyncset.done $0x0  }
0x38: {  	[sflag:s22] =	ssyncadd.s32 $0xFFFFC400  }
0x39: {  	[spmem:s1] =	stream.indirect.scatter.add.f32 [tilespmem:s17], [sflag:$0x4], $0x80, s23, s12, $0xb8;
	[tilespmem:$0x1F740] =	vst v63  }
0x3a: {  	_ =	swait.ge [sflag:s11], $0x3C00  }
0x3b: {  	s28 =	simm.s32 $0x1800;
	s25 =	simm.s32 $0xC00;
	[sflag:s11] =	ssyncset.done $0x0  }
.LBB2_2:
0x3c: {  	s29 =	sadd.s32 s25, s9  }
0x3d: {  	[sflag:s11] =	ssyncadd.s32 $0xFFFFC400;
	s25 =	smov.u32 s28;
	s26 =	sadd.s32 $0xC00, s28  }
0x3e: {  	[tilespmem:s3], [sflag:$0x4] =	stream.linear.gather [hbm4b:s29+s3], $0x100, $0x38;
	[tilespmem:$0x1F740] =	vst v63  }
0x3f: {  	p0 =	sne.s32 s28, $0x14400;
	_ =	swait.ge [sflag:s11], $0x100  }
0x40: {  	[sflag:s11] =	ssyncset.done $0x0  }
0x41: {  	[sflag:s11] =	ssyncadd.s32 $0xFFFFFF00  }
0x42: {  	[tilespmem:s13], [sflag:$0x1] =	stream.indirect.gather [hbm4b:s4+s12], $0x80, s3, s12, $0xb8;
	[tilespmem:$0x1F740] =	vst v63  }
0x43: {  	s28 =	sadd.s32 $0x400, s29  }
0x44: {  	[tilespmem:s14], [sflag:$0x4] =	stream.linear.gather [hbm4b:s28+s3], $0x100, $0x38;
	[tilespmem:$0x1F740] =	vst v63  }
0x45: {  	_ =	swait.ge [sflag:s11], $0x100  }
0x46: {  	[sflag:s11] =	ssyncset.done $0x0  }
0x47: {  	[sflag:s11] =	ssyncadd.s32 $0xFFFFFF00  }
0x48: {  	[tilespmem:s15], [sflag:$0x2] =	stream.indirect.gather [hbm4b:s4+s12], $0x80, s14, s12, $0xb8;
	[tilespmem:$0x1F740] =	vst v63  }
0x49: {  	s28 =	sadd.s32 $0x800, s29  }
0x4a: {  	[tilespmem:s16], [sflag:$0x4] =	stream.linear.gather [hbm4b:s28+s3], $0x100, $0x38;
	[tilespmem:$0x1F740] =	vst v63  }
0x4b: {  	_ =	swait.ge [sflag:s11], $0x100  }
0x4c: {  	[sflag:s11] =	ssyncset.done $0x0  }
0x4d: {  	[sflag:s11] =	ssyncadd.s32 $0xFFFFFF00  }
0x4e: {  	[tilespmem:s17], [sflag:$0x3] =	stream.indirect.gather [hbm4b:s4+s12], $0x80, s16, s12, $0xb8;
	[tilespmem:$0x1F740] =	vst v63  }
0x4f: {  	_ =	swait.ge [sflag:s18], $0x3C00  }
0x50: {  	[sflag:s18] =	ssyncset.done $0x0  }
0x51: {  	[sflag:s18] =	ssyncadd.s32 $0xFFFFC400  }
0x52: {  	[spmem:s1] =	stream.indirect.scatter.add.f32 [tilespmem:s13], [sflag:$0x4], $0x80, s19, s12, $0xb8;
	[tilespmem:$0x1F740] =	vst v63  }
0x53: {  	_ =	swait.ge [sflag:s11], $0x3C00  }
0x54: {  	[sflag:s11] =	ssyncset.done $0x0  }
0x55: {  	[sflag:s11] =	ssyncadd.s32 $0xFFFFC400  }
0x56: {  	_ =	swait.ge [sflag:s20], $0x3C00  }
0x57: {  	[sflag:s20] =	ssyncset.done $0x0  }
0x58: {  	[sflag:s20] =	ssyncadd.s32 $0xFFFFC400  }
0x59: {  	[spmem:s1] =	stream.indirect.scatter.add.f32 [tilespmem:s15], [sflag:$0x4], $0x80, s21, s12, $0xb8;
	[tilespmem:$0x1F740] =	vst v63  }
0x5a: {  	_ =	swait.ge [sflag:s11], $0x3C00  }
0x5b: {  	[sflag:s11] =	ssyncset.done $0x0  }
0x5c: {  	[sflag:s11] =	ssyncadd.s32 $0xFFFFC400  }
0x5d: {  	_ =	swait.ge [sflag:s22], $0x3C00  }
.Ltmp0:
0x5e: {  	[sflag:s22] =	ssyncset.done $0x0;
	(pc) =	sbr.rel @p0 .LBB2_2-.Ltmp0, $4  }
0x5f: {  	[sflag:s22] =	ssyncadd.s32 $0xFFFFC400  }
0x60: {  	[spmem:s1] =	stream.indirect.scatter.add.f32 [tilespmem:s17], [sflag:$0x4], $0x80, s23, s12, $0xb8;
	[tilespmem:$0x1F740] =	vst v63  }
0x61: {  	_ =	swait.ge [sflag:s11], $0x3C00  }
0x62: {  	s28 =	smov.u32 s26;
	[sflag:s11] =	ssyncset.done $0x0  }
0x63: {  	s25 =	sadd.s32 s25, s9;
	[sflag:s11] =	ssyncadd.s32 $0xFFFFC400  }
0x64: {  	[tilespmem:s3], [sflag:$0x4] =	stream.linear.gather [hbm4b:s25+s3], $0x100, $0x38;
	[tilespmem:$0x1F740] =	vst v63  }
0x65: {  	_ =	swait.ge [sflag:s11], $0x100  }
0x66: {  	[sflag:s11] =	ssyncset.done $0x0  }
0x67: {  	[sflag:s11] =	ssyncadd.s32 $0xFFFFFF00  }
0x68: {  	[tilespmem:s13], [sflag:$0x1] =	stream.indirect.gather [hbm4b:s4+s12], $0x80, s3, s12, $0xb8;
	[tilespmem:$0x1F740] =	vst v63  }
0x69: {  	s26 =	sadd.s32 $0x400, s25  }
0x6a: {  	[tilespmem:s14], [sflag:$0x4] =	stream.linear.gather [hbm4b:s26+s3], $0x100, $0x38;
	[tilespmem:$0x1F740] =	vst v63  }
0x6b: {  	_ =	swait.ge [sflag:s11], $0x100  }
0x6c: {  	[sflag:s11] =	ssyncset.done $0x0  }
0x6d: {  	[sflag:s11] =	ssyncadd.s32 $0xFFFFFF00  }
0x6e: {  	[tilespmem:s15], [sflag:$0x2] =	stream.indirect.gather [hbm4b:s4+s12], $0x80, s14, s12, $0xb8;
	[tilespmem:$0x1F740] =	vst v63  }
0x6f: {  	s25 =	sadd.s32 $0x800, s25  }
0x70: {  	[tilespmem:s16], [sflag:$0x4] =	stream.linear.gather [hbm4b:s25+s3], $0x100, $0x38;
	[tilespmem:$0x1F740] =	vst v63  }
0x71: {  	_ =	swait.ge [sflag:s11], $0x100  }
0x72: {  	[sflag:s11] =	ssyncset.done $0x0  }
0x73: {  	[sflag:s11] =	ssyncadd.s32 $0xFFFFFF00  }
0x74: {  	[tilespmem:s17], [sflag:$0x3] =	stream.indirect.gather [hbm4b:s4+s12], $0x80, s16, s12, $0xb8;
	[tilespmem:$0x1F740] =	vst v63  }
0x75: {  	_ =	swait.ge [sflag:s18], $0x3C00  }
0x76: {  	[sflag:s18] =	ssyncset.done $0x0  }
0x77: {  	[sflag:s18] =	ssyncadd.s32 $0xFFFFC400  }
0x78: {  	[spmem:s1] =	stream.indirect.scatter.add.f32 [tilespmem:s13], [sflag:$0x4], $0x80, s19, s12, $0xb8;
	[tilespmem:$0x1F740] =	vst v63  }
0x79: {  	_ =	swait.ge [sflag:s11], $0x3C00  }
0x7a: {  	[sflag:s11] =	ssyncset.done $0x0  }
0x7b: {  	[sflag:s11] =	ssyncadd.s32 $0xFFFFC400  }
0x7c: {  	_ =	swait.ge [sflag:s20], $0x3C00  }
0x7d: {  	[sflag:s20] =	ssyncset.done $0x0  }
0x7e: {  	[sflag:s20] =	ssyncadd.s32 $0xFFFFC400  }
0x7f: {  	[spmem:s1] =	stream.indirect.scatter.add.f32 [tilespmem:s15], [sflag:$0x4], $0x80, s21, s12, $0xb8;
	[tilespmem:$0x1F740] =	vst v63  }
0x80: {  	_ =	swait.ge [sflag:s11], $0x3C00  }
0x81: {  	[sflag:s11] =	ssyncset.done $0x0  }
0x82: {  	[sflag:s11] =	ssyncadd.s32 $0xFFFFC400  }
0x83: {  	_ =	swait.ge [sflag:s22], $0x3C00  }
0x84: {  	[sflag:s22] =	ssyncset.done $0x0  }
0x85: {  	[sflag:s22] =	ssyncadd.s32 $0xFFFFC400  }
0x86: {  	[spmem:s1] =	stream.indirect.scatter.add.f32 [tilespmem:s17], [sflag:$0x4], $0x80, s23, s12, $0xb8;
	[tilespmem:$0x1F740] =	vst v63  }
0x87: {  	_ =	swait.ge [sflag:s11], $0x3C00  }
0x88: {  	s24 =	sadd.s32 $0x1, s24;
	[sflag:s11] =	ssyncset.done $0x0  }
0x89: {  	p0 =	sne.s32 s24, s7;
	[sflag:s11] =	ssyncadd.s32 $0xFFFFC400  }
.Ltmp1:
0x8a: {  	[bflag:$0x0] =	sbarrier.arrive $0xFFFF;
	(pc) =	sbr.rel @p0 .LBB2_1-.Ltmp1, $4  }
0x8b: {  	[hbm:s8], [sflag:s6] =	dma.local [spmem:s10], $0x2800  }
0x8c: {  	_ =	swait.ge [sflag:s11], $0x2800  }
0x8d: {  	[sflag:s11] =	ssyncset.done $0x0  }
0x8e: {  	[sflag:s11] =	ssyncadd.s32 $0xFFFFD800  }
0x8f: {  	_ =	sfence.sel $0x180000  }
0x90: {  	[bflag:$0x0] =	sbarrier.arrive $0xFFFF  }
0x91: {  	p0 =	sne.s32 s2, $0x0;
	_ =	strace $0x9000004A  }
0x92: {  	s0 =	sadd.s32 @!p0 $0x100000, s0;
	[bflag:$0x2] =	sbarrier.arrive $0xFFFF  }
0x93: {  	[sflag:s0] =	ssyncadd.tile.s32 @!p0 $0x1;
	_ =	shalt  }
.Lfunc_end2:
_tile_overlayer_lowered:
.L_overlay_start_2:
0x94: {  	(tag) =	ssettag $0x2  }
0x95: {  	s0 =	rddreg [dreg:$0x0];
	s2 =	stileid.u32  }
0x96: {  	s1 =	rddreg [dreg:$0x1];
	p0 =	sne.s32 s2, $0x0  }
0x97: {  	s3 =	rddreg [dreg:$0x2];
	[bflag:$0x3] =	sbarrier.arrive $0xFFFF;
	s2 =	simm.s32 @!p0 $0x1C04  }
0x98: {  	[timem:s3], [sflag:s2] =	dma.local @!p0 [hbm:s0], s1  }
0x99: {  	s0 =	simm.s32 @!p0 $0x4  }
0x9a: {  	_ =	swait.ge @!p0 [sflag:s0], s1  }
0x9b: {  	s1 =	ssub.s32 @!p0 $0x0, s1;
	[sflag:s0] =	ssyncset.done @!p0 $0x0  }
0x9c: {  	[sflag:s0] =	ssyncadd.s32 @!p0 s1  }
0x9d: {  	[bflag:$0x3] =	sbarrier.arrive $0xFFFF  }
0x9e: {  	_ =	shalt  }

// kernel: kernel.18.cloned.1.call-start
scs
__scs_entry_jumppad:
0x0: {  	(pc) =	sbr.rel $0x88, $3  }
0x1: {  	(tag) =	ssettag $0x0;
	lr =	simm.s32 $0x1  }
0x2: {  	[smem:$0x3F99] =	sst lr;
	_ =	strace $0xD0000000  }
0x3: {  	_ = 	snop  }
0x4: {  	_ = 	snop  }
0x5: {  	_ = 	snop  }
0x6: {  	_ = 	snop  }
0x7: {  	_ = 	snop  }
__scs_overlays_trampoline_lowered:
0x8: {  	[smem:$0x3FA8] =	sst s0  }
0x9: {  	[smem:$0x3FA9] =	sst s1  }
0xa: {  	[smem:$0x3FAA] =	sst s2  }
0xb: {  	[smem:$0x3FAB] =	sst s3  }
0xc: {  	[smem:$0x3FAC] =	sst s4  }
0xd: {  	[smem:$0x3FAD] =	sst s5  }
0xe: {  	[smem:$0x3FAE] =	sst s6  }
0xf: {  	[smem:$0x3FAF] =	sst s7  }
0x10: {  	[smem:$0x3FB0] =	sst s8  }
0x11: {  	[smem:$0x3FB1] =	sst s9;
	s0 =	simm.s32 @!p0 $0x0  }
0x12: {  	s1 =	sld [smem:$0x3F97];
	s0 =	simm.s32 @p0 $0x1  }
0x13: {  	[smem:$0x3FB2] =	sst s0;
	s0 =	simm.s32 @!p1 $0x0  }
0x14: {  	s2 =	sld [smem:$0x3F96];
	s0 =	simm.s32 @p1 $0x1  }
0x15: {  	[smem:$0x3FB3] =	sst s0;
	s0 =	simm.s32 @!p2 $0x0  }
0x16: {  	s3 =	sld [smem:$0x3FDB];
	s0 =	simm.s32 @p2 $0x1  }
0x17: {  	s4 =	simm.s32 $0x1BF5;
	[smem:$0x3FB5] =	sst s0  }
0x18: {  	s0 =	sld [smem:$0x3F98];
	_ =	swait.ge [sflag:s4], $0x0  }
0x19: {  	s7 =	sld [smem:$0x3F99]  }
0x1a: {  	s8 =	sadd.s32 $0xFFFFE003, lr  }
0x1b: {  	s9 =	sadd.s32 $0xFFFFFEF7, lr;
	s5 =	simm.s32 $0xFFFFFFFF;
	p2 =	slt.u32 s8, $0xFFFFF086  }
0x1c: {  	p1 =	slt.u32 s9, $0xF7A;
	s5 =	simm.s32 @!p2 $0x0  }
0x1d: {  	s5 =	simm.s32 @p1 $0x1;
	p0 =	seq.s32 s7, s2  }
0x1e: {  	s7 =	smul.u32 @!p0 $0xF7A, s2;
	p2 =	seq.s32 @!p0 s5, $0x0  }
0x1f: {  	s9 =	smul.u32 $0xF7A, s1;
	s8 =	simm.s32 @!p0 $0x1BF5;
	p2 =	por !p2, p0  }
0x20: {  	[sflag:s8] =	ssyncset.s32 @!p0 $0xFFFFF086;
	s6 =	sadd.s32 @!p0 s3, s7;
	s7 =	simm.s32 @!p0 $0x108  }
0x21: {  	s3 =	sadd.s32 s3, s9;
	s6 =	sadd.s32 @!p0 $0x88, s6;
	s7 =	simm.s32 @p2 $0x1082  }
0x22: {  	[simem:s7], [sflag:s8] =	dma.local @!p0 [hbm:s6], $0xF7A  }
0x23: {  	s9 =	sor.u32 $0xD0000000, s2;
	s6 =	simm.s32 $0x108;
	_ =	swait.ge @!p0 [sflag:s8], $0x0  }
0x24: {  	s3 =	sadd.s32 $0x88, s3;
	s6 =	simm.s32 @!p1 $0x1082;
	[sflag:s4] =	ssyncset.s32 $0xFFFFF086  }
0x25: {  	[simem:s6], [sflag:s4] =	dma.local [hbm:s3], $0xF7A  }
0x26: {  	[smem:$0x3F99] =	sst s1;
	(tag) =	ssettag s2;
	_ =	strace s9  }
0x27: {  	s1 =	sld [smem:$0x3FA9]  }
0x28: {  	s2 =	sld [smem:$0x3FAA]  }
0x29: {  	s4 =	sld [smem:$0x3FAC]  }
0x2a: {  	p0 =	seq.s32 s5, $0x0;
	s5 =	sld [smem:$0x3FAD]  }
0x2b: {  	s6 =	sld [smem:$0x3FAE]  }
0x2c: {  	s7 =	sld [smem:$0x3FAF]  }
0x2d: {  	s3 =	simm.s32 $0x108;
	s8 =	sld [smem:$0x3FB0]  }
0x2e: {  	s3 =	simm.s32 @!p0 $0x1082;
	s9 =	sld [smem:$0x3FB1]  }
0x2f: {  	lr =	sadd.s32 s0, s3;
	s0 =	sld [smem:$0x3FA8]  }
0x30: {  	s3 =	sld [smem:$0x3FAB]  }
0x31: {  	[smem:$0x3FB4] =	sst s10  }
0x32: {  	s10 =	sld [smem:$0x3FB2];
	_ =	sdelay $0x3  }
0x33: {  	p0 =	seq.s32 s10, $0x1;
	s10 =	sld [smem:$0x3FB4];
	_ =	sdelay $0x3  }
0x34: {  	[smem:$0x3FB4] =	sst s10  }
0x35: {  	s10 =	sld [smem:$0x3FB3];
	_ =	sdelay $0x3  }
0x36: {  	p1 =	seq.s32 s10, $0x1;
	s10 =	sld [smem:$0x3FB4];
	_ =	sdelay $0x3  }
0x37: {  	[smem:$0x3FB4] =	sst s10  }
0x38: {  	s10 =	sld [smem:$0x3FB5]  }
0x39: {  	_ = 	snop;
	(pc) =	sbr.ind lr, $3  }
0x3a: {  	_ = 	snop  }
0x3b: {  	_ = 	snop  }
0x3c: {  	p2 =	seq.s32 s10, $0x1;
	s10 =	sld [smem:$0x3FB4]  }
0x3d: {  	_ =	shalt  }
0x3e: {  	_ =	shalt  }
0x3f: {  	_ =	shalt  }
0x40: {  	_ =	shalt  }
0x41: {  	_ =	shalt  }
0x42: {  	_ =	shalt  }
0x43: {  	_ =	shalt  }
0x44: {  	_ =	shalt  }
0x45: {  	_ =	shalt  }
0x46: {  	_ =	shalt  }
0x47: {  	_ =	shalt  }
0x48: {  	_ =	shalt  }
0x49: {  	_ =	shalt  }
0x4a: {  	_ =	shalt  }
0x4b: {  	_ =	shalt  }
0x4c: {  	_ =	shalt  }
0x4d: {  	_ =	shalt  }
0x4e: {  	_ =	shalt  }
0x4f: {  	_ =	shalt  }
0x50: {  	_ =	shalt  }
0x51: {  	_ =	shalt  }
0x52: {  	_ =	shalt  }
0x53: {  	_ =	shalt  }
0x54: {  	_ =	shalt  }
0x55: {  	_ =	shalt  }
0x56: {  	_ =	shalt  }
0x57: {  	_ =	shalt  }
0x58: {  	_ =	shalt  }
0x59: {  	_ =	shalt  }
0x5a: {  	_ =	shalt  }
0x5b: {  	_ =	shalt  }
0x5c: {  	_ =	shalt  }
0x5d: {  	_ =	shalt  }
0x5e: {  	_ =	shalt  }
0x5f: {  	_ =	shalt  }
0x60: {  	_ =	shalt  }
0x61: {  	_ =	shalt  }
0x62: {  	_ =	shalt  }
0x63: {  	_ =	shalt  }
0x64: {  	_ =	shalt  }
0x65: {  	_ =	shalt  }
0x66: {  	_ =	shalt  }
0x67: {  	_ =	shalt  }
0x68: {  	_ =	shalt  }
0x69: {  	_ =	shalt  }
0x6a: {  	_ =	shalt  }
0x6b: {  	_ =	shalt  }
0x6c: {  	_ =	shalt  }
0x6d: {  	_ =	shalt  }
0x6e: {  	_ =	shalt  }
0x6f: {  	_ =	shalt  }
0x70: {  	_ =	shalt  }
0x71: {  	_ =	shalt  }
0x72: {  	_ =	shalt  }
0x73: {  	_ =	shalt  }
0x74: {  	_ =	shalt  }
0x75: {  	_ =	shalt  }
0x76: {  	_ =	shalt  }
0x77: {  	_ =	shalt  }
0x78: {  	_ =	shalt  }
0x79: {  	_ =	shalt  }
0x7a: {  	_ =	shalt  }
0x7b: {  	_ =	shalt  }
0x7c: {  	_ =	shalt  }
0x7d: {  	_ =	shalt  }
0x7e: {  	_ =	shalt  }
0x7f: {  	_ =	shalt  }
0x80: {  	_ =	shalt  }
0x81: {  	_ =	shalt  }
0x82: {  	_ =	shalt  }
0x83: {  	_ =	shalt  }
0x84: {  	_ =	shalt  }
0x85: {  	_ =	shalt  }
0x86: {  	_ =	shalt  }
0x87: {  	_ =	shalt  }
.Lfunc_end0:
.L_simem_size_0:
called_computation.2_lowered:
.L_overlay_start_0:
0x88: {  	s2 =	sld [smem:$0x3FD9]  }
0x89: {  	s3 =	sld [smem:$0x3FFE];
	_ =	sdelay $0x1  }
0x8a: {  	s1 =	srdreg.scid  }
0x8b: {  	s0 =	sand.u32 $0x1, s1  }
0x8c: {  	s16 =	sshll.u32 s0, $0xA;
	s2 =	sadd.s32 s3, s2  }
0x8d: {  	s2 =	sadd.s32 s2, s16  }
0x8e: {  	[smem:$0x3FC0] =	sst s2  }
0x8f: {  	_ = 	snop  }
0x90: {  	(tm) =	ssettm $0x1  }
0x91: {  	s17 =	sld [smem:$0x3FFB];
	_ =	sdelay $0x3  }
0x92: {  	_ =	strace s17  }
0x93: {  	s2 =	sld [smem:$0x3FFC];
	_ =	sdelay $0x3  }
0x94: {  	_ =	strace s2  }
0x95: {  	s2 =	sld [smem:$0x3FFD];
	_ =	sdelay $0x3  }
0x96: {  	_ =	strace s2  }
0x97: {  	_ =	strace $0x8FFFFFFF  }
0x98: {  	s18 =	sld [smem:$0x3FDB];
	_ =	sdelay $0x1  }
0x99: {  	s19 =	simm.s32 $_scs_section_size  }
0x9a: {  	s4 =	simm.s32 $_size__tile_overlayer_lowered;
	s5 =	simm.s32 $_tile_overlayer_lowered  }
0x9b: {  	s22 =	simm.s32 $0x1BFF;
	s21 =	sshll.u32 s5, $0x1;
	s2 =	sadd.s32 s19, s18  }
0x9c: {  	s6 =	simm.s32 $0x0;
	s20 =	sshll.u32 s4, $0x1;
	s4 =	sadd.s32 s21, s2  }
0x9d: {  	[timem:s6], [sflag:s22] =	dma.local [hbm:s4], s20  }
0x9e: {  	_ =	swait.ge [sflag:s22], s20  }
0x9f: {  	s3 =	ssub.s32 $0x0, s20;
	[sflag:s22] =	ssyncset.done $0x0  }
0xa0: {  	[sflag:s22] =	ssyncadd.s32 s3;
	_ =	sdelay $0x1  }
0xa1: {  	s23 =	simm.s32 $0x1B8B  }
0xa2: {  	_ =	swait.ge [sflag:s23], $0x1  }
0xa3: {  	[sflag:s23] =	ssyncset.done $0x0  }
0xa4: {  	s25 =	simm.s32 $0x1B8E;
	s24 =	sld [smem:$0x3FFE];
	[sflag:s23] =	ssyncadd.s32 $0xFFFFFFFF  }
0xa5: {  	s26 =	simm.s32 $execute0_lowered;
	[smem:$0x3FD2] =	sst s25  }
0xa6: {  	s4 =	sshll.u32 s26, $0x1;
	_ =	strace $0x8000004C;
	[dreg:$0x1] =	wrdreg $0xFFFFFFFF  }
0xa7: {  	s28 =	simm.s32 $_size_execute0_lowered;
	s2 =	sadd.s32 s2, s4;
	[dreg:$0x0] =	wrdreg $0x0  }
0xa8: {  	s4 =	sshll.u32 s28, $0x1;
	[dreg:$0x2] =	wrdreg s2  }
0xa9: {  	[dreg:$0x3] =	wrdreg s4  }
0xaa: {  	[dreg:$0x4] =	wrdreg $0xC0  }
0xab: {  	_ =	task [dreg:s6], $0x5FFFF  }
0xac: {  	[dreg:$0x1] =	wrdreg $0xFFFFFFFF  }
0xad: {  	[dreg:$0x0] =	wrdreg $0x60  }
0xae: {  	[dreg:$0x2] =	wrdreg s24  }
0xaf: {  	[dreg:$0x3] =	wrdreg $0xB7000  }
0xb0: {  	[dreg:$0x4] =	wrdreg $0x9  }
0xb1: {  	_ =	task.clear_ibuf [dreg:s6], $0x5FFFF;
	_ =	strace $0x9000004C  }
0xb2: {  	s29 =	simm.s32 $0x9;
	_ =	strace $0x8000004E  }
0xb3: {  	_ =	swait.ge [sflag:s29], $0x1  }
0xb4: {  	[sflag:s29] =	ssyncadd.s32 $0xFFFFFFFF  }
0xb5: {  	_ =	strace $0x9000004E  }
0xb6: {  	_ =	sfence  }
0xb7: {  	s30 =	sld [smem:$0x0];
	_ =	sdelay $0x2  }
0xb8: {  	s31 =	sshll.u32 s1, $0xD;
	s1 =	sshrl.u32 s1, $0x2  }
0xb9: {  	s3 =	sand.u32 $0x4000, s31;
	s1 =	sadd.s32 s1, s30  }
0xba: {  	s0 =	sor.u32 s3, s0;
	s1 =	sshll.u32 s1, $0x11  }
0xbb: {  	s0 =	sor.u32 s1, s0  }
0xbc: {  	s0 =	sadd.s32 $0x8F2B, s0  }
0xbd: {  	[sflag:s0] =	ssyncadd.remote.s32 $0x1  }
0xbe: {  	_ =	sfence.sel $0xFFFF  }
0xbf: {  	[dreg:$0x0] =	wrdreg $0xFFFFFFFF;
	(pc) =	sbr.abs _section_cstart, $3  }
0xc0: {  	[dreg:$0x1] =	wrdreg $0xFFFFFFFF  }
0xc1: {  	_ =	task.clear_ibuf [dreg:s6], $0x2FFFF;
	_ =	strace $0x9FFFFFFF  }
0xc2: {  	(tm) =	ssettm $0x7FFFFFFF  }
0xc3: {  	_ =	shalt  }
tec
execute0_lowered:
.L_overlay_start_1:
0x0: {  	(tag) =	ssettag $0x1  }
0x1: {  	s5 =	rddreg [dreg:$0x0]  }
0x2: {  	s1 =	rddreg [dreg:$0x1]  }
0x3: {  	s0 =	rddreg [dreg:$0x2];
	s3 =	simm.s32 $0x0  }
0x4: {  	s4 =	srdreg.scid;
	s2 =	stileid.u32;
	s14 =	simm.s32 $0x100  }
0x5: {  	s15 =	simm.s32 $0x3F00;
	s16 =	simm.s32 $0x200;
	s17 =	simm.s32 $0x7B00  }
0x6: {  	s18 =	simm.s32 $0x1;
	s19 =	simm.s32 $0x80;
	s20 =	simm.s32 $0x2  }
0x7: {  	s21 =	simm.s32 $0x180;
	s22 =	simm.s32 $0x3;
	s23 =	simm.s32 $0x280  }
0x8: {  	s24 =	simm.s32 $0x0;
	[smem:$0x7FF] =	sst s3;
	s7 =	smul.u32 $0x2800, s2  }
0x9: {  	s6 =	sand.u32 $0x1, s4;
	s10 =	smul.u32 $0x50000, s2;
	s4 =	sadd.s32 $0x24600, s5  }
0xa: {  	s30 =	sshll.u32 s2, $0x6;
	s13 =	sshll.u32 s2, $0x5;
	_ =	strace $0x8000004D  }
0xb: {  	s8 =	sshll.u32 s6, $0x9;
	s9 =	ssub.s32 $0x2, s6;
	p0 =	seq.s32 s6, $0x1  }
0xc: {  	s6 =	sor.u32 $0x1C04, s30;
	s8 =	sadd.s32 s8, s5;
	s11 =	sshrl.u32 s9, $0x1  }
0xd: {  	s12 =	sadd.s32 s7, s5;
	s29 =	sshrl.u32 s10, $0x2;
	s28 =	ssub.s32 s9, s11  }
0xe: {  	s10 =	sadd.s32 s29, s1;
	s5 =	sadd.s32 $0x4B800, s12;
	s11 =	simm.s32 $0x9B800  }
0xf: {  	s31 =	sadd.s32 s13, s8;
	s13 =	simm.s32 $0x300;
	s11 =	simm.s32 @!p0 $0x73800  }
0x10: {  	s7 =	smax.u32 s28, $0x1;
	s9 =	sadd.s32 $0xF600, s31;
	s10 =	sshrl.u32 s10, $0x3  }
0x11: {  	s8 =	sadd.s32 s11, s12;
	s11 =	simm.s32 $0x4;
	s12 =	simm.s32 $0x78  }
.LBB2_1:
0x12: {  	[spmem:s10], [sflag:s6] =	dma.local [hbm:s5], $0x2800  }
0x13: {  	_ =	swait.ge [sflag:s11], $0x2800  }
0x14: {  	[sflag:s11] =	ssyncset.done $0x0  }
0x15: {  	[sflag:s11] =	ssyncadd.s32 $0xFFFFD800  }
0x16: {  	s25 =	sadd.s32 $0x0, s9;
	[bflag:$0x0] =	sbarrier.arrive $0xFFFF  }
0x17: {  	[tilespmem:s3], [sflag:$0x4] =	stream.linear.gather [hbm4b:s25+s3], $0x100, $0x38;
	[tilespmem:$0x1F740] =	vst v63  }
0x18: {  	_ =	swait.ge [sflag:s11], $0x100  }
0x19: {  	[sflag:s11] =	ssyncset.done $0x0  }
0x1a: {  	[sflag:s11] =	ssyncadd.s32 $0xFFFFFF00  }
0x1b: {  	[tilespmem:s13], [sflag:$0x1] =	stream.indirect.gather [hbm4b:s4+s12], $0x80, s3, s12, $0xb8;
	[tilespmem:$0x1F740] =	vst v63  }
0x1c: {  	s26 =	sadd.s32 $0x400, s25  }
0x1d: {  	[tilespmem:s14], [sflag:$0x4] =	stream.linear.gather [hbm4b:s26+s3], $0x100, $0x38;
	[tilespmem:$0x1F740] =	vst v63  }
0x1e: {  	_ =	swait.ge [sflag:s11], $0x100  }
0x1f: {  	[sflag:s11] =	ssyncset.done $0x0  }
0x20: {  	[sflag:s11] =	ssyncadd.s32 $0xFFFFFF00  }
0x21: {  	[tilespmem:s15], [sflag:$0x2] =	stream.indirect.gather [hbm4b:s4+s12], $0x80, s14, s12, $0xb8;
	[tilespmem:$0x1F740] =	vst v63  }
0x22: {  	s25 =	sadd.s32 $0x800, s25  }
0x23: {  	[tilespmem:s16], [sflag:$0x4] =	stream.linear.gather [hbm4b:s25+s3], $0x100, $0x38;
	[tilespmem:$0x1F740] =	vst v63  }
0x24: {  	_ =	swait.ge [sflag:s11], $0x100  }
0x25: {  	[sflag:s11] =	ssyncset.done $0x0  }
0x26: {  	[sflag:s11] =	ssyncadd.s32 $0xFFFFFF00  }
0x27: {  	[tilespmem:s17], [sflag:$0x3] =	stream.indirect.gather [hbm4b:s4+s12], $0x80, s16, s12, $0xb8;
	[tilespmem:$0x1F740] =	vst v63  }
0x28: {  	_ =	swait.ge [sflag:s18], $0x3C00  }
0x29: {  	[sflag:s18] =	ssyncset.done $0x0  }
0x2a: {  	[sflag:s18] =	ssyncadd.s32 $0xFFFFC400  }
0x2b: {  	[spmem:s1] =	stream.indirect.scatter.add.f32 [tilespmem:s13], [sflag:$0x4], $0x80, s19, s12, $0xb8;
	[tilespmem:$0x1F740] =	vst v63  }
0x2c: {  	_ =	swait.ge [sflag:s11], $0x3C00  }
0x2d: {  	[sflag:s11] =	ssyncset.done $0x0  }
0x2e: {  	[sflag:s11] =	ssyncadd.s32 $0xFFFFC400  }
0x2f: {  	_ =	swait.ge [sflag:s20], $0x3C00  }
0x30: {  	[sflag:s20] =	ssyncset.done $0x0  }
0x31: {  	[sflag:s20] =	ssyncadd.s32 $0xFFFFC400  }
0x32: {  	[spmem:s1] =	stream.indirect.scatter.add.f32 [tilespmem:s15], [sflag:$0x4], $0x80, s21, s12, $0xb8;
	[tilespmem:$0x1F740] =	vst v63  }
0x33: {  	_ =	swait.ge [sflag:s11], $0x3C00  }
0x34: {  	[sflag:s11] =	ssyncset.done $0x0  }
0x35: {  	[sflag:s11] =	ssyncadd.s32 $0xFFFFC400  }
0x36: {  	_ =	swait.ge [sflag:s22], $0x3C00  }
0x37: {  	[sflag:s22] =	ssyncset.done $0x0  }
0x38: {  	[sflag:s22] =	ssyncadd.s32 $0xFFFFC400  }
0x39: {  	[spmem:s1] =	stream.indirect.scatter.add.f32 [tilespmem:s17], [sflag:$0x4], $0x80, s23, s12, $0xb8;
	[tilespmem:$0x1F740] =	vst v63  }
0x3a: {  	_ =	swait.ge [sflag:s11], $0x3C00  }
0x3b: {  	s28 =	simm.s32 $0x1800;
	s25 =	simm.s32 $0xC00;
	[sflag:s11] =	ssyncset.done $0x0  }
.LBB2_2:
0x3c: {  	s29 =	sadd.s32 s25, s9  }
0x3d: {  	[sflag:s11] =	ssyncadd.s32 $0xFFFFC400;
	s25 =	smov.u32 s28;
	s26 =	sadd.s32 $0xC00, s28  }
0x3e: {  	[tilespmem:s3], [sflag:$0x4] =	stream.linear.gather [hbm4b:s29+s3], $0x100, $0x38;
	[tilespmem:$0x1F740] =	vst v63  }
0x3f: {  	p0 =	sne.s32 s28, $0x14400;
	_ =	swait.ge [sflag:s11], $0x100  }
0x40: {  	[sflag:s11] =	ssyncset.done $0x0  }
0x41: {  	[sflag:s11] =	ssyncadd.s32 $0xFFFFFF00  }
0x42: {  	[tilespmem:s13], [sflag:$0x1] =	stream.indirect.gather [hbm4b:s4+s12], $0x80, s3, s12, $0xb8;
	[tilespmem:$0x1F740] =	vst v63  }
0x43: {  	s28 =	sadd.s32 $0x400, s29  }
0x44: {  	[tilespmem:s14], [sflag:$0x4] =	stream.linear.gather [hbm4b:s28+s3], $0x100, $0x38;
	[tilespmem:$0x1F740] =	vst v63  }
0x45: {  	_ =	swait.ge [sflag:s11], $0x100  }
0x46: {  	[sflag:s11] =	ssyncset.done $0x0  }
0x47: {  	[sflag:s11] =	ssyncadd.s32 $0xFFFFFF00  }
0x48: {  	[tilespmem:s15], [sflag:$0x2] =	stream.indirect.gather [hbm4b:s4+s12], $0x80, s14, s12, $0xb8;
	[tilespmem:$0x1F740] =	vst v63  }
0x49: {  	s28 =	sadd.s32 $0x800, s29  }
0x4a: {  	[tilespmem:s16], [sflag:$0x4] =	stream.linear.gather [hbm4b:s28+s3], $0x100, $0x38;
	[tilespmem:$0x1F740] =	vst v63  }
0x4b: {  	_ =	swait.ge [sflag:s11], $0x100  }
0x4c: {  	[sflag:s11] =	ssyncset.done $0x0  }
0x4d: {  	[sflag:s11] =	ssyncadd.s32 $0xFFFFFF00  }
0x4e: {  	[tilespmem:s17], [sflag:$0x3] =	stream.indirect.gather [hbm4b:s4+s12], $0x80, s16, s12, $0xb8;
	[tilespmem:$0x1F740] =	vst v63  }
0x4f: {  	_ =	swait.ge [sflag:s18], $0x3C00  }
0x50: {  	[sflag:s18] =	ssyncset.done $0x0  }
0x51: {  	[sflag:s18] =	ssyncadd.s32 $0xFFFFC400  }
0x52: {  	[spmem:s1] =	stream.indirect.scatter.add.f32 [tilespmem:s13], [sflag:$0x4], $0x80, s19, s12, $0xb8;
	[tilespmem:$0x1F740] =	vst v63  }
0x53: {  	_ =	swait.ge [sflag:s11], $0x3C00  }
0x54: {  	[sflag:s11] =	ssyncset.done $0x0  }
0x55: {  	[sflag:s11] =	ssyncadd.s32 $0xFFFFC400  }
0x56: {  	_ =	swait.ge [sflag:s20], $0x3C00  }
0x57: {  	[sflag:s20] =	ssyncset.done $0x0  }
0x58: {  	[sflag:s20] =	ssyncadd.s32 $0xFFFFC400  }
0x59: {  	[spmem:s1] =	stream.indirect.scatter.add.f32 [tilespmem:s15], [sflag:$0x4], $0x80, s21, s12, $0xb8;
	[tilespmem:$0x1F740] =	vst v63  }
0x5a: {  	_ =	swait.ge [sflag:s11], $0x3C00  }
0x5b: {  	[sflag:s11] =	ssyncset.done $0x0  }
0x5c: {  	[sflag:s11] =	ssyncadd.s32 $0xFFFFC400  }
0x5d: {  	_ =	swait.ge [sflag:s22], $0x3C00  }
.Ltmp0:
0x5e: {  	[sflag:s22] =	ssyncset.done $0x0;
	(pc) =	sbr.rel @p0 .LBB2_2-.Ltmp0, $4  }
0x5f: {  	[sflag:s22] =	ssyncadd.s32 $0xFFFFC400  }
0x60: {  	[spmem:s1] =	stream.indirect.scatter.add.f32 [tilespmem:s17], [sflag:$0x4], $0x80, s23, s12, $0xb8;
	[tilespmem:$0x1F740] =	vst v63  }
0x61: {  	_ =	swait.ge [sflag:s11], $0x3C00  }
0x62: {  	s28 =	smov.u32 s26;
	[sflag:s11] =	ssyncset.done $0x0  }
0x63: {  	s25 =	sadd.s32 s25, s9;
	[sflag:s11] =	ssyncadd.s32 $0xFFFFC400  }
0x64: {  	[tilespmem:s3], [sflag:$0x4] =	stream.linear.gather [hbm4b:s25+s3], $0x100, $0x38;
	[tilespmem:$0x1F740] =	vst v63  }
0x65: {  	_ =	swait.ge [sflag:s11], $0x100  }
0x66: {  	[sflag:s11] =	ssyncset.done $0x0  }
0x67: {  	[sflag:s11] =	ssyncadd.s32 $0xFFFFFF00  }
0x68: {  	[tilespmem:s13], [sflag:$0x1] =	stream.indirect.gather [hbm4b:s4+s12], $0x80, s3, s12, $0xb8;
	[tilespmem:$0x1F740] =	vst v63  }
0x69: {  	s26 =	sadd.s32 $0x400, s25  }
0x6a: {  	[tilespmem:s14], [sflag:$0x4] =	stream.linear.gather [hbm4b:s26+s3], $0x100, $0x38;
	[tilespmem:$0x1F740] =	vst v63  }
0x6b: {  	_ =	swait.ge [sflag:s11], $0x100  }
0x6c: {  	[sflag:s11] =	ssyncset.done $0x0  }
0x6d: {  	[sflag:s11] =	ssyncadd.s32 $0xFFFFFF00  }
0x6e: {  	[tilespmem:s15], [sflag:$0x2] =	stream.indirect.gather [hbm4b:s4+s12], $0x80, s14, s12, $0xb8;
	[tilespmem:$0x1F740] =	vst v63  }
0x6f: {  	s25 =	sadd.s32 $0x800, s25  }
0x70: {  	[tilespmem:s16], [sflag:$0x4] =	stream.linear.gather [hbm4b:s25+s3], $0x100, $0x38;
	[tilespmem:$0x1F740] =	vst v63  }
0x71: {  	_ =	swait.ge [sflag:s11], $0x100  }
0x72: {  	[sflag:s11] =	ssyncset.done $0x0  }
0x73: {  	[sflag:s11] =	ssyncadd.s32 $0xFFFFFF00  }
0x74: {  	[tilespmem:s17], [sflag:$0x3] =	stream.indirect.gather [hbm4b:s4+s12], $0x80, s16, s12, $0xb8;
	[tilespmem:$0x1F740] =	vst v63  }
0x75: {  	_ =	swait.ge [sflag:s18], $0x3C00  }
0x76: {  	[sflag:s18] =	ssyncset.done $0x0  }
0x77: {  	[sflag:s18] =	ssyncadd.s32 $0xFFFFC400  }
0x78: {  	[spmem:s1] =	stream.indirect.scatter.add.f32 [tilespmem:s13], [sflag:$0x4], $0x80, s19, s12, $0xb8;
	[tilespmem:$0x1F740] =	vst v63  }
0x79: {  	_ =	swait.ge [sflag:s11], $0x3C00  }
0x7a: {  	[sflag:s11] =	ssyncset.done $0x0  }
0x7b: {  	[sflag:s11] =	ssyncadd.s32 $0xFFFFC400  }
0x7c: {  	_ =	swait.ge [sflag:s20], $0x3C00  }
0x7d: {  	[sflag:s20] =	ssyncset.done $0x0  }
0x7e: {  	[sflag:s20] =	ssyncadd.s32 $0xFFFFC400  }
0x7f: {  	[spmem:s1] =	stream.indirect.scatter.add.f32 [tilespmem:s15], [sflag:$0x4], $0x80, s21, s12, $0xb8;
	[tilespmem:$0x1F740] =	vst v63  }
0x80: {  	_ =	swait.ge [sflag:s11], $0x3C00  }
0x81: {  	[sflag:s11] =	ssyncset.done $0x0  }
0x82: {  	[sflag:s11] =	ssyncadd.s32 $0xFFFFC400  }
0x83: {  	_ =	swait.ge [sflag:s22], $0x3C00  }
0x84: {  	[sflag:s22] =	ssyncset.done $0x0  }
0x85: {  	[sflag:s22] =	ssyncadd.s32 $0xFFFFC400  }
0x86: {  	[spmem:s1] =	stream.indirect.scatter.add.f32 [tilespmem:s17], [sflag:$0x4], $0x80, s23, s12, $0xb8;
	[tilespmem:$0x1F740] =	vst v63  }
0x87: {  	_ =	swait.ge [sflag:s11], $0x3C00  }
0x88: {  	s24 =	sadd.s32 $0x1, s24;
	[sflag:s11] =	ssyncset.done $0x0  }
0x89: {  	p0 =	sne.s32 s24, s7;
	[sflag:s11] =	ssyncadd.s32 $0xFFFFC400  }
.Ltmp1:
0x8a: {  	[bflag:$0x0] =	sbarrier.arrive $0xFFFF;
	(pc) =	sbr.rel @p0 .LBB2_1-.Ltmp1, $4  }
0x8b: {  	[hbm:s8], [sflag:s6] =	dma.local [spmem:s10], $0x2800  }
0x8c: {  	_ =	swait.ge [sflag:s11], $0x2800  }
0x8d: {  	[sflag:s11] =	ssyncset.done $0x0  }
0x8e: {  	[sflag:s11] =	ssyncadd.s32 $0xFFFFD800  }
0x8f: {  	_ =	sfence.sel $0x180000  }
0x90: {  	[bflag:$0x0] =	sbarrier.arrive $0xFFFF  }
0x91: {  	p0 =	sne.s32 s2, $0x0;
	_ =	strace $0x9000004D  }
0x92: {  	s0 =	sadd.s32 @!p0 $0x100000, s0;
	[bflag:$0x2] =	sbarrier.arrive $0xFFFF  }
0x93: {  	[sflag:s0] =	ssyncadd.tile.s32 @!p0 $0x1;
	_ =	shalt  }
.Lfunc_end2:
_tile_overlayer_lowered:
.L_overlay_start_2:
0x94: {  	(tag) =	ssettag $0x2  }
0x95: {  	s0 =	rddreg [dreg:$0x0];
	s2 =	stileid.u32  }
0x96: {  	s1 =	rddreg [dreg:$0x1];
	p0 =	sne.s32 s2, $0x0  }
0x97: {  	s3 =	rddreg [dreg:$0x2];
	[bflag:$0x3] =	sbarrier.arrive $0xFFFF;
	s2 =	simm.s32 @!p0 $0x1C04  }
0x98: {  	[timem:s3], [sflag:s2] =	dma.local @!p0 [hbm:s0], s1  }
0x99: {  	s0 =	simm.s32 @!p0 $0x4  }
0x9a: {  	_ =	swait.ge @!p0 [sflag:s0], s1  }
0x9b: {  	s1 =	ssub.s32 @!p0 $0x0, s1;
	[sflag:s0] =	ssyncset.done @!p0 $0x0  }
0x9c: {  	[sflag:s0] =	ssyncadd.s32 @!p0 s1  }
0x9d: {  	[bflag:$0x3] =	sbarrier.arrive $0xFFFF  }
0x9e: {  	_ =	shalt  }

// kernel: kernel.21.cloned.1.call-start
scs
__scs_entry_jumppad:
0x0: {  	(pc) =	sbr.rel $0x88, $3  }
0x1: {  	(tag) =	ssettag $0x0;
	lr =	simm.s32 $0x1  }
0x2: {  	[smem:$0x3F99] =	sst lr;
	_ =	strace $0xD0000000  }
0x3: {  	_ = 	snop  }
0x4: {  	_ = 	snop  }
0x5: {  	_ = 	snop  }
0x6: {  	_ = 	snop  }
0x7: {  	_ = 	snop  }
__scs_overlays_trampoline_lowered:
0x8: {  	[smem:$0x3FA8] =	sst s0  }
0x9: {  	[smem:$0x3FA9] =	sst s1  }
0xa: {  	[smem:$0x3FAA] =	sst s2  }
0xb: {  	[smem:$0x3FAB] =	sst s3  }
0xc: {  	[smem:$0x3FAC] =	sst s4  }
0xd: {  	[smem:$0x3FAD] =	sst s5  }
0xe: {  	[smem:$0x3FAE] =	sst s6  }
0xf: {  	[smem:$0x3FAF] =	sst s7  }
0x10: {  	[smem:$0x3FB0] =	sst s8  }
0x11: {  	[smem:$0x3FB1] =	sst s9;
	s0 =	simm.s32 @!p0 $0x0  }
0x12: {  	s1 =	sld [smem:$0x3F97];
	s0 =	simm.s32 @p0 $0x1  }
0x13: {  	[smem:$0x3FB2] =	sst s0;
	s0 =	simm.s32 @!p1 $0x0  }
0x14: {  	s2 =	sld [smem:$0x3F96];
	s0 =	simm.s32 @p1 $0x1  }
0x15: {  	[smem:$0x3FB3] =	sst s0;
	s0 =	simm.s32 @!p2 $0x0  }
0x16: {  	s3 =	sld [smem:$0x3FDB];
	s0 =	simm.s32 @p2 $0x1  }
0x17: {  	s4 =	simm.s32 $0x1BF5;
	[smem:$0x3FB5] =	sst s0  }
0x18: {  	s0 =	sld [smem:$0x3F98];
	_ =	swait.ge [sflag:s4], $0x0  }
0x19: {  	s7 =	sld [smem:$0x3F99]  }
0x1a: {  	s8 =	sadd.s32 $0xFFFFE003, lr  }
0x1b: {  	s9 =	sadd.s32 $0xFFFFFEF7, lr;
	s5 =	simm.s32 $0xFFFFFFFF;
	p2 =	slt.u32 s8, $0xFFFFF086  }
0x1c: {  	p1 =	slt.u32 s9, $0xF7A;
	s5 =	simm.s32 @!p2 $0x0  }
0x1d: {  	s5 =	simm.s32 @p1 $0x1;
	p0 =	seq.s32 s7, s2  }
0x1e: {  	s7 =	smul.u32 @!p0 $0xF7A, s2;
	p2 =	seq.s32 @!p0 s5, $0x0  }
0x1f: {  	s9 =	smul.u32 $0xF7A, s1;
	s8 =	simm.s32 @!p0 $0x1BF5;
	p2 =	por !p2, p0  }
0x20: {  	[sflag:s8] =	ssyncset.s32 @!p0 $0xFFFFF086;
	s6 =	sadd.s32 @!p0 s3, s7;
	s7 =	simm.s32 @!p0 $0x108  }
0x21: {  	s3 =	sadd.s32 s3, s9;
	s6 =	sadd.s32 @!p0 $0x88, s6;
	s7 =	simm.s32 @p2 $0x1082  }
0x22: {  	[simem:s7], [sflag:s8] =	dma.local @!p0 [hbm:s6], $0xF7A  }
0x23: {  	s9 =	sor.u32 $0xD0000000, s2;
	s6 =	simm.s32 $0x108;
	_ =	swait.ge @!p0 [sflag:s8], $0x0  }
0x24: {  	s3 =	sadd.s32 $0x88, s3;
	s6 =	simm.s32 @!p1 $0x1082;
	[sflag:s4] =	ssyncset.s32 $0xFFFFF086  }
0x25: {  	[simem:s6], [sflag:s4] =	dma.local [hbm:s3], $0xF7A  }
0x26: {  	[smem:$0x3F99] =	sst s1;
	(tag) =	ssettag s2;
	_ =	strace s9  }
0x27: {  	s1 =	sld [smem:$0x3FA9]  }
0x28: {  	s2 =	sld [smem:$0x3FAA]  }
0x29: {  	s4 =	sld [smem:$0x3FAC]  }
0x2a: {  	p0 =	seq.s32 s5, $0x0;
	s5 =	sld [smem:$0x3FAD]  }
0x2b: {  	s6 =	sld [smem:$0x3FAE]  }
0x2c: {  	s7 =	sld [smem:$0x3FAF]  }
0x2d: {  	s3 =	simm.s32 $0x108;
	s8 =	sld [smem:$0x3FB0]  }
0x2e: {  	s3 =	simm.s32 @!p0 $0x1082;
	s9 =	sld [smem:$0x3FB1]  }
0x2f: {  	lr =	sadd.s32 s0, s3;
	s0 =	sld [smem:$0x3FA8]  }
0x30: {  	s3 =	sld [smem:$0x3FAB]  }
0x31: {  	[smem:$0x3FB4] =	sst s10  }
0x32: {  	s10 =	sld [smem:$0x3FB2];
	_ =	sdelay $0x3  }
0x33: {  	p0 =	seq.s32 s10, $0x1;
	s10 =	sld [smem:$0x3FB4];
	_ =	sdelay $0x3  }
0x34: {  	[smem:$0x3FB4] =	sst s10  }
0x35: {  	s10 =	sld [smem:$0x3FB3];
	_ =	sdelay $0x3  }
0x36: {  	p1 =	seq.s32 s10, $0x1;
	s10 =	sld [smem:$0x3FB4];
	_ =	sdelay $0x3  }
0x37: {  	[smem:$0x3FB4] =	sst s10  }
0x38: {  	s10 =	sld [smem:$0x3FB5]  }
0x39: {  	_ = 	snop;
	(pc) =	sbr.ind lr, $3  }
0x3a: {  	_ = 	snop  }
0x3b: {  	_ = 	snop  }
0x3c: {  	p2 =	seq.s32 s10, $0x1;
	s10 =	sld [smem:$0x3FB4]  }
0x3d: {  	_ =	shalt  }
0x3e: {  	_ =	shalt  }
0x3f: {  	_ =	shalt  }
0x40: {  	_ =	shalt  }
0x41: {  	_ =	shalt  }
0x42: {  	_ =	shalt  }
0x43: {  	_ =	shalt  }
0x44: {  	_ =	shalt  }
0x45: {  	_ =	shalt  }
0x46: {  	_ =	shalt  }
0x47: {  	_ =	shalt  }
0x48: {  	_ =	shalt  }
0x49: {  	_ =	shalt  }
0x4a: {  	_ =	shalt  }
0x4b: {  	_ =	shalt  }
0x4c: {  	_ =	shalt  }
0x4d: {  	_ =	shalt  }
0x4e: {  	_ =	shalt  }
0x4f: {  	_ =	shalt  }
0x50: {  	_ =	shalt  }
0x51: {  	_ =	shalt  }
0x52: {  	_ =	shalt  }
0x53: {  	_ =	shalt  }
0x54: {  	_ =	shalt  }
0x55: {  	_ =	shalt  }
0x56: {  	_ =	shalt  }
0x57: {  	_ =	shalt  }
0x58: {  	_ =	shalt  }
0x59: {  	_ =	shalt  }
0x5a: {  	_ =	shalt  }
0x5b: {  	_ =	shalt  }
0x5c: {  	_ =	shalt  }
0x5d: {  	_ =	shalt  }
0x5e: {  	_ =	shalt  }
0x5f: {  	_ =	shalt  }
0x60: {  	_ =	shalt  }
0x61: {  	_ =	shalt  }
0x62: {  	_ =	shalt  }
0x63: {  	_ =	shalt  }
0x64: {  	_ =	shalt  }
0x65: {  	_ =	shalt  }
0x66: {  	_ =	shalt  }
0x67: {  	_ =	shalt  }
0x68: {  	_ =	shalt  }
0x69: {  	_ =	shalt  }
0x6a: {  	_ =	shalt  }
0x6b: {  	_ =	shalt  }
0x6c: {  	_ =	shalt  }
0x6d: {  	_ =	shalt  }
0x6e: {  	_ =	shalt  }
0x6f: {  	_ =	shalt  }
0x70: {  	_ =	shalt  }
0x71: {  	_ =	shalt  }
0x72: {  	_ =	shalt  }
0x73: {  	_ =	shalt  }
0x74: {  	_ =	shalt  }
0x75: {  	_ =	shalt  }
0x76: {  	_ =	shalt  }
0x77: {  	_ =	shalt  }
0x78: {  	_ =	shalt  }
0x79: {  	_ =	shalt  }
0x7a: {  	_ =	shalt  }
0x7b: {  	_ =	shalt  }
0x7c: {  	_ =	shalt  }
0x7d: {  	_ =	shalt  }
0x7e: {  	_ =	shalt  }
0x7f: {  	_ =	shalt  }
0x80: {  	_ =	shalt  }
0x81: {  	_ =	shalt  }
0x82: {  	_ =	shalt  }
0x83: {  	_ =	shalt  }
0x84: {  	_ =	shalt  }
0x85: {  	_ =	shalt  }
0x86: {  	_ =	shalt  }
0x87: {  	_ =	shalt  }
.Lfunc_end0:
.L_simem_size_0:
called_computation.3_lowered:
.L_overlay_start_0:
0x88: {  	s2 =	sld [smem:$0x3FD9]  }
0x89: {  	s3 =	sld [smem:$0x3FFE];
	_ =	sdelay $0x1  }
0x8a: {  	s1 =	srdreg.scid  }
0x8b: {  	s0 =	sand.u32 $0x1, s1  }
0x8c: {  	s16 =	sshll.u32 s0, $0xA;
	s2 =	sadd.s32 s3, s2  }
0x8d: {  	s2 =	sadd.s32 s2, s16  }
0x8e: {  	[smem:$0x3FC0] =	sst s2  }
0x8f: {  	_ = 	snop  }
0x90: {  	(tm) =	ssettm $0x1  }
0x91: {  	s17 =	sld [smem:$0x3FFB];
	_ =	sdelay $0x3  }
0x92: {  	_ =	strace s17  }
0x93: {  	s2 =	sld [smem:$0x3FFC];
	_ =	sdelay $0x3  }
0x94: {  	_ =	strace s2  }
0x95: {  	s2 =	sld [smem:$0x3FFD];
	_ =	sdelay $0x3  }
0x96: {  	_ =	strace s2  }
0x97: {  	_ =	strace $0x8FFFFFFF  }
0x98: {  	s18 =	sld [smem:$0x3FDB];
	_ =	sdelay $0x1  }
0x99: {  	s19 =	simm.s32 $_scs_section_size  }
0x9a: {  	s4 =	simm.s32 $_size__tile_overlayer_lowered;
	s5 =	simm.s32 $_tile_overlayer_lowered  }
0x9b: {  	s22 =	simm.s32 $0x1BFF;
	s21 =	sshll.u32 s5, $0x1;
	s2 =	sadd.s32 s19, s18  }
0x9c: {  	s6 =	simm.s32 $0x0;
	s20 =	sshll.u32 s4, $0x1;
	s4 =	sadd.s32 s21, s2  }
0x9d: {  	[timem:s6], [sflag:s22] =	dma.local [hbm:s4], s20  }
0x9e: {  	_ =	swait.ge [sflag:s22], s20  }
0x9f: {  	s3 =	ssub.s32 $0x0, s20;
	[sflag:s22] =	ssyncset.done $0x0  }
0xa0: {  	[sflag:s22] =	ssyncadd.s32 s3;
	_ =	sdelay $0x1  }
0xa1: {  	s23 =	simm.s32 $0x1B8B  }
0xa2: {  	_ =	swait.ge [sflag:s23], $0x1  }
0xa3: {  	[sflag:s23] =	ssyncset.done $0x0  }
0xa4: {  	s25 =	simm.s32 $0x1B8E;
	s24 =	sld [smem:$0x3FFE];
	[sflag:s23] =	ssyncadd.s32 $0xFFFFFFFF  }
0xa5: {  	s26 =	simm.s32 $execute0_lowered;
	[smem:$0x3FD2] =	sst s25  }
0xa6: {  	s4 =	sshll.u32 s26, $0x1;
	_ =	strace $0x8000004F;
	[dreg:$0x1] =	wrdreg $0xFFFFFFFF  }
0xa7: {  	s28 =	simm.s32 $_size_execute0_lowered;
	s2 =	sadd.s32 s2, s4;
	[dreg:$0x0] =	wrdreg $0x0  }
0xa8: {  	s4 =	sshll.u32 s28, $0x1;
	[dreg:$0x2] =	wrdreg s2  }
0xa9: {  	[dreg:$0x3] =	wrdreg s4  }
0xaa: {  	[dreg:$0x4] =	wrdreg $0xC0  }
0xab: {  	_ =	task [dreg:s6], $0x5FFFF  }
0xac: {  	[dreg:$0x1] =	wrdreg $0xFFFFFFFF  }
0xad: {  	[dreg:$0x0] =	wrdreg $0x60  }
0xae: {  	[dreg:$0x2] =	wrdreg s24  }
0xaf: {  	[dreg:$0x3] =	wrdreg $0xB7000  }
0xb0: {  	[dreg:$0x4] =	wrdreg $0x9  }
0xb1: {  	_ =	task.clear_ibuf [dreg:s6], $0x5FFFF;
	_ =	strace $0x9000004F  }
0xb2: {  	s29 =	simm.s32 $0x9;
	_ =	strace $0x80000051  }
0xb3: {  	_ =	swait.ge [sflag:s29], $0x1  }
0xb4: {  	[sflag:s29] =	ssyncadd.s32 $0xFFFFFFFF  }
0xb5: {  	_ =	strace $0x90000051  }
0xb6: {  	_ =	sfence  }
0xb7: {  	s30 =	sld [smem:$0x0];
	_ =	sdelay $0x2  }
0xb8: {  	s31 =	sshll.u32 s1, $0xD;
	s1 =	sshrl.u32 s1, $0x2  }
0xb9: {  	s3 =	sand.u32 $0x4000, s31;
	s1 =	sadd.s32 s1, s30  }
0xba: {  	s0 =	sor.u32 s3, s0;
	s1 =	sshll.u32 s1, $0x11  }
0xbb: {  	s0 =	sor.u32 s1, s0  }
0xbc: {  	s0 =	sadd.s32 $0x8F2B, s0  }
0xbd: {  	[sflag:s0] =	ssyncadd.remote.s32 $0x1  }
0xbe: {  	_ =	sfence.sel $0xFFFF  }
0xbf: {  	[dreg:$0x0] =	wrdreg $0xFFFFFFFF;
	(pc) =	sbr.abs _section_cstart, $3  }
0xc0: {  	[dreg:$0x1] =	wrdreg $0xFFFFFFFF  }
0xc1: {  	_ =	task.clear_ibuf [dreg:s6], $0x2FFFF;
	_ =	strace $0x9FFFFFFF  }
0xc2: {  	(tm) =	ssettm $0x7FFFFFFF  }
0xc3: {  	_ =	shalt  }
tec
execute0_lowered:
.L_overlay_start_1:
0x0: {  	(tag) =	ssettag $0x1  }
0x1: {  	s5 =	rddreg [dreg:$0x0]  }
0x2: {  	s1 =	rddreg [dreg:$0x1]  }
0x3: {  	s0 =	rddreg [dreg:$0x2];
	s3 =	simm.s32 $0x0  }
0x4: {  	s4 =	srdreg.scid;
	s2 =	stileid.u32;
	s14 =	simm.s32 $0x100  }
0x5: {  	s15 =	simm.s32 $0x3F00;
	s16 =	simm.s32 $0x200;
	s17 =	simm.s32 $0x7B00  }
0x6: {  	s18 =	simm.s32 $0x1;
	s19 =	simm.s32 $0x80;
	s20 =	simm.s32 $0x2  }
0x7: {  	s21 =	simm.s32 $0x180;
	s22 =	simm.s32 $0x3;
	s23 =	simm.s32 $0x280  }
0x8: {  	s24 =	simm.s32 $0x0;
	[smem:$0x7FF] =	sst s3;
	s7 =	smul.u32 $0x2800, s2  }
0x9: {  	s6 =	sand.u32 $0x1, s4;
	s10 =	smul.u32 $0x50000, s2;
	s4 =	sadd.s32 $0x24600, s5  }
0xa: {  	s30 =	sshll.u32 s2, $0x6;
	s13 =	sshll.u32 s2, $0x5;
	_ =	strace $0x80000050  }
0xb: {  	s8 =	sshll.u32 s6, $0x9;
	s9 =	ssub.s32 $0x2, s6;
	p0 =	seq.s32 s6, $0x1  }
0xc: {  	s6 =	sor.u32 $0x1C04, s30;
	s8 =	sadd.s32 s8, s5;
	s11 =	sshrl.u32 s9, $0x1  }
0xd: {  	s12 =	sadd.s32 s7, s5;
	s29 =	sshrl.u32 s10, $0x2;
	s28 =	ssub.s32 s9, s11  }
0xe: {  	s10 =	sadd.s32 s29, s1;
	s5 =	sadd.s32 $0x4B800, s12;
	s11 =	simm.s32 $0x9B800  }
0xf: {  	s31 =	sadd.s32 s13, s8;
	s13 =	simm.s32 $0x300;
	s11 =	simm.s32 @!p0 $0x73800  }
0x10: {  	s7 =	smax.u32 s28, $0x1;
	s9 =	sadd.s32 $0xF600, s31;
	s10 =	sshrl.u32 s10, $0x3  }
0x11: {  	s8 =	sadd.s32 s11, s12;
	s11 =	simm.s32 $0x4;
	s12 =	simm.s32 $0x78  }
.LBB2_1:
0x12: {  	[spmem:s10], [sflag:s6] =	dma.local [hbm:s5], $0x2800  }
0x13: {  	_ =	swait.ge [sflag:s11], $0x2800  }
0x14: {  	[sflag:s11] =	ssyncset.done $0x0  }
0x15: {  	[sflag:s11] =	ssyncadd.s32 $0xFFFFD800  }
0x16: {  	s25 =	sadd.s32 $0x0, s9;
	[bflag:$0x0] =	sbarrier.arrive $0xFFFF  }
0x17: {  	[tilespmem:s3], [sflag:$0x4] =	stream.linear.gather [hbm4b:s25+s3], $0x100, $0x38;
	[tilespmem:$0x1F740] =	vst v63  }
0x18: {  	_ =	swait.ge [sflag:s11], $0x100  }
0x19: {  	[sflag:s11] =	ssyncset.done $0x0  }
0x1a: {  	[sflag:s11] =	ssyncadd.s32 $0xFFFFFF00  }
0x1b: {  	[tilespmem:s13], [sflag:$0x1] =	stream.indirect.gather [hbm4b:s4+s12], $0x80, s3, s12, $0xb8;
	[tilespmem:$0x1F740] =	vst v63  }
0x1c: {  	s26 =	sadd.s32 $0x400, s25  }
0x1d: {  	[tilespmem:s14], [sflag:$0x4] =	stream.linear.gather [hbm4b:s26+s3], $0x100, $0x38;
	[tilespmem:$0x1F740] =	vst v63  }
0x1e: {  	_ =	swait.ge [sflag:s11], $0x100  }
0x1f: {  	[sflag:s11] =	ssyncset.done $0x0  }
0x20: {  	[sflag:s11] =	ssyncadd.s32 $0xFFFFFF00  }
0x21: {  	[tilespmem:s15], [sflag:$0x2] =	stream.indirect.gather [hbm4b:s4+s12], $0x80, s14, s12, $0xb8;
	[tilespmem:$0x1F740] =	vst v63  }
0x22: {  	s25 =	sadd.s32 $0x800, s25  }
0x23: {  	[tilespmem:s16], [sflag:$0x4] =	stream.linear.gather [hbm4b:s25+s3], $0x100, $0x38;
	[tilespmem:$0x1F740] =	vst v63  }
0x24: {  	_ =	swait.ge [sflag:s11], $0x100  }
0x25: {  	[sflag:s11] =	ssyncset.done $0x0  }
0x26: {  	[sflag:s11] =	ssyncadd.s32 $0xFFFFFF00  }
0x27: {  	[tilespmem:s17], [sflag:$0x3] =	stream.indirect.gather [hbm4b:s4+s12], $0x80, s16, s12, $0xb8;
	[tilespmem:$0x1F740] =	vst v63  }
0x28: {  	_ =	swait.ge [sflag:s18], $0x3C00  }
0x29: {  	[sflag:s18] =	ssyncset.done $0x0  }
0x2a: {  	[sflag:s18] =	ssyncadd.s32 $0xFFFFC400  }
0x2b: {  	[spmem:s1] =	stream.indirect.scatter.add.f32 [tilespmem:s13], [sflag:$0x4], $0x80, s19, s12, $0xb8;
	[tilespmem:$0x1F740] =	vst v63  }
0x2c: {  	_ =	swait.ge [sflag:s11], $0x3C00  }
0x2d: {  	[sflag:s11] =	ssyncset.done $0x0  }
0x2e: {  	[sflag:s11] =	ssyncadd.s32 $0xFFFFC400  }
0x2f: {  	_ =	swait.ge [sflag:s20], $0x3C00  }
0x30: {  	[sflag:s20] =	ssyncset.done $0x0  }
0x31: {  	[sflag:s20] =	ssyncadd.s32 $0xFFFFC400  }
0x32: {  	[spmem:s1] =	stream.indirect.scatter.add.f32 [tilespmem:s15], [sflag:$0x4], $0x80, s21, s12, $0xb8;
	[tilespmem:$0x1F740] =	vst v63  }
0x33: {  	_ =	swait.ge [sflag:s11], $0x3C00  }
0x34: {  	[sflag:s11] =	ssyncset.done $0x0  }
0x35: {  	[sflag:s11] =	ssyncadd.s32 $0xFFFFC400  }
0x36: {  	_ =	swait.ge [sflag:s22], $0x3C00  }
0x37: {  	[sflag:s22] =	ssyncset.done $0x0  }
0x38: {  	[sflag:s22] =	ssyncadd.s32 $0xFFFFC400  }
0x39: {  	[spmem:s1] =	stream.indirect.scatter.add.f32 [tilespmem:s17], [sflag:$0x4], $0x80, s23, s12, $0xb8;
	[tilespmem:$0x1F740] =	vst v63  }
0x3a: {  	_ =	swait.ge [sflag:s11], $0x3C00  }
0x3b: {  	s28 =	simm.s32 $0x1800;
	s25 =	simm.s32 $0xC00;
	[sflag:s11] =	ssyncset.done $0x0  }
.LBB2_2:
0x3c: {  	s29 =	sadd.s32 s25, s9  }
0x3d: {  	[sflag:s11] =	ssyncadd.s32 $0xFFFFC400;
	s25 =	smov.u32 s28;
	s26 =	sadd.s32 $0xC00, s28  }
0x3e: {  	[tilespmem:s3], [sflag:$0x4] =	stream.linear.gather [hbm4b:s29+s3], $0x100, $0x38;
	[tilespmem:$0x1F740] =	vst v63  }
0x3f: {  	p0 =	sne.s32 s28, $0x14400;
	_ =	swait.ge [sflag:s11], $0x100  }
0x40: {  	[sflag:s11] =	ssyncset.done $0x0  }
0x41: {  	[sflag:s11] =	ssyncadd.s32 $0xFFFFFF00  }
0x42: {  	[tilespmem:s13], [sflag:$0x1] =	stream.indirect.gather [hbm4b:s4+s12], $0x80, s3, s12, $0xb8;
	[tilespmem:$0x1F740] =	vst v63  }
0x43: {  	s28 =	sadd.s32 $0x400, s29  }
0x44: {  	[tilespmem:s14], [sflag:$0x4] =	stream.linear.gather [hbm4b:s28+s3], $0x100, $0x38;
	[tilespmem:$0x1F740] =	vst v63  }
0x45: {  	_ =	swait.ge [sflag:s11], $0x100  }
0x46: {  	[sflag:s11] =	ssyncset.done $0x0  }
0x47: {  	[sflag:s11] =	ssyncadd.s32 $0xFFFFFF00  }
0x48: {  	[tilespmem:s15], [sflag:$0x2] =	stream.indirect.gather [hbm4b:s4+s12], $0x80, s14, s12, $0xb8;
	[tilespmem:$0x1F740] =	vst v63  }
0x49: {  	s28 =	sadd.s32 $0x800, s29  }
0x4a: {  	[tilespmem:s16], [sflag:$0x4] =	stream.linear.gather [hbm4b:s28+s3], $0x100, $0x38;
	[tilespmem:$0x1F740] =	vst v63  }
0x4b: {  	_ =	swait.ge [sflag:s11], $0x100  }
0x4c: {  	[sflag:s11] =	ssyncset.done $0x0  }
0x4d: {  	[sflag:s11] =	ssyncadd.s32 $0xFFFFFF00  }
0x4e: {  	[tilespmem:s17], [sflag:$0x3] =	stream.indirect.gather [hbm4b:s4+s12], $0x80, s16, s12, $0xb8;
	[tilespmem:$0x1F740] =	vst v63  }
0x4f: {  	_ =	swait.ge [sflag:s18], $0x3C00  }
0x50: {  	[sflag:s18] =	ssyncset.done $0x0  }
0x51: {  	[sflag:s18] =	ssyncadd.s32 $0xFFFFC400  }
0x52: {  	[spmem:s1] =	stream.indirect.scatter.add.f32 [tilespmem:s13], [sflag:$0x4], $0x80, s19, s12, $0xb8;
	[tilespmem:$0x1F740] =	vst v63  }
0x53: {  	_ =	swait.ge [sflag:s11], $0x3C00  }
0x54: {  	[sflag:s11] =	ssyncset.done $0x0  }
0x55: {  	[sflag:s11] =	ssyncadd.s32 $0xFFFFC400  }
0x56: {  	_ =	swait.ge [sflag:s20], $0x3C00  }
0x57: {  	[sflag:s20] =	ssyncset.done $0x0  }
0x58: {  	[sflag:s20] =	ssyncadd.s32 $0xFFFFC400  }
0x59: {  	[spmem:s1] =	stream.indirect.scatter.add.f32 [tilespmem:s15], [sflag:$0x4], $0x80, s21, s12, $0xb8;
	[tilespmem:$0x1F740] =	vst v63  }
0x5a: {  	_ =	swait.ge [sflag:s11], $0x3C00  }
0x5b: {  	[sflag:s11] =	ssyncset.done $0x0  }
0x5c: {  	[sflag:s11] =	ssyncadd.s32 $0xFFFFC400  }
0x5d: {  	_ =	swait.ge [sflag:s22], $0x3C00  }
.Ltmp0:
0x5e: {  	[sflag:s22] =	ssyncset.done $0x0;
	(pc) =	sbr.rel @p0 .LBB2_2-.Ltmp0, $4  }
0x5f: {  	[sflag:s22] =	ssyncadd.s32 $0xFFFFC400  }
0x60: {  	[spmem:s1] =	stream.indirect.scatter.add.f32 [tilespmem:s17], [sflag:$0x4], $0x80, s23, s12, $0xb8;
	[tilespmem:$0x1F740] =	vst v63  }
0x61: {  	_ =	swait.ge [sflag:s11], $0x3C00  }
0x62: {  	s28 =	smov.u32 s26;
	[sflag:s11] =	ssyncset.done $0x0  }
0x63: {  	s25 =	sadd.s32 s25, s9;
	[sflag:s11] =	ssyncadd.s32 $0xFFFFC400  }
0x64: {  	[tilespmem:s3], [sflag:$0x4] =	stream.linear.gather [hbm4b:s25+s3], $0x100, $0x38;
	[tilespmem:$0x1F740] =	vst v63  }
0x65: {  	_ =	swait.ge [sflag:s11], $0x100  }
0x66: {  	[sflag:s11] =	ssyncset.done $0x0  }
0x67: {  	[sflag:s11] =	ssyncadd.s32 $0xFFFFFF00  }
0x68: {  	[tilespmem:s13], [sflag:$0x1] =	stream.indirect.gather [hbm4b:s4+s12], $0x80, s3, s12, $0xb8;
	[tilespmem:$0x1F740] =	vst v63  }
0x69: {  	s26 =	sadd.s32 $0x400, s25  }
0x6a: {  	[tilespmem:s14], [sflag:$0x4] =	stream.linear.gather [hbm4b:s26+s3], $0x100, $0x38;
	[tilespmem:$0x1F740] =	vst v63  }
0x6b: {  	_ =	swait.ge [sflag:s11], $0x100  }
0x6c: {  	[sflag:s11] =	ssyncset.done $0x0  }
0x6d: {  	[sflag:s11] =	ssyncadd.s32 $0xFFFFFF00  }
0x6e: {  	[tilespmem:s15], [sflag:$0x2] =	stream.indirect.gather [hbm4b:s4+s12], $0x80, s14, s12, $0xb8;
	[tilespmem:$0x1F740] =	vst v63  }
0x6f: {  	s25 =	sadd.s32 $0x800, s25  }
0x70: {  	[tilespmem:s16], [sflag:$0x4] =	stream.linear.gather [hbm4b:s25+s3], $0x100, $0x38;
	[tilespmem:$0x1F740] =	vst v63  }
0x71: {  	_ =	swait.ge [sflag:s11], $0x100  }
0x72: {  	[sflag:s11] =	ssyncset.done $0x0  }
0x73: {  	[sflag:s11] =	ssyncadd.s32 $0xFFFFFF00  }
0x74: {  	[tilespmem:s17], [sflag:$0x3] =	stream.indirect.gather [hbm4b:s4+s12], $0x80, s16, s12, $0xb8;
	[tilespmem:$0x1F740] =	vst v63  }
0x75: {  	_ =	swait.ge [sflag:s18], $0x3C00  }
0x76: {  	[sflag:s18] =	ssyncset.done $0x0  }
0x77: {  	[sflag:s18] =	ssyncadd.s32 $0xFFFFC400  }
0x78: {  	[spmem:s1] =	stream.indirect.scatter.add.f32 [tilespmem:s13], [sflag:$0x4], $0x80, s19, s12, $0xb8;
	[tilespmem:$0x1F740] =	vst v63  }
0x79: {  	_ =	swait.ge [sflag:s11], $0x3C00  }
0x7a: {  	[sflag:s11] =	ssyncset.done $0x0  }
0x7b: {  	[sflag:s11] =	ssyncadd.s32 $0xFFFFC400  }
0x7c: {  	_ =	swait.ge [sflag:s20], $0x3C00  }
0x7d: {  	[sflag:s20] =	ssyncset.done $0x0  }
0x7e: {  	[sflag:s20] =	ssyncadd.s32 $0xFFFFC400  }
0x7f: {  	[spmem:s1] =	stream.indirect.scatter.add.f32 [tilespmem:s15], [sflag:$0x4], $0x80, s21, s12, $0xb8;
	[tilespmem:$0x1F740] =	vst v63  }
0x80: {  	_ =	swait.ge [sflag:s11], $0x3C00  }
0x81: {  	[sflag:s11] =	ssyncset.done $0x0  }
0x82: {  	[sflag:s11] =	ssyncadd.s32 $0xFFFFC400  }
0x83: {  	_ =	swait.ge [sflag:s22], $0x3C00  }
0x84: {  	[sflag:s22] =	ssyncset.done $0x0  }
0x85: {  	[sflag:s22] =	ssyncadd.s32 $0xFFFFC400  }
0x86: {  	[spmem:s1] =	stream.indirect.scatter.add.f32 [tilespmem:s17], [sflag:$0x4], $0x80, s23, s12, $0xb8;
	[tilespmem:$0x1F740] =	vst v63  }
0x87: {  	_ =	swait.ge [sflag:s11], $0x3C00  }
0x88: {  	s24 =	sadd.s32 $0x1, s24;
	[sflag:s11] =	ssyncset.done $0x0  }
0x89: {  	p0 =	sne.s32 s24, s7;
	[sflag:s11] =	ssyncadd.s32 $0xFFFFC400  }
.Ltmp1:
0x8a: {  	[bflag:$0x0] =	sbarrier.arrive $0xFFFF;
	(pc) =	sbr.rel @p0 .LBB2_1-.Ltmp1, $4  }
0x8b: {  	[hbm:s8], [sflag:s6] =	dma.local [spmem:s10], $0x2800  }
0x8c: {  	_ =	swait.ge [sflag:s11], $0x2800  }
0x8d: {  	[sflag:s11] =	ssyncset.done $0x0  }
0x8e: {  	[sflag:s11] =	ssyncadd.s32 $0xFFFFD800  }
0x8f: {  	_ =	sfence.sel $0x180000  }
0x90: {  	[bflag:$0x0] =	sbarrier.arrive $0xFFFF  }
0x91: {  	p0 =	sne.s32 s2, $0x0;
	_ =	strace $0x90000050  }
0x92: {  	s0 =	sadd.s32 @!p0 $0x100000, s0;
	[bflag:$0x2] =	sbarrier.arrive $0xFFFF  }
0x93: {  	[sflag:s0] =	ssyncadd.tile.s32 @!p0 $0x1;
	_ =	shalt  }
.Lfunc_end2:
_tile_overlayer_lowered:
.L_overlay_start_2:
0x94: {  	(tag) =	ssettag $0x2  }
0x95: {  	s0 =	rddreg [dreg:$0x0];
	s2 =	stileid.u32  }
0x96: {  	s1 =	rddreg [dreg:$0x1];
	p0 =	sne.s32 s2, $0x0  }
0x97: {  	s3 =	rddreg [dreg:$0x2];
	[bflag:$0x3] =	sbarrier.arrive $0xFFFF;
	s2 =	simm.s32 @!p0 $0x1C04  }
0x98: {  	[timem:s3], [sflag:s2] =	dma.local @!p0 [hbm:s0], s1  }
0x99: {  	s0 =	simm.s32 @!p0 $0x4  }
0x9a: {  	_ =	swait.ge @!p0 [sflag:s0], s1  }
0x9b: {  	s1 =	ssub.s32 @!p0 $0x0, s1;
	[sflag:s0] =	ssyncset.done @!p0 $0x0  }
0x9c: {  	[sflag:s0] =	ssyncadd.s32 @!p0 s1  }
0x9d: {  	[bflag:$0x3] =	sbarrier.arrive $0xFFFF  }
0x9e: {  	_ =	shalt  }

</sc_bundles>
